<compile_context>
chip_gen: v7x
topology: tpu7x:2x2x1
jax: 0.10.2.dev20260603
libtpu: 0.0.44.dev20260713+nightly
codegen_flags: <defaults>
</compile_context>

<pallas_src>
import functools

import jax
import jax.numpy as jnp
from jax import lax
from jax.experimental import pallas as pl
from jax.experimental.pallas import tpu as pltpu
from jax.experimental.pallas import tpu_sc as plsc

N = 10000
E = 320000
D = 128

NC, NS, L = 2, 16, 16
TILES = NC * NS
NP = 10240
ROWS_PT = NP // NS
NR = NP // 128
CHUNK = 128
CH = 80
EP = TILES * CH * CHUNK
PAD_ROW = N

_mesh = plsc.VectorSubcoreMesh(
    core_axis_name="c", subcore_axis_name="s", num_cores=NC, num_subcores=NS)
_sc_params = pltpu.CompilerParams(needs_layout_passes=False)


@functools.partial(
    pl.kernel,
    out_type=jax.ShapeDtypeStruct((TILES * NP,), jnp.float32),
    mesh=_mesh,
    compiler_params=_sc_params,
    scratch_types=[
        pltpu.VMEM((CH, CHUNK), jnp.int32),
        pltpu.VMEM((NP,), jnp.float32),
    ],
)
def _sc_degree(dst_hbm, deg_out, idx_v, hist_v):
    cid = lax.axis_index("c")
    sid = lax.axis_index("s")
    wid = cid * NS + sid

    pltpu.sync_copy(dst_hbm.at[wid], idx_v)

    zeros16 = jnp.zeros((L,), jnp.float32)
    ones16 = jnp.ones((L,), jnp.float32)

    def _zero(i, _):
        hist_v[pl.ds(i * L, L)] = zeros16
        return _
    lax.fori_loop(0, NP // L, _zero, None)

    def _accum(j, _):
        for k in range(CHUNK // L):
            d = idx_v[j, pl.ds(k * L, L)]
            plsc.addupdate_scatter(hist_v, [d], ones16)
        return _
    lax.fori_loop(0, CH, _accum, None)

    pltpu.sync_copy(hist_v, deg_out.at[pl.ds(wid * NP, NP)])


GD = 8
NG = CH // GD


@functools.partial(
    pl.kernel,
    out_type=jax.ShapeDtypeStruct((NC * NP, D), jnp.float32),
    mesh=_mesh,
    compiler_params=_sc_params,
    scratch_types=[
        pltpu.VMEM((CH + 2, CHUNK), jnp.int32),
        pltpu.VMEM((GD, CHUNK), jnp.int32),
        pltpu.VMEM((CHUNK, D), jnp.float32),
        pltpu.VMEM((CHUNK, D), jnp.float32),
        pltpu.VMEM_SHARED((NP, D), jnp.float32),
        pltpu.SemaphoreType.DMA,
        pltpu.SemaphoreType.DMA,
    ],
)
def _sc_scatter(src_hbm, dst_hbm, y_hbm, z_out,
                isrc_v, idst_v, buf0, buf1, z_sh, sem0, sem1):
    cid = lax.axis_index("c")
    sid = lax.axis_index("s")
    wid = cid * NS + sid

    pltpu.sync_copy(src_hbm.at[wid], isrc_v.at[pl.ds(0, CH)])
    zeros16i = jnp.zeros((L,), jnp.int32)
    for k in range(CHUNK // L):
        isrc_v[CH, pl.ds(k * L, L)] = zeros16i
        isrc_v[CH + 1, pl.ds(k * L, L)] = zeros16i

    zeros16 = jnp.zeros((L,), jnp.float32)

    def _zero_row(r, _):
        for k in range(D // L):
            buf0[r, pl.ds(k * L, L)] = zeros16
        return _
    lax.fori_loop(0, CHUNK, _zero_row, None)
    for c in range(ROWS_PT // CHUNK):
        pltpu.sync_copy(buf0, z_sh.at[pl.ds(sid * ROWS_PT + c * CHUNK, CHUNK)])
    plsc.subcore_barrier()

    def _start(j, buf, sem):
        pltpu.async_copy(y_hbm.at[isrc_v.at[j]], buf, sem)

    def _wait(buf, sem):
        pltpu.make_async_copy(y_hbm.at[isrc_v.at[0]], buf, sem).wait()

    _start(0, buf0, sem0)
    _start(1, buf1, sem1)

    def _group(g, _):
        pltpu.sync_copy(dst_hbm.at[wid, pl.ds(g * GD, GD)], idst_v)
        for jj in range(GD):
            j = g * GD + jj
            buf, sem = (buf0, sem0) if jj % 2 == 0 else (buf1, sem1)
            _wait(buf, sem)
            pltpu.sync_copy(buf, z_sh.at[idst_v.at[jj]], add=True)
            _start(j + 2, buf, sem)
        return _
    lax.fori_loop(0, NG, _group, None)
    _wait(buf0, sem0)
    _wait(buf1, sem1)
    plsc.subcore_barrier()

    pltpu.sync_copy(z_sh.at[pl.ds(sid * ROWS_PT, ROWS_PT)],
                    z_out.at[pl.ds(cid * NP + sid * ROWS_PT, ROWS_PT)])


_RB = 512
_GRID = NP // _RB


def _tc_in_body(deg_ref, x_ref, w_ref, y_ref, dinv_ref):
    deg = jnp.sum(deg_ref[...], axis=1, keepdims=True) + 1.0
    dinv = lax.rsqrt(deg)
    y_ref[...] = dinv * jnp.dot(x_ref[...], w_ref[...],
                                preferred_element_type=jnp.float32)
    dinv_ref[...] = dinv


_tc_in = pl.pallas_call(
    _tc_in_body,
    grid=(_GRID,),
    in_specs=[
        pl.BlockSpec((_RB, TILES), lambda i: (i, 0)),
        pl.BlockSpec((_RB, D), lambda i: (i, 0)),
        pl.BlockSpec((D, D), lambda i: (0, 0)),
    ],
    out_specs=[
        pl.BlockSpec((_RB, D), lambda i: (i, 0)),
        pl.BlockSpec((_RB, 1), lambda i: (i, 0)),
    ],
    out_shape=[
        jax.ShapeDtypeStruct((NP, D), jnp.float32),
        jax.ShapeDtypeStruct((NP, 1), jnp.float32),
    ],
)


def _tc_mid_body(z_ref, y1_ref, dinv_ref, w_ref, b_ref, y2_ref):
    dinv = dinv_ref[...]
    s = z_ref[0] + z_ref[1] + y1_ref[...]
    h = jnp.maximum(dinv * s + b_ref[...], 0.0)
    y2_ref[...] = dinv * jnp.dot(h, w_ref[...],
                                 preferred_element_type=jnp.float32)


_tc_mid = pl.pallas_call(
    _tc_mid_body,
    grid=(_GRID,),
    in_specs=[
        pl.BlockSpec((2, _RB, D), lambda i: (0, i, 0)),
        pl.BlockSpec((_RB, D), lambda i: (i, 0)),
        pl.BlockSpec((_RB, 1), lambda i: (i, 0)),
        pl.BlockSpec((D, D), lambda i: (0, 0)),
        pl.BlockSpec((1, D), lambda i: (0, 0)),
    ],
    out_specs=pl.BlockSpec((_RB, D), lambda i: (i, 0)),
    out_shape=jax.ShapeDtypeStruct((NP, D), jnp.float32),
)


def _tc_out_body(z_ref, y2_ref, dinv_ref, b_ref, o_ref):
    s = z_ref[0] + z_ref[1] + y2_ref[...]
    o_ref[...] = dinv_ref[...] * s + b_ref[...]


_tc_out = pl.pallas_call(
    _tc_out_body,
    grid=(_GRID,),
    in_specs=[
        pl.BlockSpec((2, _RB, D), lambda i: (0, i, 0)),
        pl.BlockSpec((_RB, D), lambda i: (i, 0)),
        pl.BlockSpec((_RB, 1), lambda i: (i, 0)),
        pl.BlockSpec((1, D), lambda i: (0, 0)),
    ],
    out_specs=pl.BlockSpec((_RB, D), lambda i: (i, 0)),
    out_shape=jax.ShapeDtypeStruct((NP, D), jnp.float32),
)


def kernel(x, edge_index, W1, b1, W2, b2):
    ei = edge_index.astype(jnp.int32)
    pad = EP - E
    src = jnp.concatenate([ei[0], jnp.zeros((pad,), jnp.int32)])
    dst = jnp.concatenate([ei[1], jnp.full((pad,), PAD_ROW, jnp.int32)])
    src3 = src.reshape(TILES, CH, CHUNK)
    dst3 = dst.reshape(TILES, CH, CHUNK)
    x_pad = jnp.pad(x, ((0, NP - N), (0, 0)))

    deg2 = _sc_degree(dst3)
    deg_t = deg2.reshape(TILES, NP).T

    y1, dinv = _tc_in(deg_t, x_pad, W1)
    z1 = _sc_scatter(src3, dst3, y1).reshape(2, NP, D)
    y2 = _tc_mid(z1, y1, dinv, W2, b1.reshape(1, D))
    z2 = _sc_scatter(src3, dst3, y2).reshape(2, NP, D)
    out = _tc_out(z2, y2, dinv, b2.reshape(1, D))
    return out[:N]

# --- scband reference (transcript-rebuilt; emitter-appended) ---
"""Pipeline reference for scband-water-gnn-7361573945453 (READ-ONLY COPY).

The authoritative reference and input builder live on the scoring server;
editing this copy changes nothing except your own understanding.
"""

import jax, jax.numpy as jnp
import numpy as np

N = 10000
E = 320000
D_IN = 128
D_HID = 128
D_OUT = 128


def _gcn_conv(x, edge_index, W, b):
    num_nodes = x.shape[0]
    src = edge_index[0]
    dst = edge_index[1]
    # add self loops (PyG GCNConv default add_self_loops=True)
    loop = jnp.arange(num_nodes, dtype=src.dtype)
    src = jnp.concatenate([src, loop])
    dst = jnp.concatenate([dst, loop])
    # symmetric normalization D^{-1/2} A_hat D^{-1/2}
    ones = jnp.ones(src.shape[0], dtype=x.dtype)
    deg = jnp.zeros(num_nodes, dtype=x.dtype).at[dst].add(ones)
    deg_inv_sqrt = jnp.where(deg > 0, jax.lax.rsqrt(jnp.maximum(deg, 1e-12)), 0.0)
    norm = deg_inv_sqrt[src] * deg_inv_sqrt[dst]
    # linear transform then message passing (gather -> scale -> scatter-add)
    xw = x @ W
    msg = xw[src] * norm[:, None]
    out = jnp.zeros((num_nodes, W.shape[1]), dtype=x.dtype).at[dst].add(msg)
    return out + b


def setup_inputs(seed: int = 0) -> dict:
    key = jax.random.key(seed)
    k1, k2, k3, k4 = jax.random.split(key, 4)
    x = jax.random.normal(k1, (N, D_IN), dtype=jnp.float32)
    edge_index = jax.random.randint(k2, (2, E), 0, N)
    W1 = jax.random.normal(k3, (D_IN, D_HID), dtype=jnp.float32) * (1.0 / np.sqrt(D_IN))
    b1 = jnp.zeros((D_HID,), dtype=jnp.float32)
    W2 = jax.random.normal(k4, (D_HID, D_OUT), dtype=jnp.float32) * (1.0 / np.sqrt(D_HID))
    b2 = jnp.zeros((D_OUT,), dtype=jnp.float32)
    return {"x": x, "edge_index": edge_index, "W1": W1, "b1": b1, "W2": W2, "b2": b2}


def reference(x, edge_index, W1, b1, W2, b2):
    h = _gcn_conv(x, edge_index, W1, b1)
    h = jax.nn.relu(h)
    out = _gcn_conv(h, edge_index, W2, b2)
    return out

if __name__ == "__main__":
    import jax
    _d = setup_inputs()
    print(jax.jit(kernel)(*tuple(_d.values())))

</pallas_src>

<mosaic_0001>
#map = affine_map<(d0, d1) -> (0, 0, 0)>
#map1 = affine_map<(d0, d1) -> (0, 0)>
module attributes {stable_mosaic.version = 14 : i64} {
  func.func @_sc_scatter(%arg0: i32, %arg1: i32, %arg2: memref<32x80x128xi32, #tpu.memory_space<hbm>>, %arg3: memref<32x80x128xi32, #tpu.memory_space<hbm>>, %arg4: memref<10240x128xf32, #tpu.memory_space<hbm>>, %arg5: memref<20480x128xf32, #tpu.memory_space<hbm>>, %arg6: memref<82x128xi32, #tpu.memory_space<vmem>>, %arg7: memref<8x128xi32, #tpu.memory_space<vmem>>, %arg8: memref<128x128xf32, #tpu.memory_space<vmem>>, %arg9: memref<128x128xf32, #tpu.memory_space<vmem>>, %arg10: memref<10240x128xf32, #tpu.memory_space<vmem_shared>>, %arg11: memref<!tpu.dma_semaphore, #tpu.memory_space<semaphore_mem>>, %arg12: memref<!tpu.dma_semaphore, #tpu.memory_space<semaphore_mem>>) attributes {dimension_semantics = [#tpu.dimension_semantics<core_parallel>, #tpu.dimension_semantics<subcore_parallel>], iteration_bounds = array<i64: 2, 16>, scalar_prefetch = 0 : i64, scratch_operands = 7 : i64, tpu.core_type = #tpu.core_type<sc_vector_subcore>, window_params = [{transform_indices = #map}, {transform_indices = #map}, {transform_indices = #map1}, {transform_indices = #map1}]} {
    %mul3A = arith.constant 16 : i32
    %mul3A_0 = arith.muli %arg0, %mul3A : i32
    %add3A = arith.addi %mul3A_0, %arg1 : i32
    "tpu.region"() ({
      %run_scoped3A = tpu.sem_alloc : memref<!tpu.dma_semaphore, #tpu.memory_space<semaphore_mem>>
      %dma_start3A_130 = arith.constant 0 : i32
      %dma_start3A_131 = arith.constant 0 : i32
      %dma_start3A_132 = tpu.memref_slice %arg6[%dma_start3A_130, %dma_start3A_131] : memref<82x128xi32, #tpu.memory_space<vmem>> -> memref<80x128xi32, #tpu.memory_space<vmem>>
      %dma_start3A_133 = arith.constant 0 : i32
      %dma_start3A_134 = arith.constant 0 : i32
      %dma_start3A_135 = tpu.memref_slice %arg2[%add3A, %dma_start3A_133, %dma_start3A_134] : memref<32x80x128xi32, #tpu.memory_space<hbm>> -> memref<1x80x128xi32, #tpu.memory_space<hbm>>
      %dma_start3A_136 = tpu.memref_squeeze %dma_start3A_135 : memref<1x80x128xi32, #tpu.memory_space<hbm>> -> memref<80x128xi32, #tpu.memory_space<hbm>>
      %dma_start3A_137 = arith.constant 0 : i32
      %dma_start3A_138 = arith.constant 0 : i32
      %dma_start3A_139 = tpu.memref_slice %arg6[%dma_start3A_137, %dma_start3A_138] : memref<82x128xi32, #tpu.memory_space<vmem>> -> memref<80x128xi32, #tpu.memory_space<vmem>>
      %dma_start3A_140 = arith.constant 0 : i32
      %dma_start3A_141 = arith.constant 0 : i32
      %dma_start3A_142 = tpu.memref_slice %arg2[%add3A, %dma_start3A_140, %dma_start3A_141] : memref<32x80x128xi32, #tpu.memory_space<hbm>> -> memref<1x80x128xi32, #tpu.memory_space<hbm>>
      %dma_start3A_143 = tpu.memref_squeeze %dma_start3A_142 : memref<1x80x128xi32, #tpu.memory_space<hbm>> -> memref<80x128xi32, #tpu.memory_space<hbm>>
      tpu.enqueue_dma source(%dma_start3A_143 : memref<80x128xi32, #tpu.memory_space<hbm>>) target(%dma_start3A_139 : memref<80x128xi32, #tpu.memory_space<vmem>>) target_semaphore(%run_scoped3A : memref<!tpu.dma_semaphore, #tpu.memory_space<semaphore_mem>>)
      %dma_wait3A_144 = arith.constant 0 : i32
      %dma_wait3A_145 = arith.constant 0 : i32
      %dma_wait3A_146 = tpu.memref_slice %arg6[%dma_wait3A_144, %dma_wait3A_145] : memref<82x128xi32, #tpu.memory_space<vmem>> -> memref<80x128xi32, #tpu.memory_space<vmem>>
      %dma_wait3A_147 = arith.constant 0 : i32
      %dma_wait3A_148 = arith.constant 0 : i32
      %dma_wait3A_149 = tpu.memref_slice %arg2[%add3A, %dma_wait3A_147, %dma_wait3A_148] : memref<32x80x128xi32, #tpu.memory_space<hbm>> -> memref<1x80x128xi32, #tpu.memory_space<hbm>>
      %dma_wait3A_150 = tpu.memref_squeeze %dma_wait3A_149 : memref<1x80x128xi32, #tpu.memory_space<hbm>> -> memref<80x128xi32, #tpu.memory_space<hbm>>
      %dma_wait3A_151 = arith.constant 0 : i32
      %dma_wait3A_152 = arith.constant 0 : i32
      %dma_wait3A_153 = tpu.memref_slice %arg6[%dma_wait3A_151, %dma_wait3A_152] : memref<82x128xi32, #tpu.memory_space<vmem>> -> memref<80x128xi32, #tpu.memory_space<vmem>>
      %dma_wait3A_154 = arith.constant 0 : i32
      %dma_wait3A_155 = arith.constant 0 : i32
      %dma_wait3A_156 = tpu.memref_slice %arg2[%add3A, %dma_wait3A_154, %dma_wait3A_155] : memref<32x80x128xi32, #tpu.memory_space<hbm>> -> memref<1x80x128xi32, #tpu.memory_space<hbm>>
      %dma_wait3A_157 = tpu.memref_squeeze %dma_wait3A_156 : memref<1x80x128xi32, #tpu.memory_space<hbm>> -> memref<80x128xi32, #tpu.memory_space<hbm>>
      tpu.wait_dma2 semaphore(%run_scoped3A : memref<!tpu.dma_semaphore, #tpu.memory_space<semaphore_mem>>) src(%dma_wait3A_157 : memref<80x128xi32, #tpu.memory_space<hbm>>) dst(%dma_wait3A_153 : memref<80x128xi32, #tpu.memory_space<vmem>>)
      tpu.yield
    }) : () -> ()
    %broadcast_in_dim3A = arith.constant 0 : i32
    %broadcast_in_dim3A_1 = vector.broadcast %broadcast_in_dim3A : i32 to vector<16xi32>
    %swap3A = arith.constant 80 : i32
    %swap3A_2 = arith.index_cast %swap3A : i32 to index
    %swap3A_3 = arith.constant 0 : index
    %swap3A_4 = tpu.vector_load %arg6[%swap3A_2, %swap3A_3] {strides = array<i32>} : memref<82x128xi32, #tpu.memory_space<vmem>>, vector<16xi32>,
    tpu.vector_store %arg6[%swap3A_2, %swap3A_3], %broadcast_in_dim3A_1 {strides = array<i32>} : memref<82x128xi32, #tpu.memory_space<vmem>>, vector<16xi32>,
    %swap3A_5 = arith.constant 81 : i32
    %swap3A_6 = arith.index_cast %swap3A_5 : i32 to index
    %swap3A_7 = arith.constant 0 : index
    %swap3A_8 = tpu.vector_load %arg6[%swap3A_6, %swap3A_7] {strides = array<i32>} : memref<82x128xi32, #tpu.memory_space<vmem>>, vector<16xi32>,
    tpu.vector_store %arg6[%swap3A_6, %swap3A_7], %broadcast_in_dim3A_1 {strides = array<i32>} : memref<82x128xi32, #tpu.memory_space<vmem>>, vector<16xi32>,
    %swap3A_9 = arith.constant 80 : i32
    %swap3A_10 = arith.index_cast %swap3A_9 : i32 to index
    %swap3A_11 = arith.constant 16 : index
    %swap3A_12 = tpu.vector_load %arg6[%swap3A_10, %swap3A_11] {strides = array<i32>} : memref<82x128xi32, #tpu.memory_space<vmem>>, vector<16xi32>,
    tpu.vector_store %arg6[%swap3A_10, %swap3A_11], %broadcast_in_dim3A_1 {strides = array<i32>} : memref<82x128xi32, #tpu.memory_space<vmem>>, vector<16xi32>,
    %swap3A_13 = arith.constant 81 : i32
    %swap3A_14 = arith.index_cast %swap3A_13 : i32 to index
    %swap3A_15 = arith.constant 16 : index
    %swap3A_16 = tpu.vector_load %arg6[%swap3A_14, %swap3A_15] {strides = array<i32>} : memref<82x128xi32, #tpu.memory_space<vmem>>, vector<16xi32>,
    tpu.vector_store %arg6[%swap3A_14, %swap3A_15], %broadcast_in_dim3A_1 {strides = array<i32>} : memref<82x128xi32, #tpu.memory_space<vmem>>, vector<16xi32>,
    %swap3A_17 = arith.constant 80 : i32
    %swap3A_18 = arith.index_cast %swap3A_17 : i32 to index
    %swap3A_19 = arith.constant 32 : index
    %swap3A_20 = tpu.vector_load %arg6[%swap3A_18, %swap3A_19] {strides = array<i32>} : memref<82x128xi32, #tpu.memory_space<vmem>>, vector<16xi32>,
    tpu.vector_store %arg6[%swap3A_18, %swap3A_19], %broadcast_in_dim3A_1 {strides = array<i32>} : memref<82x128xi32, #tpu.memory_space<vmem>>, vector<16xi32>,
    %swap3A_21 = arith.constant 81 : i32
    %swap3A_22 = arith.index_cast %swap3A_21 : i32 to index
    %swap3A_23 = arith.constant 32 : index
    %swap3A_24 = tpu.vector_load %arg6[%swap3A_22, %swap3A_23] {strides = array<i32>} : memref<82x128xi32, #tpu.memory_space<vmem>>, vector<16xi32>,
    tpu.vector_store %arg6[%swap3A_22, %swap3A_23], %broadcast_in_dim3A_1 {strides = array<i32>} : memref<82x128xi32, #tpu.memory_space<vmem>>, vector<16xi32>,
    %swap3A_25 = arith.constant 80 : i32
    %swap3A_26 = arith.index_cast %swap3A_25 : i32 to index
    %swap3A_27 = arith.constant 48 : index
    %swap3A_28 = tpu.vector_load %arg6[%swap3A_26, %swap3A_27] {strides = array<i32>} : memref<82x128xi32, #tpu.memory_space<vmem>>, vector<16xi32>,
    tpu.vector_store %arg6[%swap3A_26, %swap3A_27], %broadcast_in_dim3A_1 {strides = array<i32>} : memref<82x128xi32, #tpu.memory_space<vmem>>, vector<16xi32>,
    %swap3A_29 = arith.constant 81 : i32
    %swap3A_30 = arith.index_cast %swap3A_29 : i32 to index
    %swap3A_31 = arith.constant 48 : index
    %swap3A_32 = tpu.vector_load %arg6[%swap3A_30, %swap3A_31] {strides = array<i32>} : memref<82x128xi32, #tpu.memory_space<vmem>>, vector<16xi32>,
    tpu.vector_store %arg6[%swap3A_30, %swap3A_31], %broadcast_in_dim3A_1 {strides = array<i32>} : memref<82x128xi32, #tpu.memory_space<vmem>>, vector<16xi32>,
    %swap3A_33 = arith.constant 80 : i32
    %swap3A_34 = arith.index_cast %swap3A_33 : i32 to index
    %swap3A_35 = arith.constant 64 : index
    %swap3A_36 = tpu.vector_load %arg6[%swap3A_34, %swap3A_35] {strides = array<i32>} : memref<82x128xi32, #tpu.memory_space<vmem>>, vector<16xi32>,
    tpu.vector_store %arg6[%swap3A_34, %swap3A_35], %broadcast_in_dim3A_1 {strides = array<i32>} : memref<82x128xi32, #tpu.memory_space<vmem>>, vector<16xi32>,
    %swap3A_37 = arith.constant 81 : i32
    %swap3A_38 = arith.index_cast %swap3A_37 : i32 to index
    %swap3A_39 = arith.constant 64 : index
    %swap3A_40 = tpu.vector_load %arg6[%swap3A_38, %swap3A_39] {strides = array<i32>} : memref<82x128xi32, #tpu.memory_space<vmem>>, vector<16xi32>,
    tpu.vector_store %arg6[%swap3A_38, %swap3A_39], %broadcast_in_dim3A_1 {strides = array<i32>} : memref<82x128xi32, #tpu.memory_space<vmem>>, vector<16xi32>,
    %swap3A_41 = arith.constant 80 : i32
    %swap3A_42 = arith.index_cast %swap3A_41 : i32 to index
    %swap3A_43 = arith.constant 80 : index
    %swap3A_44 = tpu.vector_load %arg6[%swap3A_42, %swap3A_43] {strides = array<i32>} : memref<82x128xi32, #tpu.memory_space<vmem>>, vector<16xi32>,
    tpu.vector_store %arg6[%swap3A_42, %swap3A_43], %broadcast_in_dim3A_1 {strides = array<i32>} : memref<82x128xi32, #tpu.memory_space<vmem>>, vector<16xi32>,
    %swap3A_45 = arith.constant 81 : i32
    %swap3A_46 = arith.index_cast %swap3A_45 : i32 to index
    %swap3A_47 = arith.constant 80 : index
    %swap3A_48 = tpu.vector_load %arg6[%swap3A_46, %swap3A_47] {strides = array<i32>} : memref<82x128xi32, #tpu.memory_space<vmem>>, vector<16xi32>,
    tpu.vector_store %arg6[%swap3A_46, %swap3A_47], %broadcast_in_dim3A_1 {strides = array<i32>} : memref<82x128xi32, #tpu.memory_space<vmem>>, vector<16xi32>,
    %swap3A_49 = arith.constant 80 : i32
    %swap3A_50 = arith.index_cast %swap3A_49 : i32 to index
    %swap3A_51 = arith.constant 96 : index
    %swap3A_52 = tpu.vector_load %arg6[%swap3A_50, %swap3A_51] {strides = array<i32>} : memref<82x128xi32, #tpu.memory_space<vmem>>, vector<16xi32>,
    tpu.vector_store %arg6[%swap3A_50, %swap3A_51], %broadcast_in_dim3A_1 {strides = array<i32>} : memref<82x128xi32, #tpu.memory_space<vmem>>, vector<16xi32>,
    %swap3A_53 = arith.constant 81 : i32
    %swap3A_54 = arith.index_cast %swap3A_53 : i32 to index
    %swap3A_55 = arith.constant 96 : index
    %swap3A_56 = tpu.vector_load %arg6[%swap3A_54, %swap3A_55] {strides = array<i32>} : memref<82x128xi32, #tpu.memory_space<vmem>>, vector<16xi32>,
    tpu.vector_store %arg6[%swap3A_54, %swap3A_55], %broadcast_in_dim3A_1 {strides = array<i32>} : memref<82x128xi32, #tpu.memory_space<vmem>>, vector<16xi32>,
    %swap3A_57 = arith.constant 80 : i32
    %swap3A_58 = arith.index_cast %swap3A_57 : i32 to index
    %swap3A_59 = arith.constant 112 : index
    %swap3A_60 = tpu.vector_load %arg6[%swap3A_58, %swap3A_59] {strides = array<i32>} : memref<82x128xi32, #tpu.memory_space<vmem>>, vector<16xi32>,
    tpu.vector_store %arg6[%swap3A_58, %swap3A_59], %broadcast_in_dim3A_1 {strides = array<i32>} : memref<82x128xi32, #tpu.memory_space<vmem>>, vector<16xi32>,
    %swap3A_61 = arith.constant 81 : i32
    %swap3A_62 = arith.index_cast %swap3A_61 : i32 to index
    %swap3A_63 = arith.constant 112 : index
    %swap3A_64 = tpu.vector_load %arg6[%swap3A_62, %swap3A_63] {strides = array<i32>} : memref<82x128xi32, #tpu.memory_space<vmem>>, vector<16xi32>,
    tpu.vector_store %arg6[%swap3A_62, %swap3A_63], %broadcast_in_dim3A_1 {strides = array<i32>} : memref<82x128xi32, #tpu.memory_space<vmem>>, vector<16xi32>,
    %broadcast_in_dim3A_65 = arith.constant 0.000000e+00 : f32
    %broadcast_in_dim3A_66 = vector.broadcast %broadcast_in_dim3A_65 : f32 to vector<16xf32>
    %scan3A = arith.constant 0 : i32
    %scan3A_67 = arith.constant 128 : i32
    %scan3A_68 = arith.addi %scan3A, %scan3A_67 : i32
    %scan3A_69 = arith.constant 1 : i32
    scf.for %scan3A_130 = %scan3A to %scan3A_68 step %scan3A_69  : i32 {
      %swap3A_131 = arith.index_cast %scan3A_130 : i32 to index
      %swap3A_132 = arith.constant 0 : index
      %swap3A_133 = tpu.vector_load %arg8[%swap3A_131, %swap3A_132] {strides = array<i32>} : memref<128x128xf32, #tpu.memory_space<vmem>>, vector<16xf32>,
      tpu.vector_store %arg8[%swap3A_131, %swap3A_132], %broadcast_in_dim3A_66 {strides = array<i32>} : memref<128x128xf32, #tpu.memory_space<vmem>>, vector<16xf32>,
      %swap3A_134 = arith.index_cast %scan3A_130 : i32 to index
      %swap3A_135 = arith.constant 16 : index
      %swap3A_136 = tpu.vector_load %arg8[%swap3A_134, %swap3A_135] {strides = array<i32>} : memref<128x128xf32, #tpu.memory_space<vmem>>, vector<16xf32>,
      tpu.vector_store %arg8[%swap3A_134, %swap3A_135], %broadcast_in_dim3A_66 {strides = array<i32>} : memref<128x128xf32, #tpu.memory_space<vmem>>, vector<16xf32>,
      %swap3A_137 = arith.index_cast %scan3A_130 : i32 to index
      %swap3A_138 = arith.constant 32 : index
      %swap3A_139 = tpu.vector_load %arg8[%swap3A_137, %swap3A_138] {strides = array<i32>} : memref<128x128xf32, #tpu.memory_space<vmem>>, vector<16xf32>,
      tpu.vector_store %arg8[%swap3A_137, %swap3A_138], %broadcast_in_dim3A_66 {strides = array<i32>} : memref<128x128xf32, #tpu.memory_space<vmem>>, vector<16xf32>,
      %swap3A_140 = arith.index_cast %scan3A_130 : i32 to index
      %swap3A_141 = arith.constant 48 : index
      %swap3A_142 = tpu.vector_load %arg8[%swap3A_140, %swap3A_141] {strides = array<i32>} : memref<128x128xf32, #tpu.memory_space<vmem>>, vector<16xf32>,
      tpu.vector_store %arg8[%swap3A_140, %swap3A_141], %broadcast_in_dim3A_66 {strides = array<i32>} : memref<128x128xf32, #tpu.memory_space<vmem>>, vector<16xf32>,
      %swap3A_143 = arith.index_cast %scan3A_130 : i32 to index
      %swap3A_144 = arith.constant 64 : index
      %swap3A_145 = tpu.vector_load %arg8[%swap3A_143, %swap3A_144] {strides = array<i32>} : memref<128x128xf32, #tpu.memory_space<vmem>>, vector<16xf32>,
      tpu.vector_store %arg8[%swap3A_143, %swap3A_144], %broadcast_in_dim3A_66 {strides = array<i32>} : memref<128x128xf32, #tpu.memory_space<vmem>>, vector<16xf32>,
      %swap3A_146 = arith.index_cast %scan3A_130 : i32 to index
      %swap3A_147 = arith.constant 80 : index
      %swap3A_148 = tpu.vector_load %arg8[%swap3A_146, %swap3A_147] {strides = array<i32>} : memref<128x128xf32, #tpu.memory_space<vmem>>, vector<16xf32>,
      tpu.vector_store %arg8[%swap3A_146, %swap3A_147], %broadcast_in_dim3A_66 {strides = array<i32>} : memref<128x128xf32, #tpu.memory_space<vmem>>, vector<16xf32>,
      %swap3A_149 = arith.index_cast %scan3A_130 : i32 to index
      %swap3A_150 = arith.constant 96 : index
      %swap3A_151 = tpu.vector_load %arg8[%swap3A_149, %swap3A_150] {strides = array<i32>} : memref<128x128xf32, #tpu.memory_space<vmem>>, vector<16xf32>,
      tpu.vector_store %arg8[%swap3A_149, %swap3A_150], %broadcast_in_dim3A_66 {strides = array<i32>} : memref<128x128xf32, #tpu.memory_space<vmem>>, vector<16xf32>,
      %swap3A_152 = arith.index_cast %scan3A_130 : i32 to index
      %swap3A_153 = arith.constant 112 : index
      %swap3A_154 = tpu.vector_load %arg8[%swap3A_152, %swap3A_153] {strides = array<i32>} : memref<128x128xf32, #tpu.memory_space<vmem>>, vector<16xf32>,
      tpu.vector_store %arg8[%swap3A_152, %swap3A_153], %broadcast_in_dim3A_66 {strides = array<i32>} : memref<128x128xf32, #tpu.memory_space<vmem>>, vector<16xf32>,
    }
    %scan3A_70 = arith.constant 128 : i32
    %mul3A_71 = arith.constant 640 : i32
    %mul3A_72 = arith.muli %arg1, %mul3A_71 : i32
    %add3A_73 = arith.constant 0 : i32
    %add3A_74 = arith.addi %mul3A_72, %add3A_73 : i32
    "tpu.region"() ({
      %run_scoped3A = tpu.sem_alloc : memref<!tpu.dma_semaphore, #tpu.memory_space<semaphore_mem>>
      %dma_start3A_130 = arith.constant 0 : i32
      %dma_start3A_131 = tpu.memref_slice %arg10[%add3A_74, %dma_start3A_130] : memref<10240x128xf32, #tpu.memory_space<vmem_shared>> -> memref<128x128xf32, #tpu.memory_space<vmem_shared>>
      %dma_start3A_132 = arith.constant 0 : i32
      %dma_start3A_133 = tpu.memref_slice %arg10[%add3A_74, %dma_start3A_132] : memref<10240x128xf32, #tpu.memory_space<vmem_shared>> -> memref<128x128xf32, #tpu.memory_space<vmem_shared>>
      tpu.enqueue_dma source(%arg8 : memref<128x128xf32, #tpu.memory_space<vmem>>) target(%dma_start3A_133 : memref<128x128xf32, #tpu.memory_space<vmem_shared>>) target_semaphore(%run_scoped3A : memref<!tpu.dma_semaphore, #tpu.memory_space<semaphore_mem>>)
      %dma_wait3A_134 = arith.constant 0 : i32
      %dma_wait3A_135 = tpu.memref_slice %arg10[%add3A_74, %dma_wait3A_134] : memref<10240x128xf32, #tpu.memory_space<vmem_shared>> -> memref<128x128xf32, #tpu.memory_space<vmem_shared>>
      %dma_wait3A_136 = arith.constant 0 : i32
      %dma_wait3A_137 = tpu.memref_slice %arg10[%add3A_74, %dma_wait3A_136] : memref<10240x128xf32, #tpu.memory_space<vmem_shared>> -> memref<128x128xf32, #tpu.memory_space<vmem_shared>>
      tpu.wait_dma2 semaphore(%run_scoped3A : memref<!tpu.dma_semaphore, #tpu.memory_space<semaphore_mem>>) src(%arg8 : memref<128x128xf32, #tpu.memory_space<vmem>>) dst(%dma_wait3A_137 : memref<128x128xf32, #tpu.memory_space<vmem_shared>>)
      tpu.yield
    }) : () -> ()
    %mul3A_75 = arith.constant 640 : i32
    %mul3A_76 = arith.muli %arg1, %mul3A_75 : i32
    %add3A_77 = arith.constant 128 : i32
    %add3A_78 = arith.addi %mul3A_76, %add3A_77 : i32
    "tpu.region"() ({
      %run_scoped3A = tpu.sem_alloc : memref<!tpu.dma_semaphore, #tpu.memory_space<semaphore_mem>>
      %dma_start3A_130 = arith.constant 0 : i32
      %dma_start3A_131 = tpu.memref_slice %arg10[%add3A_78, %dma_start3A_130] : memref<10240x128xf32, #tpu.memory_space<vmem_shared>> -> memref<128x128xf32, #tpu.memory_space<vmem_shared>>
      %dma_start3A_132 = arith.constant 0 : i32
      %dma_start3A_133 = tpu.memref_slice %arg10[%add3A_78, %dma_start3A_132] : memref<10240x128xf32, #tpu.memory_space<vmem_shared>> -> memref<128x128xf32, #tpu.memory_space<vmem_shared>>
      tpu.enqueue_dma source(%arg8 : memref<128x128xf32, #tpu.memory_space<vmem>>) target(%dma_start3A_133 : memref<128x128xf32, #tpu.memory_space<vmem_shared>>) target_semaphore(%run_scoped3A : memref<!tpu.dma_semaphore, #tpu.memory_space<semaphore_mem>>)
      %dma_wait3A_134 = arith.constant 0 : i32
      %dma_wait3A_135 = tpu.memref_slice %arg10[%add3A_78, %dma_wait3A_134] : memref<10240x128xf32, #tpu.memory_space<vmem_shared>> -> memref<128x128xf32, #tpu.memory_space<vmem_shared>>
      %dma_wait3A_136 = arith.constant 0 : i32
      %dma_wait3A_137 = tpu.memref_slice %arg10[%add3A_78, %dma_wait3A_136] : memref<10240x128xf32, #tpu.memory_space<vmem_shared>> -> memref<128x128xf32, #tpu.memory_space<vmem_shared>>
      tpu.wait_dma2 semaphore(%run_scoped3A : memref<!tpu.dma_semaphore, #tpu.memory_space<semaphore_mem>>) src(%arg8 : memref<128x128xf32, #tpu.memory_space<vmem>>) dst(%dma_wait3A_137 : memref<128x128xf32, #tpu.memory_space<vmem_shared>>)
      tpu.yield
    }) : () -> ()
    %mul3A_79 = arith.constant 640 : i32
    %mul3A_80 = arith.muli %arg1, %mul3A_79 : i32
    %add3A_81 = arith.constant 256 : i32
    %add3A_82 = arith.addi %mul3A_80, %add3A_81 : i32
    "tpu.region"() ({
      %run_scoped3A = tpu.sem_alloc : memref<!tpu.dma_semaphore, #tpu.memory_space<semaphore_mem>>
      %dma_start3A_130 = arith.constant 0 : i32
      %dma_start3A_131 = tpu.memref_slice %arg10[%add3A_82, %dma_start3A_130] : memref<10240x128xf32, #tpu.memory_space<vmem_shared>> -> memref<128x128xf32, #tpu.memory_space<vmem_shared>>
      %dma_start3A_132 = arith.constant 0 : i32
      %dma_start3A_133 = tpu.memref_slice %arg10[%add3A_82, %dma_start3A_132] : memref<10240x128xf32, #tpu.memory_space<vmem_shared>> -> memref<128x128xf32, #tpu.memory_space<vmem_shared>>
      tpu.enqueue_dma source(%arg8 : memref<128x128xf32, #tpu.memory_space<vmem>>) target(%dma_start3A_133 : memref<128x128xf32, #tpu.memory_space<vmem_shared>>) target_semaphore(%run_scoped3A : memref<!tpu.dma_semaphore, #tpu.memory_space<semaphore_mem>>)
      %dma_wait3A_134 = arith.constant 0 : i32
      %dma_wait3A_135 = tpu.memref_slice %arg10[%add3A_82, %dma_wait3A_134] : memref<10240x128xf32, #tpu.memory_space<vmem_shared>> -> memref<128x128xf32, #tpu.memory_space<vmem_shared>>
      %dma_wait3A_136 = arith.constant 0 : i32
      %dma_wait3A_137 = tpu.memref_slice %arg10[%add3A_82, %dma_wait3A_136] : memref<10240x128xf32, #tpu.memory_space<vmem_shared>> -> memref<128x128xf32, #tpu.memory_space<vmem_shared>>
      tpu.wait_dma2 semaphore(%run_scoped3A : memref<!tpu.dma_semaphore, #tpu.memory_space<semaphore_mem>>) src(%arg8 : memref<128x128xf32, #tpu.memory_space<vmem>>) dst(%dma_wait3A_137 : memref<128x128xf32, #tpu.memory_space<vmem_shared>>)
      tpu.yield
    }) : () -> ()
    %mul3A_83 = arith.constant 640 : i32
    %mul3A_84 = arith.muli %arg1, %mul3A_83 : i32
    %add3A_85 = arith.constant 384 : i32
    %add3A_86 = arith.addi %mul3A_84, %add3A_85 : i32
    "tpu.region"() ({
      %run_scoped3A = tpu.sem_alloc : memref<!tpu.dma_semaphore, #tpu.memory_space<semaphore_mem>>
      %dma_start3A_130 = arith.constant 0 : i32
      %dma_start3A_131 = tpu.memref_slice %arg10[%add3A_86, %dma_start3A_130] : memref<10240x128xf32, #tpu.memory_space<vmem_shared>> -> memref<128x128xf32, #tpu.memory_space<vmem_shared>>
      %dma_start3A_132 = arith.constant 0 : i32
      %dma_start3A_133 = tpu.memref_slice %arg10[%add3A_86, %dma_start3A_132] : memref<10240x128xf32, #tpu.memory_space<vmem_shared>> -> memref<128x128xf32, #tpu.memory_space<vmem_shared>>
      tpu.enqueue_dma source(%arg8 : memref<128x128xf32, #tpu.memory_space<vmem>>) target(%dma_start3A_133 : memref<128x128xf32, #tpu.memory_space<vmem_shared>>) target_semaphore(%run_scoped3A : memref<!tpu.dma_semaphore, #tpu.memory_space<semaphore_mem>>)
      %dma_wait3A_134 = arith.constant 0 : i32
      %dma_wait3A_135 = tpu.memref_slice %arg10[%add3A_86, %dma_wait3A_134] : memref<10240x128xf32, #tpu.memory_space<vmem_shared>> -> memref<128x128xf32, #tpu.memory_space<vmem_shared>>
      %dma_wait3A_136 = arith.constant 0 : i32
      %dma_wait3A_137 = tpu.memref_slice %arg10[%add3A_86, %dma_wait3A_136] : memref<10240x128xf32, #tpu.memory_space<vmem_shared>> -> memref<128x128xf32, #tpu.memory_space<vmem_shared>>
      tpu.wait_dma2 semaphore(%run_scoped3A : memref<!tpu.dma_semaphore, #tpu.memory_space<semaphore_mem>>) src(%arg8 : memref<128x128xf32, #tpu.memory_space<vmem>>) dst(%dma_wait3A_137 : memref<128x128xf32, #tpu.memory_space<vmem_shared>>)
      tpu.yield
    }) : () -> ()
    %mul3A_87 = arith.constant 640 : i32
    %mul3A_88 = arith.muli %arg1, %mul3A_87 : i32
    %add3A_89 = arith.constant 512 : i32
    %add3A_90 = arith.addi %mul3A_88, %add3A_89 : i32
    "tpu.region"() ({
      %run_scoped3A = tpu.sem_alloc : memref<!tpu.dma_semaphore, #tpu.memory_space<semaphore_mem>>
      %dma_start3A_130 = arith.constant 0 : i32
      %dma_start3A_131 = tpu.memref_slice %arg10[%add3A_90, %dma_start3A_130] : memref<10240x128xf32, #tpu.memory_space<vmem_shared>> -> memref<128x128xf32, #tpu.memory_space<vmem_shared>>
      %dma_start3A_132 = arith.constant 0 : i32
      %dma_start3A_133 = tpu.memref_slice %arg10[%add3A_90, %dma_start3A_132] : memref<10240x128xf32, #tpu.memory_space<vmem_shared>> -> memref<128x128xf32, #tpu.memory_space<vmem_shared>>
      tpu.enqueue_dma source(%arg8 : memref<128x128xf32, #tpu.memory_space<vmem>>) target(%dma_start3A_133 : memref<128x128xf32, #tpu.memory_space<vmem_shared>>) target_semaphore(%run_scoped3A : memref<!tpu.dma_semaphore, #tpu.memory_space<semaphore_mem>>)
      %dma_wait3A_134 = arith.constant 0 : i32
      %dma_wait3A_135 = tpu.memref_slice %arg10[%add3A_90, %dma_wait3A_134] : memref<10240x128xf32, #tpu.memory_space<vmem_shared>> -> memref<128x128xf32, #tpu.memory_space<vmem_shared>>
      %dma_wait3A_136 = arith.constant 0 : i32
      %dma_wait3A_137 = tpu.memref_slice %arg10[%add3A_90, %dma_wait3A_136] : memref<10240x128xf32, #tpu.memory_space<vmem_shared>> -> memref<128x128xf32, #tpu.memory_space<vmem_shared>>
      tpu.wait_dma2 semaphore(%run_scoped3A : memref<!tpu.dma_semaphore, #tpu.memory_space<semaphore_mem>>) src(%arg8 : memref<128x128xf32, #tpu.memory_space<vmem>>) dst(%dma_wait3A_137 : memref<128x128xf32, #tpu.memory_space<vmem_shared>>)
      tpu.yield
    }) : () -> ()
    %barrier3A = arith.constant 0 : index
    tpu.barrier barrier_id(%barrier3A)
    %dma_start3A = arith.constant 0 : i32
    %dma_start3A_91 = arith.constant 0 : i32
    %dma_start3A_92 = tpu.memref_slice %arg6[%dma_start3A, %dma_start3A_91] : memref<82x128xi32, #tpu.memory_space<vmem>> -> memref<1x128xi32, #tpu.memory_space<vmem>>
    %dma_start3A_93 = tpu.memref_squeeze %dma_start3A_92 : memref<1x128xi32, #tpu.memory_space<vmem>> -> memref<128xi32, #tpu.memory_space<vmem>>
    %dma_start3A_94 = arith.constant 0 : i32
    %dma_start3A_95 = arith.constant 0 : i32
    %dma_start3A_96 = tpu.memref_slice %arg4[%dma_start3A_94, %dma_start3A_95] : memref<10240x128xf32, #tpu.memory_space<hbm>> -> memref<10240x128xf32, #tpu.memory_space<hbm>>
    tpu.enqueue_indirect_dma source(%dma_start3A_96 : memref<10240x128xf32, #tpu.memory_space<hbm>>) target(%arg8 : memref<128x128xf32, #tpu.memory_space<vmem>>) offsets(%dma_start3A_93 : memref<128xi32, #tpu.memory_space<vmem>>) semaphore(%arg11 : memref<!tpu.dma_semaphore, #tpu.memory_space<semaphore_mem>>)
    %dma_start3A_97 = arith.constant 1 : i32
    %dma_start3A_98 = arith.constant 0 : i32
    %dma_start3A_99 = tpu.memref_slice %arg6[%dma_start3A_97, %dma_start3A_98] : memref<82x128xi32, #tpu.memory_space<vmem>> -> memref<1x128xi32, #tpu.memory_space<vmem>>
    %dma_start3A_100 = tpu.memref_squeeze %dma_start3A_99 : memref<1x128xi32, #tpu.memory_space<vmem>> -> memref<128xi32, #tpu.memory_space<vmem>>
    %dma_start3A_101 = arith.constant 0 : i32
    %dma_start3A_102 = arith.constant 0 : i32
    %dma_start3A_103 = tpu.memref_slice %arg4[%dma_start3A_101, %dma_start3A_102] : memref<10240x128xf32, #tpu.memory_space<hbm>> -> memref<10240x128xf32, #tpu.memory_space<hbm>>
    tpu.enqueue_indirect_dma source(%dma_start3A_103 : memref<10240x128xf32, #tpu.memory_space<hbm>>) target(%arg9 : memref<128x128xf32, #tpu.memory_space<vmem>>) offsets(%dma_start3A_100 : memref<128xi32, #tpu.memory_space<vmem>>) semaphore(%arg12 : memref<!tpu.dma_semaphore, #tpu.memory_space<semaphore_mem>>)
    %scan3A_104 = arith.constant 0 : i32
    %scan3A_105 = arith.constant 10 : i32
    %scan3A_106 = arith.addi %scan3A_104, %scan3A_105 : i32
    %scan3A_107 = arith.constant 1 : i32
    scf.for %scan3A_130 = %scan3A_104 to %scan3A_106 step %scan3A_107  : i32 {
      %mul3A_131 = arith.constant 8 : i32
      %mul3A_132 = arith.muli %scan3A_130, %mul3A_131 : i32
      "tpu.region"() ({
        %run_scoped3A_292 = tpu.sem_alloc : memref<!tpu.dma_semaphore, #tpu.memory_space<semaphore_mem>>
        %dma_start3A_293 = arith.constant 0 : i32
        %dma_start3A_294 = tpu.memref_slice %arg3[%add3A, %mul3A_132, %dma_start3A_293] : memref<32x80x128xi32, #tpu.memory_space<hbm>> -> memref<1x8x128xi32, #tpu.memory_space<hbm>>
        %dma_start3A_295 = tpu.memref_squeeze %dma_start3A_294 : memref<1x8x128xi32, #tpu.memory_space<hbm>> -> memref<8x128xi32, #tpu.memory_space<hbm>>
        %dma_start3A_296 = arith.constant 0 : i32
        %dma_start3A_297 = tpu.memref_slice %arg3[%add3A, %mul3A_132, %dma_start3A_296] : memref<32x80x128xi32, #tpu.memory_space<hbm>> -> memref<1x8x128xi32, #tpu.memory_space<hbm>>
        %dma_start3A_298 = tpu.memref_squeeze %dma_start3A_297 : memref<1x8x128xi32, #tpu.memory_space<hbm>> -> memref<8x128xi32, #tpu.memory_space<hbm>>
        tpu.enqueue_dma source(%dma_start3A_298 : memref<8x128xi32, #tpu.memory_space<hbm>>) target(%arg7 : memref<8x128xi32, #tpu.memory_space<vmem>>) target_semaphore(%run_scoped3A_292 : memref<!tpu.dma_semaphore, #tpu.memory_space<semaphore_mem>>)
        %dma_wait3A_299 = arith.constant 0 : i32
        %dma_wait3A_300 = tpu.memref_slice %arg3[%add3A, %mul3A_132, %dma_wait3A_299] : memref<32x80x128xi32, #tpu.memory_space<hbm>> -> memref<1x8x128xi32, #tpu.memory_space<hbm>>
        %dma_wait3A_301 = tpu.memref_squeeze %dma_wait3A_300 : memref<1x8x128xi32, #tpu.memory_space<hbm>> -> memref<8x128xi32, #tpu.memory_space<hbm>>
        %dma_wait3A_302 = arith.constant 0 : i32
        %dma_wait3A_303 = tpu.memref_slice %arg3[%add3A, %mul3A_132, %dma_wait3A_302] : memref<32x80x128xi32, #tpu.memory_space<hbm>> -> memref<1x8x128xi32, #tpu.memory_space<hbm>>
        %dma_wait3A_304 = tpu.memref_squeeze %dma_wait3A_303 : memref<1x8x128xi32, #tpu.memory_space<hbm>> -> memref<8x128xi32, #tpu.memory_space<hbm>>
        tpu.wait_dma2 semaphore(%run_scoped3A_292 : memref<!tpu.dma_semaphore, #tpu.memory_space<semaphore_mem>>) src(%dma_wait3A_304 : memref<8x128xi32, #tpu.memory_space<hbm>>) dst(%arg7 : memref<8x128xi32, #tpu.memory_space<vmem>>)
        tpu.yield
      }) : () -> ()
      %mul3A_133 = arith.constant 8 : i32
      %mul3A_134 = arith.muli %scan3A_130, %mul3A_133 : i32
      %add3A_135 = arith.constant 0 : i32
      %add3A_136 = arith.addi %mul3A_134, %add3A_135 : i32
      %dma_wait3A_137 = arith.constant 0 : i32
      %dma_wait3A_138 = arith.constant 0 : i32
      %dma_wait3A_139 = tpu.memref_slice %arg6[%dma_wait3A_137, %dma_wait3A_138] : memref<82x128xi32, #tpu.memory_space<vmem>> -> memref<1x128xi32, #tpu.memory_space<vmem>>
      %dma_wait3A_140 = tpu.memref_squeeze %dma_wait3A_139 : memref<1x128xi32, #tpu.memory_space<vmem>> -> memref<128xi32, #tpu.memory_space<vmem>>
      %dma_wait3A_141 = arith.constant 0 : i32
      %dma_wait3A_142 = arith.constant 0 : i32
      %dma_wait3A_143 = tpu.memref_slice %arg4[%dma_wait3A_141, %dma_wait3A_142] : memref<10240x128xf32, #tpu.memory_space<hbm>> -> memref<10240x128xf32, #tpu.memory_space<hbm>>
      tpu.wait_indirect_dma semaphore(%arg11 : memref<!tpu.dma_semaphore, #tpu.memory_space<semaphore_mem>>) src(%dma_wait3A_143 : memref<10240x128xf32, #tpu.memory_space<hbm>>) dst(%arg8 : memref<128x128xf32, #tpu.memory_space<vmem>>)
      %run_scoped3A = arith.constant 0 : i32
      "tpu.region"() ({
        %run_scoped3A_292 = tpu.sem_alloc : memref<!tpu.dma_semaphore, #tpu.memory_space<semaphore_mem>>
        %dma_start3A_293 = arith.constant 0 : i32
        %dma_start3A_294 = tpu.memref_slice %arg7[%run_scoped3A, %dma_start3A_293] : memref<8x128xi32, #tpu.memory_space<vmem>> -> memref<1x128xi32, #tpu.memory_space<vmem>>
        %dma_start3A_295 = tpu.memref_squeeze %dma_start3A_294 : memref<1x128xi32, #tpu.memory_space<vmem>> -> memref<128xi32, #tpu.memory_space<vmem>>
        %dma_start3A_296 = arith.constant 0 : i32
        %dma_start3A_297 = arith.constant 0 : i32
        %dma_start3A_298 = tpu.memref_slice %arg10[%dma_start3A_296, %dma_start3A_297] : memref<10240x128xf32, #tpu.memory_space<vmem_shared>> -> memref<10240x128xf32, #tpu.memory_space<vmem_shared>>
        tpu.enqueue_indirect_dma source(%arg8 : memref<128x128xf32, #tpu.memory_space<vmem>>) target(%dma_start3A_298 : memref<10240x128xf32, #tpu.memory_space<vmem_shared>>) offsets(%dma_start3A_295 : memref<128xi32, #tpu.memory_space<vmem>>) semaphore(%run_scoped3A_292 : memref<!tpu.dma_semaphore, #tpu.memory_space<semaphore_mem>>) {add = true}
        %dma_wait3A_299 = arith.constant 0 : i32
        %dma_wait3A_300 = tpu.memref_slice %arg7[%run_scoped3A, %dma_wait3A_299] : memref<8x128xi32, #tpu.memory_space<vmem>> -> memref<1x128xi32, #tpu.memory_space<vmem>>
        %dma_wait3A_301 = tpu.memref_squeeze %dma_wait3A_300 : memref<1x128xi32, #tpu.memory_space<vmem>> -> memref<128xi32, #tpu.memory_space<vmem>>
        %dma_wait3A_302 = arith.constant 0 : i32
        %dma_wait3A_303 = arith.constant 0 : i32
        %dma_wait3A_304 = tpu.memref_slice %arg10[%dma_wait3A_302, %dma_wait3A_303] : memref<10240x128xf32, #tpu.memory_space<vmem_shared>> -> memref<10240x128xf32, #tpu.memory_space<vmem_shared>>
        tpu.wait_indirect_dma semaphore(%run_scoped3A_292 : memref<!tpu.dma_semaphore, #tpu.memory_space<semaphore_mem>>) src(%arg8 : memref<128x128xf32, #tpu.memory_space<vmem>>) dst(%dma_wait3A_304 : memref<10240x128xf32, #tpu.memory_space<vmem_shared>>)
        tpu.yield
      }) : () -> ()
      %add3A_144 = arith.constant 2 : i32
      %add3A_145 = arith.addi %add3A_136, %add3A_144 : i32
      %dma_start3A_146 = arith.constant 0 : i32
      %dma_start3A_147 = tpu.memref_slice %arg6[%add3A_145, %dma_start3A_146] : memref<82x128xi32, #tpu.memory_space<vmem>> -> memref<1x128xi32, #tpu.memory_space<vmem>>
      %dma_start3A_148 = tpu.memref_squeeze %dma_start3A_147 : memref<1x128xi32, #tpu.memory_space<vmem>> -> memref<128xi32, #tpu.memory_space<vmem>>
      %dma_start3A_149 = arith.constant 0 : i32
      %dma_start3A_150 = arith.constant 0 : i32
      %dma_start3A_151 = tpu.memref_slice %arg4[%dma_start3A_149, %dma_start3A_150] : memref<10240x128xf32, #tpu.memory_space<hbm>> -> memref<10240x128xf32, #tpu.memory_space<hbm>>
      tpu.enqueue_indirect_dma source(%dma_start3A_151 : memref<10240x128xf32, #tpu.memory_space<hbm>>) target(%arg8 : memref<128x128xf32, #tpu.memory_space<vmem>>) offsets(%dma_start3A_148 : memref<128xi32, #tpu.memory_space<vmem>>) semaphore(%arg11 : memref<!tpu.dma_semaphore, #tpu.memory_space<semaphore_mem>>)
      %mul3A_152 = arith.constant 8 : i32
      %mul3A_153 = arith.muli %scan3A_130, %mul3A_152 : i32
      %add3A_154 = arith.constant 1 : i32
      %add3A_155 = arith.addi %mul3A_153, %add3A_154 : i32
      %dma_wait3A_156 = arith.constant 0 : i32
      %dma_wait3A_157 = arith.constant 0 : i32
      %dma_wait3A_158 = tpu.memref_slice %arg6[%dma_wait3A_156, %dma_wait3A_157] : memref<82x128xi32, #tpu.memory_space<vmem>> -> memref<1x128xi32, #tpu.memory_space<vmem>>
      %dma_wait3A_159 = tpu.memref_squeeze %dma_wait3A_158 : memref<1x128xi32, #tpu.memory_space<vmem>> -> memref<128xi32, #tpu.memory_space<vmem>>
      %dma_wait3A_160 = arith.constant 0 : i32
      %dma_wait3A_161 = arith.constant 0 : i32
      %dma_wait3A_162 = tpu.memref_slice %arg4[%dma_wait3A_160, %dma_wait3A_161] : memref<10240x128xf32, #tpu.memory_space<hbm>> -> memref<10240x128xf32, #tpu.memory_space<hbm>>
      tpu.wait_indirect_dma semaphore(%arg12 : memref<!tpu.dma_semaphore, #tpu.memory_space<semaphore_mem>>) src(%dma_wait3A_162 : memref<10240x128xf32, #tpu.memory_space<hbm>>) dst(%arg9 : memref<128x128xf32, #tpu.memory_space<vmem>>)
      %run_scoped3A_163 = arith.constant 1 : i32
      "tpu.region"() ({
        %run_scoped3A_292 = tpu.sem_alloc : memref<!tpu.dma_semaphore, #tpu.memory_space<semaphore_mem>>
        %dma_start3A_293 = arith.constant 0 : i32
        %dma_start3A_294 = tpu.memref_slice %arg7[%run_scoped3A_163, %dma_start3A_293] : memref<8x128xi32, #tpu.memory_space<vmem>> -> memref<1x128xi32, #tpu.memory_space<vmem>>
        %dma_start3A_295 = tpu.memref_squeeze %dma_start3A_294 : memref<1x128xi32, #tpu.memory_space<vmem>> -> memref<128xi32, #tpu.memory_space<vmem>>
        %dma_start3A_296 = arith.constant 0 : i32
        %dma_start3A_297 = arith.constant 0 : i32
        %dma_start3A_298 = tpu.memref_slice %arg10[%dma_start3A_296, %dma_start3A_297] : memref<10240x128xf32, #tpu.memory_space<vmem_shared>> -> memref<10240x128xf32, #tpu.memory_space<vmem_shared>>
        tpu.enqueue_indirect_dma source(%arg9 : memref<128x128xf32, #tpu.memory_space<vmem>>) target(%dma_start3A_298 : memref<10240x128xf32, #tpu.memory_space<vmem_shared>>) offsets(%dma_start3A_295 : memref<128xi32, #tpu.memory_space<vmem>>) semaphore(%run_scoped3A_292 : memref<!tpu.dma_semaphore, #tpu.memory_space<semaphore_mem>>) {add = true}
        %dma_wait3A_299 = arith.constant 0 : i32
        %dma_wait3A_300 = tpu.memref_slice %arg7[%run_scoped3A_163, %dma_wait3A_299] : memref<8x128xi32, #tpu.memory_space<vmem>> -> memref<1x128xi32, #tpu.memory_space<vmem>>
        %dma_wait3A_301 = tpu.memref_squeeze %dma_wait3A_300 : memref<1x128xi32, #tpu.memory_space<vmem>> -> memref<128xi32, #tpu.memory_space<vmem>>
        %dma_wait3A_302 = arith.constant 0 : i32
        %dma_wait3A_303 = arith.constant 0 : i32
        %dma_wait3A_304 = tpu.memref_slice %arg10[%dma_wait3A_302, %dma_wait3A_303] : memref<10240x128xf32, #tpu.memory_space<vmem_shared>> -> memref<10240x128xf32, #tpu.memory_space<vmem_shared>>
        tpu.wait_indirect_dma semaphore(%run_scoped3A_292 : memref<!tpu.dma_semaphore, #tpu.memory_space<semaphore_mem>>) src(%arg9 : memref<128x128xf32, #tpu.memory_space<vmem>>) dst(%dma_wait3A_304 : memref<10240x128xf32, #tpu.memory_space<vmem_shared>>)
        tpu.yield
      }) : () -> ()
      %add3A_164 = arith.constant 2 : i32
      %add3A_165 = arith.addi %add3A_155, %add3A_164 : i32
      %dma_start3A_166 = arith.constant 0 : i32
      %dma_start3A_167 = tpu.memref_slice %arg6[%add3A_165, %dma_start3A_166] : memref<82x128xi32, #tpu.memory_space<vmem>> -> memref<1x128xi32, #tpu.memory_space<vmem>>
      %dma_start3A_168 = tpu.memref_squeeze %dma_start3A_167 : memref<1x128xi32, #tpu.memory_space<vmem>> -> memref<128xi32, #tpu.memory_space<vmem>>
      %dma_start3A_169 = arith.constant 0 : i32
      %dma_start3A_170 = arith.constant 0 : i32
      %dma_start3A_171 = tpu.memref_slice %arg4[%dma_start3A_169, %dma_start3A_170] : memref<10240x128xf32, #tpu.memory_space<hbm>> -> memref<10240x128xf32, #tpu.memory_space<hbm>>
      tpu.enqueue_indirect_dma source(%dma_start3A_171 : memref<10240x128xf32, #tpu.memory_space<hbm>>) target(%arg9 : memref<128x128xf32, #tpu.memory_space<vmem>>) offsets(%dma_start3A_168 : memref<128xi32, #tpu.memory_space<vmem>>) semaphore(%arg12 : memref<!tpu.dma_semaphore, #tpu.memory_space<semaphore_mem>>)
      %mul3A_172 = arith.constant 8 : i32
      %mul3A_173 = arith.muli %scan3A_130, %mul3A_172 : i32
      %add3A_174 = arith.constant 2 : i32
      %add3A_175 = arith.addi %mul3A_173, %add3A_174 : i32
      %dma_wait3A_176 = arith.constant 0 : i32
      %dma_wait3A_177 = arith.constant 0 : i32
      %dma_wait3A_178 = tpu.memref_slice %arg6[%dma_wait3A_176, %dma_wait3A_177] : memref<82x128xi32, #tpu.memory_space<vmem>> -> memref<1x128xi32, #tpu.memory_space<vmem>>
      %dma_wait3A_179 = tpu.memref_squeeze %dma_wait3A_178 : memref<1x128xi32, #tpu.memory_space<vmem>> -> memref<128xi32, #tpu.memory_space<vmem>>
      %dma_wait3A_180 = arith.constant 0 : i32
      %dma_wait3A_181 = arith.constant 0 : i32
      %dma_wait3A_182 = tpu.memref_slice %arg4[%dma_wait3A_180, %dma_wait3A_181] : memref<10240x128xf32, #tpu.memory_space<hbm>> -> memref<10240x128xf32, #tpu.memory_space<hbm>>
      tpu.wait_indirect_dma semaphore(%arg11 : memref<!tpu.dma_semaphore, #tpu.memory_space<semaphore_mem>>) src(%dma_wait3A_182 : memref<10240x128xf32, #tpu.memory_space<hbm>>) dst(%arg8 : memref<128x128xf32, #tpu.memory_space<vmem>>)
      %run_scoped3A_183 = arith.constant 2 : i32
      "tpu.region"() ({
        %run_scoped3A_292 = tpu.sem_alloc : memref<!tpu.dma_semaphore, #tpu.memory_space<semaphore_mem>>
        %dma_start3A_293 = arith.constant 0 : i32
        %dma_start3A_294 = tpu.memref_slice %arg7[%run_scoped3A_183, %dma_start3A_293] : memref<8x128xi32, #tpu.memory_space<vmem>> -> memref<1x128xi32, #tpu.memory_space<vmem>>
        %dma_start3A_295 = tpu.memref_squeeze %dma_start3A_294 : memref<1x128xi32, #tpu.memory_space<vmem>> -> memref<128xi32, #tpu.memory_space<vmem>>
        %dma_start3A_296 = arith.constant 0 : i32
        %dma_start3A_297 = arith.constant 0 : i32
        %dma_start3A_298 = tpu.memref_slice %arg10[%dma_start3A_296, %dma_start3A_297] : memref<10240x128xf32, #tpu.memory_space<vmem_shared>> -> memref<10240x128xf32, #tpu.memory_space<vmem_shared>>
        tpu.enqueue_indirect_dma source(%arg8 : memref<128x128xf32, #tpu.memory_space<vmem>>) target(%dma_start3A_298 : memref<10240x128xf32, #tpu.memory_space<vmem_shared>>) offsets(%dma_start3A_295 : memref<128xi32, #tpu.memory_space<vmem>>) semaphore(%run_scoped3A_292 : memref<!tpu.dma_semaphore, #tpu.memory_space<semaphore_mem>>) {add = true}
        %dma_wait3A_299 = arith.constant 0 : i32
        %dma_wait3A_300 = tpu.memref_slice %arg7[%run_scoped3A_183, %dma_wait3A_299] : memref<8x128xi32, #tpu.memory_space<vmem>> -> memref<1x128xi32, #tpu.memory_space<vmem>>
        %dma_wait3A_301 = tpu.memref_squeeze %dma_wait3A_300 : memref<1x128xi32, #tpu.memory_space<vmem>> -> memref<128xi32, #tpu.memory_space<vmem>>
        %dma_wait3A_302 = arith.constant 0 : i32
        %dma_wait3A_303 = arith.constant 0 : i32
        %dma_wait3A_304 = tpu.memref_slice %arg10[%dma_wait3A_302, %dma_wait3A_303] : memref<10240x128xf32, #tpu.memory_space<vmem_shared>> -> memref<10240x128xf32, #tpu.memory_space<vmem_shared>>
        tpu.wait_indirect_dma semaphore(%run_scoped3A_292 : memref<!tpu.dma_semaphore, #tpu.memory_space<semaphore_mem>>) src(%arg8 : memref<128x128xf32, #tpu.memory_space<vmem>>) dst(%dma_wait3A_304 : memref<10240x128xf32, #tpu.memory_space<vmem_shared>>)
        tpu.yield
      }) : () -> ()
      %add3A_184 = arith.constant 2 : i32
      %add3A_185 = arith.addi %add3A_175, %add3A_184 : i32
      %dma_start3A_186 = arith.constant 0 : i32
      %dma_start3A_187 = tpu.memref_slice %arg6[%add3A_185, %dma_start3A_186] : memref<82x128xi32, #tpu.memory_space<vmem>> -> memref<1x128xi32, #tpu.memory_space<vmem>>
      %dma_start3A_188 = tpu.memref_squeeze %dma_start3A_187 : memref<1x128xi32, #tpu.memory_space<vmem>> -> memref<128xi32, #tpu.memory_space<vmem>>
      %dma_start3A_189 = arith.constant 0 : i32
      %dma_start3A_190 = arith.constant 0 : i32
      %dma_start3A_191 = tpu.memref_slice %arg4[%dma_start3A_189, %dma_start3A_190] : memref<10240x128xf32, #tpu.memory_space<hbm>> -> memref<10240x128xf32, #tpu.memory_space<hbm>>
      tpu.enqueue_indirect_dma source(%dma_start3A_191 : memref<10240x128xf32, #tpu.memory_space<hbm>>) target(%arg8 : memref<128x128xf32, #tpu.memory_space<vmem>>) offsets(%dma_start3A_188 : memref<128xi32, #tpu.memory_space<vmem>>) semaphore(%arg11 : memref<!tpu.dma_semaphore, #tpu.memory_space<semaphore_mem>>)
      %mul3A_192 = arith.constant 8 : i32
      %mul3A_193 = arith.muli %scan3A_130, %mul3A_192 : i32
      %add3A_194 = arith.constant 3 : i32
      %add3A_195 = arith.addi %mul3A_193, %add3A_194 : i32
      %dma_wait3A_196 = arith.constant 0 : i32
      %dma_wait3A_197 = arith.constant 0 : i32
      %dma_wait3A_198 = tpu.memref_slice %arg6[%dma_wait3A_196, %dma_wait3A_197] : memref<82x128xi32, #tpu.memory_space<vmem>> -> memref<1x128xi32, #tpu.memory_space<vmem>>
      %dma_wait3A_199 = tpu.memref_squeeze %dma_wait3A_198 : memref<1x128xi32, #tpu.memory_space<vmem>> -> memref<128xi32, #tpu.memory_space<vmem>>
      %dma_wait3A_200 = arith.constant 0 : i32
      %dma_wait3A_201 = arith.constant 0 : i32
      %dma_wait3A_202 = tpu.memref_slice %arg4[%dma_wait3A_200, %dma_wait3A_201] : memref<10240x128xf32, #tpu.memory_space<hbm>> -> memref<10240x128xf32, #tpu.memory_space<hbm>>
      tpu.wait_indirect_dma semaphore(%arg12 : memref<!tpu.dma_semaphore, #tpu.memory_space<semaphore_mem>>) src(%dma_wait3A_202 : memref<10240x128xf32, #tpu.memory_space<hbm>>) dst(%arg9 : memref<128x128xf32, #tpu.memory_space<vmem>>)
      %run_scoped3A_203 = arith.constant 3 : i32
      "tpu.region"() ({
        %run_scoped3A_292 = tpu.sem_alloc : memref<!tpu.dma_semaphore, #tpu.memory_space<semaphore_mem>>
        %dma_start3A_293 = arith.constant 0 : i32
        %dma_start3A_294 = tpu.memref_slice %arg7[%run_scoped3A_203, %dma_start3A_293] : memref<8x128xi32, #tpu.memory_space<vmem>> -> memref<1x128xi32, #tpu.memory_space<vmem>>
        %dma_start3A_295 = tpu.memref_squeeze %dma_start3A_294 : memref<1x128xi32, #tpu.memory_space<vmem>> -> memref<128xi32, #tpu.memory_space<vmem>>
        %dma_start3A_296 = arith.constant 0 : i32
        %dma_start3A_297 = arith.constant 0 : i32
        %dma_start3A_298 = tpu.memref_slice %arg10[%dma_start3A_296, %dma_start3A_297] : memref<10240x128xf32, #tpu.memory_space<vmem_shared>> -> memref<10240x128xf32, #tpu.memory_space<vmem_shared>>
        tpu.enqueue_indirect_dma source(%arg9 : memref<128x128xf32, #tpu.memory_space<vmem>>) target(%dma_start3A_298 : memref<10240x128xf32, #tpu.memory_space<vmem_shared>>) offsets(%dma_start3A_295 : memref<128xi32, #tpu.memory_space<vmem>>) semaphore(%run_scoped3A_292 : memref<!tpu.dma_semaphore, #tpu.memory_space<semaphore_mem>>) {add = true}
        %dma_wait3A_299 = arith.constant 0 : i32
        %dma_wait3A_300 = tpu.memref_slice %arg7[%run_scoped3A_203, %dma_wait3A_299] : memref<8x128xi32, #tpu.memory_space<vmem>> -> memref<1x128xi32, #tpu.memory_space<vmem>>
        %dma_wait3A_301 = tpu.memref_squeeze %dma_wait3A_300 : memref<1x128xi32, #tpu.memory_space<vmem>> -> memref<128xi32, #tpu.memory_space<vmem>>
        %dma_wait3A_302 = arith.constant 0 : i32
        %dma_wait3A_303 = arith.constant 0 : i32
        %dma_wait3A_304 = tpu.memref_slice %arg10[%dma_wait3A_302, %dma_wait3A_303] : memref<10240x128xf32, #tpu.memory_space<vmem_shared>> -> memref<10240x128xf32, #tpu.memory_space<vmem_shared>>
        tpu.wait_indirect_dma semaphore(%run_scoped3A_292 : memref<!tpu.dma_semaphore, #tpu.memory_space<semaphore_mem>>) src(%arg9 : memref<128x128xf32, #tpu.memory_space<vmem>>) dst(%dma_wait3A_304 : memref<10240x128xf32, #tpu.memory_space<vmem_shared>>)
        tpu.yield
      }) : () -> ()
      %add3A_204 = arith.constant 2 : i32
      %add3A_205 = arith.addi %add3A_195, %add3A_204 : i32
      %dma_start3A_206 = arith.constant 0 : i32
      %dma_start3A_207 = tpu.memref_slice %arg6[%add3A_205, %dma_start3A_206] : memref<82x128xi32, #tpu.memory_space<vmem>> -> memref<1x128xi32, #tpu.memory_space<vmem>>
      %dma_start3A_208 = tpu.memref_squeeze %dma_start3A_207 : memref<1x128xi32, #tpu.memory_space<vmem>> -> memref<128xi32, #tpu.memory_space<vmem>>
      %dma_start3A_209 = arith.constant 0 : i32
      %dma_start3A_210 = arith.constant 0 : i32
      %dma_start3A_211 = tpu.memref_slice %arg4[%dma_start3A_209, %dma_start3A_210] : memref<10240x128xf32, #tpu.memory_space<hbm>> -> memref<10240x128xf32, #tpu.memory_space<hbm>>
      tpu.enqueue_indirect_dma source(%dma_start3A_211 : memref<10240x128xf32, #tpu.memory_space<hbm>>) target(%arg9 : memref<128x128xf32, #tpu.memory_space<vmem>>) offsets(%dma_start3A_208 : memref<128xi32, #tpu.memory_space<vmem>>) semaphore(%arg12 : memref<!tpu.dma_semaphore, #tpu.memory_space<semaphore_mem>>)
      %mul3A_212 = arith.constant 8 : i32
      %mul3A_213 = arith.muli %scan3A_130, %mul3A_212 : i32
      %add3A_214 = arith.constant 4 : i32
      %add3A_215 = arith.addi %mul3A_213, %add3A_214 : i32
      %dma_wait3A_216 = arith.constant 0 : i32
      %dma_wait3A_217 = arith.constant 0 : i32
      %dma_wait3A_218 = tpu.memref_slice %arg6[%dma_wait3A_216, %dma_wait3A_217] : memref<82x128xi32, #tpu.memory_space<vmem>> -> memref<1x128xi32, #tpu.memory_space<vmem>>
      %dma_wait3A_219 = tpu.memref_squeeze %dma_wait3A_218 : memref<1x128xi32, #tpu.memory_space<vmem>> -> memref<128xi32, #tpu.memory_space<vmem>>
      %dma_wait3A_220 = arith.constant 0 : i32
      %dma_wait3A_221 = arith.constant 0 : i32
      %dma_wait3A_222 = tpu.memref_slice %arg4[%dma_wait3A_220, %dma_wait3A_221] : memref<10240x128xf32, #tpu.memory_space<hbm>> -> memref<10240x128xf32, #tpu.memory_space<hbm>>
      tpu.wait_indirect_dma semaphore(%arg11 : memref<!tpu.dma_semaphore, #tpu.memory_space<semaphore_mem>>) src(%dma_wait3A_222 : memref<10240x128xf32, #tpu.memory_space<hbm>>) dst(%arg8 : memref<128x128xf32, #tpu.memory_space<vmem>>)
      %run_scoped3A_223 = arith.constant 4 : i32
      "tpu.region"() ({
        %run_scoped3A_292 = tpu.sem_alloc : memref<!tpu.dma_semaphore, #tpu.memory_space<semaphore_mem>>
        %dma_start3A_293 = arith.constant 0 : i32
        %dma_start3A_294 = tpu.memref_slice %arg7[%run_scoped3A_223, %dma_start3A_293] : memref<8x128xi32, #tpu.memory_space<vmem>> -> memref<1x128xi32, #tpu.memory_space<vmem>>
        %dma_start3A_295 = tpu.memref_squeeze %dma_start3A_294 : memref<1x128xi32, #tpu.memory_space<vmem>> -> memref<128xi32, #tpu.memory_space<vmem>>
        %dma_start3A_296 = arith.constant 0 : i32
        %dma_start3A_297 = arith.constant 0 : i32
        %dma_start3A_298 = tpu.memref_slice %arg10[%dma_start3A_296, %dma_start3A_297] : memref<10240x128xf32, #tpu.memory_space<vmem_shared>> -> memref<10240x128xf32, #tpu.memory_space<vmem_shared>>
        tpu.enqueue_indirect_dma source(%arg8 : memref<128x128xf32, #tpu.memory_space<vmem>>) target(%dma_start3A_298 : memref<10240x128xf32, #tpu.memory_space<vmem_shared>>) offsets(%dma_start3A_295 : memref<128xi32, #tpu.memory_space<vmem>>) semaphore(%run_scoped3A_292 : memref<!tpu.dma_semaphore, #tpu.memory_space<semaphore_mem>>) {add = true}
        %dma_wait3A_299 = arith.constant 0 : i32
        %dma_wait3A_300 = tpu.memref_slice %arg7[%run_scoped3A_223, %dma_wait3A_299] : memref<8x128xi32, #tpu.memory_space<vmem>> -> memref<1x128xi32, #tpu.memory_space<vmem>>
        %dma_wait3A_301 = tpu.memref_squeeze %dma_wait3A_300 : memref<1x128xi32, #tpu.memory_space<vmem>> -> memref<128xi32, #tpu.memory_space<vmem>>
        %dma_wait3A_302 = arith.constant 0 : i32
        %dma_wait3A_303 = arith.constant 0 : i32
        %dma_wait3A_304 = tpu.memref_slice %arg10[%dma_wait3A_302, %dma_wait3A_303] : memref<10240x128xf32, #tpu.memory_space<vmem_shared>> -> memref<10240x128xf32, #tpu.memory_space<vmem_shared>>
        tpu.wait_indirect_dma semaphore(%run_scoped3A_292 : memref<!tpu.dma_semaphore, #tpu.memory_space<semaphore_mem>>) src(%arg8 : memref<128x128xf32, #tpu.memory_space<vmem>>) dst(%dma_wait3A_304 : memref<10240x128xf32, #tpu.memory_space<vmem_shared>>)
        tpu.yield
      }) : () -> ()
      %add3A_224 = arith.constant 2 : i32
      %add3A_225 = arith.addi %add3A_215, %add3A_224 : i32
      %dma_start3A_226 = arith.constant 0 : i32
      %dma_start3A_227 = tpu.memref_slice %arg6[%add3A_225, %dma_start3A_226] : memref<82x128xi32, #tpu.memory_space<vmem>> -> memref<1x128xi32, #tpu.memory_space<vmem>>
      %dma_start3A_228 = tpu.memref_squeeze %dma_start3A_227 : memref<1x128xi32, #tpu.memory_space<vmem>> -> memref<128xi32, #tpu.memory_space<vmem>>
      %dma_start3A_229 = arith.constant 0 : i32
      %dma_start3A_230 = arith.constant 0 : i32
      %dma_start3A_231 = tpu.memref_slice %arg4[%dma_start3A_229, %dma_start3A_230] : memref<10240x128xf32, #tpu.memory_space<hbm>> -> memref<10240x128xf32, #tpu.memory_space<hbm>>
      tpu.enqueue_indirect_dma source(%dma_start3A_231 : memref<10240x128xf32, #tpu.memory_space<hbm>>) target(%arg8 : memref<128x128xf32, #tpu.memory_space<vmem>>) offsets(%dma_start3A_228 : memref<128xi32, #tpu.memory_space<vmem>>) semaphore(%arg11 : memref<!tpu.dma_semaphore, #tpu.memory_space<semaphore_mem>>)
      %mul3A_232 = arith.constant 8 : i32
      %mul3A_233 = arith.muli %scan3A_130, %mul3A_232 : i32
      %add3A_234 = arith.constant 5 : i32
      %add3A_235 = arith.addi %mul3A_233, %add3A_234 : i32
      %dma_wait3A_236 = arith.constant 0 : i32
      %dma_wait3A_237 = arith.constant 0 : i32
      %dma_wait3A_238 = tpu.memref_slice %arg6[%dma_wait3A_236, %dma_wait3A_237] : memref<82x128xi32, #tpu.memory_space<vmem>> -> memref<1x128xi32, #tpu.memory_space<vmem>>
      %dma_wait3A_239 = tpu.memref_squeeze %dma_wait3A_238 : memref<1x128xi32, #tpu.memory_space<vmem>> -> memref<128xi32, #tpu.memory_space<vmem>>
      %dma_wait3A_240 = arith.constant 0 : i32
      %dma_wait3A_241 = arith.constant 0 : i32
      %dma_wait3A_242 = tpu.memref_slice %arg4[%dma_wait3A_240, %dma_wait3A_241] : memref<10240x128xf32, #tpu.memory_space<hbm>> -> memref<10240x128xf32, #tpu.memory_space<hbm>>
      tpu.wait_indirect_dma semaphore(%arg12 : memref<!tpu.dma_semaphore, #tpu.memory_space<semaphore_mem>>) src(%dma_wait3A_242 : memref<10240x128xf32, #tpu.memory_space<hbm>>) dst(%arg9 : memref<128x128xf32, #tpu.memory_space<vmem>>)
      %run_scoped3A_243 = arith.constant 5 : i32
      "tpu.region"() ({
        %run_scoped3A_292 = tpu.sem_alloc : memref<!tpu.dma_semaphore, #tpu.memory_space<semaphore_mem>>
        %dma_start3A_293 = arith.constant 0 : i32
        %dma_start3A_294 = tpu.memref_slice %arg7[%run_scoped3A_243, %dma_start3A_293] : memref<8x128xi32, #tpu.memory_space<vmem>> -> memref<1x128xi32, #tpu.memory_space<vmem>>
        %dma_start3A_295 = tpu.memref_squeeze %dma_start3A_294 : memref<1x128xi32, #tpu.memory_space<vmem>> -> memref<128xi32, #tpu.memory_space<vmem>>
        %dma_start3A_296 = arith.constant 0 : i32
        %dma_start3A_297 = arith.constant 0 : i32
        %dma_start3A_298 = tpu.memref_slice %arg10[%dma_start3A_296, %dma_start3A_297] : memref<10240x128xf32, #tpu.memory_space<vmem_shared>> -> memref<10240x128xf32, #tpu.memory_space<vmem_shared>>
        tpu.enqueue_indirect_dma source(%arg9 : memref<128x128xf32, #tpu.memory_space<vmem>>) target(%dma_start3A_298 : memref<10240x128xf32, #tpu.memory_space<vmem_shared>>) offsets(%dma_start3A_295 : memref<128xi32, #tpu.memory_space<vmem>>) semaphore(%run_scoped3A_292 : memref<!tpu.dma_semaphore, #tpu.memory_space<semaphore_mem>>) {add = true}
        %dma_wait3A_299 = arith.constant 0 : i32
        %dma_wait3A_300 = tpu.memref_slice %arg7[%run_scoped3A_243, %dma_wait3A_299] : memref<8x128xi32, #tpu.memory_space<vmem>> -> memref<1x128xi32, #tpu.memory_space<vmem>>
        %dma_wait3A_301 = tpu.memref_squeeze %dma_wait3A_300 : memref<1x128xi32, #tpu.memory_space<vmem>> -> memref<128xi32, #tpu.memory_space<vmem>>
        %dma_wait3A_302 = arith.constant 0 : i32
        %dma_wait3A_303 = arith.constant 0 : i32
        %dma_wait3A_304 = tpu.memref_slice %arg10[%dma_wait3A_302, %dma_wait3A_303] : memref<10240x128xf32, #tpu.memory_space<vmem_shared>> -> memref<10240x128xf32, #tpu.memory_space<vmem_shared>>
        tpu.wait_indirect_dma semaphore(%run_scoped3A_292 : memref<!tpu.dma_semaphore, #tpu.memory_space<semaphore_mem>>) src(%arg9 : memref<128x128xf32, #tpu.memory_space<vmem>>) dst(%dma_wait3A_304 : memref<10240x128xf32, #tpu.memory_space<vmem_shared>>)
        tpu.yield
      }) : () -> ()
      %add3A_244 = arith.constant 2 : i32
      %add3A_245 = arith.addi %add3A_235, %add3A_244 : i32
      %dma_start3A_246 = arith.constant 0 : i32
      %dma_start3A_247 = tpu.memref_slice %arg6[%add3A_245, %dma_start3A_246] : memref<82x128xi32, #tpu.memory_space<vmem>> -> memref<1x128xi32, #tpu.memory_space<vmem>>
      %dma_start3A_248 = tpu.memref_squeeze %dma_start3A_247 : memref<1x128xi32, #tpu.memory_space<vmem>> -> memref<128xi32, #tpu.memory_space<vmem>>
      %dma_start3A_249 = arith.constant 0 : i32
      %dma_start3A_250 = arith.constant 0 : i32
      %dma_start3A_251 = tpu.memref_slice %arg4[%dma_start3A_249, %dma_start3A_250] : memref<10240x128xf32, #tpu.memory_space<hbm>> -> memref<10240x128xf32, #tpu.memory_space<hbm>>
      tpu.enqueue_indirect_dma source(%dma_start3A_251 : memref<10240x128xf32, #tpu.memory_space<hbm>>) target(%arg9 : memref<128x128xf32, #tpu.memory_space<vmem>>) offsets(%dma_start3A_248 : memref<128xi32, #tpu.memory_space<vmem>>) semaphore(%arg12 : memref<!tpu.dma_semaphore, #tpu.memory_space<semaphore_mem>>)
      %mul3A_252 = arith.constant 8 : i32
      %mul3A_253 = arith.muli %scan3A_130, %mul3A_252 : i32
      %add3A_254 = arith.constant 6 : i32
      %add3A_255 = arith.addi %mul3A_253, %add3A_254 : i32
      %dma_wait3A_256 = arith.constant 0 : i32
      %dma_wait3A_257 = arith.constant 0 : i32
      %dma_wait3A_258 = tpu.memref_slice %arg6[%dma_wait3A_256, %dma_wait3A_257] : memref<82x128xi32, #tpu.memory_space<vmem>> -> memref<1x128xi32, #tpu.memory_space<vmem>>
      %dma_wait3A_259 = tpu.memref_squeeze %dma_wait3A_258 : memref<1x128xi32, #tpu.memory_space<vmem>> -> memref<128xi32, #tpu.memory_space<vmem>>
      %dma_wait3A_260 = arith.constant 0 : i32
      %dma_wait3A_261 = arith.constant 0 : i32
      %dma_wait3A_262 = tpu.memref_slice %arg4[%dma_wait3A_260, %dma_wait3A_261] : memref<10240x128xf32, #tpu.memory_space<hbm>> -> memref<10240x128xf32, #tpu.memory_space<hbm>>
      tpu.wait_indirect_dma semaphore(%arg11 : memref<!tpu.dma_semaphore, #tpu.memory_space<semaphore_mem>>) src(%dma_wait3A_262 : memref<10240x128xf32, #tpu.memory_space<hbm>>) dst(%arg8 : memref<128x128xf32, #tpu.memory_space<vmem>>)
      %run_scoped3A_263 = arith.constant 6 : i32
      "tpu.region"() ({
        %run_scoped3A_292 = tpu.sem_alloc : memref<!tpu.dma_semaphore, #tpu.memory_space<semaphore_mem>>
        %dma_start3A_293 = arith.constant 0 : i32
        %dma_start3A_294 = tpu.memref_slice %arg7[%run_scoped3A_263, %dma_start3A_293] : memref<8x128xi32, #tpu.memory_space<vmem>> -> memref<1x128xi32, #tpu.memory_space<vmem>>
        %dma_start3A_295 = tpu.memref_squeeze %dma_start3A_294 : memref<1x128xi32, #tpu.memory_space<vmem>> -> memref<128xi32, #tpu.memory_space<vmem>>
        %dma_start3A_296 = arith.constant 0 : i32
        %dma_start3A_297 = arith.constant 0 : i32
        %dma_start3A_298 = tpu.memref_slice %arg10[%dma_start3A_296, %dma_start3A_297] : memref<10240x128xf32, #tpu.memory_space<vmem_shared>> -> memref<10240x128xf32, #tpu.memory_space<vmem_shared>>
        tpu.enqueue_indirect_dma source(%arg8 : memref<128x128xf32, #tpu.memory_space<vmem>>) target(%dma_start3A_298 : memref<10240x128xf32, #tpu.memory_space<vmem_shared>>) offsets(%dma_start3A_295 : memref<128xi32, #tpu.memory_space<vmem>>) semaphore(%run_scoped3A_292 : memref<!tpu.dma_semaphore, #tpu.memory_space<semaphore_mem>>) {add = true}
        %dma_wait3A_299 = arith.constant 0 : i32
        %dma_wait3A_300 = tpu.memref_slice %arg7[%run_scoped3A_263, %dma_wait3A_299] : memref<8x128xi32, #tpu.memory_space<vmem>> -> memref<1x128xi32, #tpu.memory_space<vmem>>
        %dma_wait3A_301 = tpu.memref_squeeze %dma_wait3A_300 : memref<1x128xi32, #tpu.memory_space<vmem>> -> memref<128xi32, #tpu.memory_space<vmem>>
        %dma_wait3A_302 = arith.constant 0 : i32
        %dma_wait3A_303 = arith.constant 0 : i32
        %dma_wait3A_304 = tpu.memref_slice %arg10[%dma_wait3A_302, %dma_wait3A_303] : memref<10240x128xf32, #tpu.memory_space<vmem_shared>> -> memref<10240x128xf32, #tpu.memory_space<vmem_shared>>
        tpu.wait_indirect_dma semaphore(%run_scoped3A_292 : memref<!tpu.dma_semaphore, #tpu.memory_space<semaphore_mem>>) src(%arg8 : memref<128x128xf32, #tpu.memory_space<vmem>>) dst(%dma_wait3A_304 : memref<10240x128xf32, #tpu.memory_space<vmem_shared>>)
        tpu.yield
      }) : () -> ()
      %add3A_264 = arith.constant 2 : i32
      %add3A_265 = arith.addi %add3A_255, %add3A_264 : i32
      %dma_start3A_266 = arith.constant 0 : i32
      %dma_start3A_267 = tpu.memref_slice %arg6[%add3A_265, %dma_start3A_266] : memref<82x128xi32, #tpu.memory_space<vmem>> -> memref<1x128xi32, #tpu.memory_space<vmem>>
      %dma_start3A_268 = tpu.memref_squeeze %dma_start3A_267 : memref<1x128xi32, #tpu.memory_space<vmem>> -> memref<128xi32, #tpu.memory_space<vmem>>
      %dma_start3A_269 = arith.constant 0 : i32
      %dma_start3A_270 = arith.constant 0 : i32
      %dma_start3A_271 = tpu.memref_slice %arg4[%dma_start3A_269, %dma_start3A_270] : memref<10240x128xf32, #tpu.memory_space<hbm>> -> memref<10240x128xf32, #tpu.memory_space<hbm>>
      tpu.enqueue_indirect_dma source(%dma_start3A_271 : memref<10240x128xf32, #tpu.memory_space<hbm>>) target(%arg8 : memref<128x128xf32, #tpu.memory_space<vmem>>) offsets(%dma_start3A_268 : memref<128xi32, #tpu.memory_space<vmem>>) semaphore(%arg11 : memref<!tpu.dma_semaphore, #tpu.memory_space<semaphore_mem>>)
      %mul3A_272 = arith.constant 8 : i32
      %mul3A_273 = arith.muli %scan3A_130, %mul3A_272 : i32
      %add3A_274 = arith.constant 7 : i32
      %add3A_275 = arith.addi %mul3A_273, %add3A_274 : i32
      %dma_wait3A_276 = arith.constant 0 : i32
      %dma_wait3A_277 = arith.constant 0 : i32
      %dma_wait3A_278 = tpu.memref_slice %arg6[%dma_wait3A_276, %dma_wait3A_277] : memref<82x128xi32, #tpu.memory_space<vmem>> -> memref<1x128xi32, #tpu.memory_space<vmem>>
      %dma_wait3A_279 = tpu.memref_squeeze %dma_wait3A_278 : memref<1x128xi32, #tpu.memory_space<vmem>> -> memref<128xi32, #tpu.memory_space<vmem>>
      %dma_wait3A_280 = arith.constant 0 : i32
      %dma_wait3A_281 = arith.constant 0 : i32
      %dma_wait3A_282 = tpu.memref_slice %arg4[%dma_wait3A_280, %dma_wait3A_281] : memref<10240x128xf32, #tpu.memory_space<hbm>> -> memref<10240x128xf32, #tpu.memory_space<hbm>>
      tpu.wait_indirect_dma semaphore(%arg12 : memref<!tpu.dma_semaphore, #tpu.memory_space<semaphore_mem>>) src(%dma_wait3A_282 : memref<10240x128xf32, #tpu.memory_space<hbm>>) dst(%arg9 : memref<128x128xf32, #tpu.memory_space<vmem>>)
      %run_scoped3A_283 = arith.constant 7 : i32
      "tpu.region"() ({
        %run_scoped3A_292 = tpu.sem_alloc : memref<!tpu.dma_semaphore, #tpu.memory_space<semaphore_mem>>
        %dma_start3A_293 = arith.constant 0 : i32
        %dma_start3A_294 = tpu.memref_slice %arg7[%run_scoped3A_283, %dma_start3A_293] : memref<8x128xi32, #tpu.memory_space<vmem>> -> memref<1x128xi32, #tpu.memory_space<vmem>>
        %dma_start3A_295 = tpu.memref_squeeze %dma_start3A_294 : memref<1x128xi32, #tpu.memory_space<vmem>> -> memref<128xi32, #tpu.memory_space<vmem>>
        %dma_start3A_296 = arith.constant 0 : i32
        %dma_start3A_297 = arith.constant 0 : i32
        %dma_start3A_298 = tpu.memref_slice %arg10[%dma_start3A_296, %dma_start3A_297] : memref<10240x128xf32, #tpu.memory_space<vmem_shared>> -> memref<10240x128xf32, #tpu.memory_space<vmem_shared>>
        tpu.enqueue_indirect_dma source(%arg9 : memref<128x128xf32, #tpu.memory_space<vmem>>) target(%dma_start3A_298 : memref<10240x128xf32, #tpu.memory_space<vmem_shared>>) offsets(%dma_start3A_295 : memref<128xi32, #tpu.memory_space<vmem>>) semaphore(%run_scoped3A_292 : memref<!tpu.dma_semaphore, #tpu.memory_space<semaphore_mem>>) {add = true}
        %dma_wait3A_299 = arith.constant 0 : i32
        %dma_wait3A_300 = tpu.memref_slice %arg7[%run_scoped3A_283, %dma_wait3A_299] : memref<8x128xi32, #tpu.memory_space<vmem>> -> memref<1x128xi32, #tpu.memory_space<vmem>>
        %dma_wait3A_301 = tpu.memref_squeeze %dma_wait3A_300 : memref<1x128xi32, #tpu.memory_space<vmem>> -> memref<128xi32, #tpu.memory_space<vmem>>
        %dma_wait3A_302 = arith.constant 0 : i32
        %dma_wait3A_303 = arith.constant 0 : i32
        %dma_wait3A_304 = tpu.memref_slice %arg10[%dma_wait3A_302, %dma_wait3A_303] : memref<10240x128xf32, #tpu.memory_space<vmem_shared>> -> memref<10240x128xf32, #tpu.memory_space<vmem_shared>>
        tpu.wait_indirect_dma semaphore(%run_scoped3A_292 : memref<!tpu.dma_semaphore, #tpu.memory_space<semaphore_mem>>) src(%arg9 : memref<128x128xf32, #tpu.memory_space<vmem>>) dst(%dma_wait3A_304 : memref<10240x128xf32, #tpu.memory_space<vmem_shared>>)
        tpu.yield
      }) : () -> ()
      %add3A_284 = arith.constant 2 : i32
      %add3A_285 = arith.addi %add3A_275, %add3A_284 : i32
      %dma_start3A_286 = arith.constant 0 : i32
      %dma_start3A_287 = tpu.memref_slice %arg6[%add3A_285, %dma_start3A_286] : memref<82x128xi32, #tpu.memory_space<vmem>> -> memref<1x128xi32, #tpu.memory_space<vmem>>
      %dma_start3A_288 = tpu.memref_squeeze %dma_start3A_287 : memref<1x128xi32, #tpu.memory_space<vmem>> -> memref<128xi32, #tpu.memory_space<vmem>>
      %dma_start3A_289 = arith.constant 0 : i32
      %dma_start3A_290 = arith.constant 0 : i32
      %dma_start3A_291 = tpu.memref_slice %arg4[%dma_start3A_289, %dma_start3A_290] : memref<10240x128xf32, #tpu.memory_space<hbm>> -> memref<10240x128xf32, #tpu.memory_space<hbm>>
      tpu.enqueue_indirect_dma source(%dma_start3A_291 : memref<10240x128xf32, #tpu.memory_space<hbm>>) target(%arg9 : memref<128x128xf32, #tpu.memory_space<vmem>>) offsets(%dma_start3A_288 : memref<128xi32, #tpu.memory_space<vmem>>) semaphore(%arg12 : memref<!tpu.dma_semaphore, #tpu.memory_space<semaphore_mem>>)
    }
    %scan3A_108 = arith.constant 10 : i32
    %dma_wait3A = arith.constant 0 : i32
    %dma_wait3A_109 = arith.constant 0 : i32
    %dma_wait3A_110 = tpu.memref_slice %arg6[%dma_wait3A, %dma_wait3A_109] : memref<82x128xi32, #tpu.memory_space<vmem>> -> memref<1x128xi32, #tpu.memory_space<vmem>>
    %dma_wait3A_111 = tpu.memref_squeeze %dma_wait3A_110 : memref<1x128xi32, #tpu.memory_space<vmem>> -> memref<128xi32, #tpu.memory_space<vmem>>
    %dma_wait3A_112 = arith.constant 0 : i32
    %dma_wait3A_113 = arith.constant 0 : i32
    %dma_wait3A_114 = tpu.memref_slice %arg4[%dma_wait3A_112, %dma_wait3A_113] : memref<10240x128xf32, #tpu.memory_space<hbm>> -> memref<10240x128xf32, #tpu.memory_space<hbm>>
    tpu.wait_indirect_dma semaphore(%arg11 : memref<!tpu.dma_semaphore, #tpu.memory_space<semaphore_mem>>) src(%dma_wait3A_114 : memref<10240x128xf32, #tpu.memory_space<hbm>>) dst(%arg8 : memref<128x128xf32, #tpu.memory_space<vmem>>)
    %dma_wait3A_115 = arith.constant 0 : i32
    %dma_wait3A_116 = arith.constant 0 : i32
    %dma_wait3A_117 = tpu.memref_slice %arg6[%dma_wait3A_115, %dma_wait3A_116] : memref<82x128xi32, #tpu.memory_space<vmem>> -> memref<1x128xi32, #tpu.memory_space<vmem>>
    %dma_wait3A_118 = tpu.memref_squeeze %dma_wait3A_117 : memref<1x128xi32, #tpu.memory_space<vmem>> -> memref<128xi32, #tpu.memory_space<vmem>>
    %dma_wait3A_119 = arith.constant 0 : i32
    %dma_wait3A_120 = arith.constant 0 : i32
    %dma_wait3A_121 = tpu.memref_slice %arg4[%dma_wait3A_119, %dma_wait3A_120] : memref<10240x128xf32, #tpu.memory_space<hbm>> -> memref<10240x128xf32, #tpu.memory_space<hbm>>
    tpu.wait_indirect_dma semaphore(%arg12 : memref<!tpu.dma_semaphore, #tpu.memory_space<semaphore_mem>>) src(%dma_wait3A_121 : memref<10240x128xf32, #tpu.memory_space<hbm>>) dst(%arg9 : memref<128x128xf32, #tpu.memory_space<vmem>>)
    %barrier3A_122 = arith.constant 0 : index
    tpu.barrier barrier_id(%barrier3A_122)
    %mul3A_123 = arith.constant 640 : i32
    %mul3A_124 = arith.muli %arg1, %mul3A_123 : i32
    %mul3A_125 = arith.constant 10240 : i32
    %mul3A_126 = arith.muli %arg0, %mul3A_125 : i32
    %mul3A_127 = arith.constant 640 : i32
    %mul3A_128 = arith.muli %arg1, %mul3A_127 : i32
    %add3A_129 = arith.addi %mul3A_126, %mul3A_128 : i32
    "tpu.region"() ({
      %run_scoped3A = tpu.sem_alloc : memref<!tpu.dma_semaphore, #tpu.memory_space<semaphore_mem>>
      %dma_start3A_130 = arith.constant 0 : i32
      %dma_start3A_131 = tpu.memref_slice %arg5[%add3A_129, %dma_start3A_130] : memref<20480x128xf32, #tpu.memory_space<hbm>> -> memref<640x128xf32, #tpu.memory_space<hbm>>
      %dma_start3A_132 = arith.constant 0 : i32
      %dma_start3A_133 = tpu.memref_slice %arg10[%mul3A_124, %dma_start3A_132] : memref<10240x128xf32, #tpu.memory_space<vmem_shared>> -> memref<640x128xf32, #tpu.memory_space<vmem_shared>>
      tpu.enqueue_dma source(%dma_start3A_133 : memref<640x128xf32, #tpu.memory_space<vmem_shared>>) target(%dma_start3A_131 : memref<640x128xf32, #tpu.memory_space<hbm>>) target_semaphore(%run_scoped3A : memref<!tpu.dma_semaphore, #tpu.memory_space<semaphore_mem>>)
      %dma_wait3A_134 = arith.constant 0 : i32
      %dma_wait3A_135 = tpu.memref_slice %arg5[%add3A_129, %dma_wait3A_134] : memref<20480x128xf32, #tpu.memory_space<hbm>> -> memref<640x128xf32, #tpu.memory_space<hbm>>
      %dma_wait3A_136 = arith.constant 0 : i32
      %dma_wait3A_137 = tpu.memref_slice %arg10[%mul3A_124, %dma_wait3A_136] : memref<10240x128xf32, #tpu.memory_space<vmem_shared>> -> memref<640x128xf32, #tpu.memory_space<vmem_shared>>
      tpu.wait_dma2 semaphore(%run_scoped3A : memref<!tpu.dma_semaphore, #tpu.memory_space<semaphore_mem>>) src(%dma_wait3A_137 : memref<640x128xf32, #tpu.memory_space<vmem_shared>>) dst(%dma_wait3A_135 : memref<640x128xf32, #tpu.memory_space<hbm>>)
      tpu.yield
    }) : () -> ()
    return
  }
}

#map = affine_map<(d0, d1) -> (0, 0, 0)>
#map1 = affine_map<(d0, d1) -> (0)>
module attributes {stable_mosaic.version = 14 : i64} {
  func.func @_sc_degree(%arg0: i32, %arg1: i32, %arg2: memref<32x80x128xi32, #tpu.memory_space<hbm>>, %arg3: memref<327680xf32, #tpu.memory_space<hbm>>, %arg4: memref<80x128xi32, #tpu.memory_space<vmem>>, %arg5: memref<10240xf32, #tpu.memory_space<vmem>>) attributes {dimension_semantics = [#tpu.dimension_semantics<core_parallel>, #tpu.dimension_semantics<subcore_parallel>], iteration_bounds = array<i64: 2, 16>, scalar_prefetch = 0 : i64, scratch_operands = 2 : i64, tpu.core_type = #tpu.core_type<sc_vector_subcore>, window_params = [{transform_indices = #map}, {transform_indices = #map1}]} {
    %mul3A = arith.constant 16 : i32
    %mul3A_0 = arith.muli %arg0, %mul3A : i32
    %add3A = arith.addi %mul3A_0, %arg1 : i32
    "tpu.region"() ({
      %run_scoped3A = tpu.sem_alloc : memref<!tpu.dma_semaphore, #tpu.memory_space<semaphore_mem>>
      %dma_start3A = arith.constant 0 : i32
      %dma_start3A_15 = arith.constant 0 : i32
      %dma_start3A_16 = tpu.memref_slice %arg2[%add3A, %dma_start3A, %dma_start3A_15] : memref<32x80x128xi32, #tpu.memory_space<hbm>> -> memref<1x80x128xi32, #tpu.memory_space<hbm>>
      %dma_start3A_17 = tpu.memref_squeeze %dma_start3A_16 : memref<1x80x128xi32, #tpu.memory_space<hbm>> -> memref<80x128xi32, #tpu.memory_space<hbm>>
      %dma_start3A_18 = arith.constant 0 : i32
      %dma_start3A_19 = arith.constant 0 : i32
      %dma_start3A_20 = tpu.memref_slice %arg2[%add3A, %dma_start3A_18, %dma_start3A_19] : memref<32x80x128xi32, #tpu.memory_space<hbm>> -> memref<1x80x128xi32, #tpu.memory_space<hbm>>
      %dma_start3A_21 = tpu.memref_squeeze %dma_start3A_20 : memref<1x80x128xi32, #tpu.memory_space<hbm>> -> memref<80x128xi32, #tpu.memory_space<hbm>>
      tpu.enqueue_dma source(%dma_start3A_21 : memref<80x128xi32, #tpu.memory_space<hbm>>) target(%arg4 : memref<80x128xi32, #tpu.memory_space<vmem>>) target_semaphore(%run_scoped3A : memref<!tpu.dma_semaphore, #tpu.memory_space<semaphore_mem>>)
      %dma_wait3A = arith.constant 0 : i32
      %dma_wait3A_22 = arith.constant 0 : i32
      %dma_wait3A_23 = tpu.memref_slice %arg2[%add3A, %dma_wait3A, %dma_wait3A_22] : memref<32x80x128xi32, #tpu.memory_space<hbm>> -> memref<1x80x128xi32, #tpu.memory_space<hbm>>
      %dma_wait3A_24 = tpu.memref_squeeze %dma_wait3A_23 : memref<1x80x128xi32, #tpu.memory_space<hbm>> -> memref<80x128xi32, #tpu.memory_space<hbm>>
      %dma_wait3A_25 = arith.constant 0 : i32
      %dma_wait3A_26 = arith.constant 0 : i32
      %dma_wait3A_27 = tpu.memref_slice %arg2[%add3A, %dma_wait3A_25, %dma_wait3A_26] : memref<32x80x128xi32, #tpu.memory_space<hbm>> -> memref<1x80x128xi32, #tpu.memory_space<hbm>>
      %dma_wait3A_28 = tpu.memref_squeeze %dma_wait3A_27 : memref<1x80x128xi32, #tpu.memory_space<hbm>> -> memref<80x128xi32, #tpu.memory_space<hbm>>
      tpu.wait_dma2 semaphore(%run_scoped3A : memref<!tpu.dma_semaphore, #tpu.memory_space<semaphore_mem>>) src(%dma_wait3A_28 : memref<80x128xi32, #tpu.memory_space<hbm>>) dst(%arg4 : memref<80x128xi32, #tpu.memory_space<vmem>>)
      tpu.yield
    }) : () -> ()
    %broadcast_in_dim3A = arith.constant 0.000000e+00 : f32
    %broadcast_in_dim3A_1 = vector.broadcast %broadcast_in_dim3A : f32 to vector<16xf32>
    %broadcast_in_dim3A_2 = arith.constant 1.000000e+00 : f32
    %broadcast_in_dim3A_3 = vector.broadcast %broadcast_in_dim3A_2 : f32 to vector<16xf32>
    %scan3A = arith.constant 0 : i32
    %scan3A_4 = arith.constant 640 : i32
    %scan3A_5 = arith.addi %scan3A, %scan3A_4 : i32
    %scan3A_6 = arith.constant 1 : i32
    scf.for %scan3A_15 = %scan3A to %scan3A_5 step %scan3A_6  : i32 {
      %mul3A_16 = arith.constant 16 : i32
      %mul3A_17 = arith.muli %scan3A_15, %mul3A_16 : i32
      %swap3A = arith.index_cast %mul3A_17 : i32 to index
      %swap3A_18 = tpu.vector_load %arg5[%swap3A] {strides = array<i32>} : memref<10240xf32, #tpu.memory_space<vmem>>, vector<16xf32>,
      tpu.vector_store %arg5[%swap3A], %broadcast_in_dim3A_1 {strides = array<i32>} : memref<10240xf32, #tpu.memory_space<vmem>>, vector<16xf32>,
    }
    %scan3A_7 = arith.constant 640 : i32
    %scan3A_8 = arith.constant 0 : i32
    %scan3A_9 = arith.constant 80 : i32
    %scan3A_10 = arith.addi %scan3A_8, %scan3A_9 : i32
    %scan3A_11 = arith.constant 1 : i32
    scf.for %scan3A_15 = %scan3A_8 to %scan3A_10 step %scan3A_11  : i32 {
      %get3A = arith.index_cast %scan3A_15 : i32 to index
      %get3A_16 = arith.constant 0 : index
      %get3A_17 = tpu.vector_load %arg4[%get3A, %get3A_16] {strides = array<i32>} : memref<80x128xi32, #tpu.memory_space<vmem>>, vector<16xi32>,
      tpu.vector_store_idx %arg5[%get3A_17], %broadcast_in_dim3A_3 {add = true} : memref<10240xf32, #tpu.memory_space<vmem>>[vector<16xi32>], vector<16xf32>,
      %get3A_18 = arith.index_cast %scan3A_15 : i32 to index
      %get3A_19 = arith.constant 16 : index
      %get3A_20 = tpu.vector_load %arg4[%get3A_18, %get3A_19] {strides = array<i32>} : memref<80x128xi32, #tpu.memory_space<vmem>>, vector<16xi32>,
      tpu.vector_store_idx %arg5[%get3A_20], %broadcast_in_dim3A_3 {add = true} : memref<10240xf32, #tpu.memory_space<vmem>>[vector<16xi32>], vector<16xf32>,
      %get3A_21 = arith.index_cast %scan3A_15 : i32 to index
      %get3A_22 = arith.constant 32 : index
      %get3A_23 = tpu.vector_load %arg4[%get3A_21, %get3A_22] {strides = array<i32>} : memref<80x128xi32, #tpu.memory_space<vmem>>, vector<16xi32>,
      tpu.vector_store_idx %arg5[%get3A_23], %broadcast_in_dim3A_3 {add = true} : memref<10240xf32, #tpu.memory_space<vmem>>[vector<16xi32>], vector<16xf32>,
      %get3A_24 = arith.index_cast %scan3A_15 : i32 to index
      %get3A_25 = arith.constant 48 : index
      %get3A_26 = tpu.vector_load %arg4[%get3A_24, %get3A_25] {strides = array<i32>} : memref<80x128xi32, #tpu.memory_space<vmem>>, vector<16xi32>,
      tpu.vector_store_idx %arg5[%get3A_26], %broadcast_in_dim3A_3 {add = true} : memref<10240xf32, #tpu.memory_space<vmem>>[vector<16xi32>], vector<16xf32>,
      %get3A_27 = arith.index_cast %scan3A_15 : i32 to index
      %get3A_28 = arith.constant 64 : index
      %get3A_29 = tpu.vector_load %arg4[%get3A_27, %get3A_28] {strides = array<i32>} : memref<80x128xi32, #tpu.memory_space<vmem>>, vector<16xi32>,
      tpu.vector_store_idx %arg5[%get3A_29], %broadcast_in_dim3A_3 {add = true} : memref<10240xf32, #tpu.memory_space<vmem>>[vector<16xi32>], vector<16xf32>,
      %get3A_30 = arith.index_cast %scan3A_15 : i32 to index
      %get3A_31 = arith.constant 80 : index
      %get3A_32 = tpu.vector_load %arg4[%get3A_30, %get3A_31] {strides = array<i32>} : memref<80x128xi32, #tpu.memory_space<vmem>>, vector<16xi32>,
      tpu.vector_store_idx %arg5[%get3A_32], %broadcast_in_dim3A_3 {add = true} : memref<10240xf32, #tpu.memory_space<vmem>>[vector<16xi32>], vector<16xf32>,
      %get3A_33 = arith.index_cast %scan3A_15 : i32 to index
      %get3A_34 = arith.constant 96 : index
      %get3A_35 = tpu.vector_load %arg4[%get3A_33, %get3A_34] {strides = array<i32>} : memref<80x128xi32, #tpu.memory_space<vmem>>, vector<16xi32>,
      tpu.vector_store_idx %arg5[%get3A_35], %broadcast_in_dim3A_3 {add = true} : memref<10240xf32, #tpu.memory_space<vmem>>[vector<16xi32>], vector<16xf32>,
      %get3A_36 = arith.index_cast %scan3A_15 : i32 to index
      %get3A_37 = arith.constant 112 : index
      %get3A_38 = tpu.vector_load %arg4[%get3A_36, %get3A_37] {strides = array<i32>} : memref<80x128xi32, #tpu.memory_space<vmem>>, vector<16xi32>,
      tpu.vector_store_idx %arg5[%get3A_38], %broadcast_in_dim3A_3 {add = true} : memref<10240xf32, #tpu.memory_space<vmem>>[vector<16xi32>], vector<16xf32>,
    }
    %scan3A_12 = arith.constant 80 : i32
    %mul3A_13 = arith.constant 10240 : i32
    %mul3A_14 = arith.muli %add3A, %mul3A_13 : i32
    "tpu.region"() ({
      %run_scoped3A = tpu.sem_alloc : memref<!tpu.dma_semaphore, #tpu.memory_space<semaphore_mem>>
      %dma_start3A = tpu.memref_slice %arg3[%mul3A_14] : memref<327680xf32, #tpu.memory_space<hbm>> -> memref<10240xf32, #tpu.memory_space<hbm>>
      %dma_start3A_15 = tpu.memref_slice %arg3[%mul3A_14] : memref<327680xf32, #tpu.memory_space<hbm>> -> memref<10240xf32, #tpu.memory_space<hbm>>
      tpu.enqueue_dma source(%arg5 : memref<10240xf32, #tpu.memory_space<vmem>>) target(%dma_start3A_15 : memref<10240xf32, #tpu.memory_space<hbm>>) target_semaphore(%run_scoped3A : memref<!tpu.dma_semaphore, #tpu.memory_space<semaphore_mem>>)
      %dma_wait3A = tpu.memref_slice %arg3[%mul3A_14] : memref<327680xf32, #tpu.memory_space<hbm>> -> memref<10240xf32, #tpu.memory_space<hbm>>
      %dma_wait3A_16 = tpu.memref_slice %arg3[%mul3A_14] : memref<327680xf32, #tpu.memory_space<hbm>> -> memref<10240xf32, #tpu.memory_space<hbm>>
      tpu.wait_dma2 semaphore(%run_scoped3A : memref<!tpu.dma_semaphore, #tpu.memory_space<semaphore_mem>>) src(%arg5 : memref<10240xf32, #tpu.memory_space<vmem>>) dst(%dma_wait3A_16 : memref<10240xf32, #tpu.memory_space<hbm>>)
      tpu.yield
    }) : () -> ()
    return
  }
}

#map = affine_map<(d0, d1) -> (0, 0, 0)>
#map1 = affine_map<(d0, d1) -> (0, 0)>
module attributes {stable_mosaic.version = 14 : i64} {
  func.func @_sc_scatter(%arg0: i32, %arg1: i32, %arg2: memref<32x80x128xi32, #tpu.memory_space<hbm>>, %arg3: memref<32x80x128xi32, #tpu.memory_space<hbm>>, %arg4: memref<10240x128xf32, #tpu.memory_space<hbm>>, %arg5: memref<20480x128xf32, #tpu.memory_space<hbm>>, %arg6: memref<82x128xi32, #tpu.memory_space<vmem>>, %arg7: memref<8x128xi32, #tpu.memory_space<vmem>>, %arg8: memref<128x128xf32, #tpu.memory_space<vmem>>, %arg9: memref<128x128xf32, #tpu.memory_space<vmem>>, %arg10: memref<10240x128xf32, #tpu.memory_space<vmem_shared>>, %arg11: memref<!tpu.dma_semaphore, #tpu.memory_space<semaphore_mem>>, %arg12: memref<!tpu.dma_semaphore, #tpu.memory_space<semaphore_mem>>) attributes {dimension_semantics = [#tpu.dimension_semantics<core_parallel>, #tpu.dimension_semantics<subcore_parallel>], iteration_bounds = array<i64: 2, 16>, scalar_prefetch = 0 : i64, scratch_operands = 7 : i64, tpu.core_type = #tpu.core_type<sc_vector_subcore>, window_params = [{transform_indices = #map}, {transform_indices = #map}, {transform_indices = #map1}, {transform_indices = #map1}]} {
    %mul3A = arith.constant 16 : i32
    %mul3A_0 = arith.muli %arg0, %mul3A : i32
    %add3A = arith.addi %mul3A_0, %arg1 : i32
    "tpu.region"() ({
      %run_scoped3A = tpu.sem_alloc : memref<!tpu.dma_semaphore, #tpu.memory_space<semaphore_mem>>
      %dma_start3A_130 = arith.constant 0 : i32
      %dma_start3A_131 = arith.constant 0 : i32
      %dma_start3A_132 = tpu.memref_slice %arg6[%dma_start3A_130, %dma_start3A_131] : memref<82x128xi32, #tpu.memory_space<vmem>> -> memref<80x128xi32, #tpu.memory_space<vmem>>
      %dma_start3A_133 = arith.constant 0 : i32
      %dma_start3A_134 = arith.constant 0 : i32
      %dma_start3A_135 = tpu.memref_slice %arg2[%add3A, %dma_start3A_133, %dma_start3A_134] : memref<32x80x128xi32, #tpu.memory_space<hbm>> -> memref<1x80x128xi32, #tpu.memory_space<hbm>>
      %dma_start3A_136 = tpu.memref_squeeze %dma_start3A_135 : memref<1x80x128xi32, #tpu.memory_space<hbm>> -> memref<80x128xi32, #tpu.memory_space<hbm>>
      %dma_start3A_137 = arith.constant 0 : i32
      %dma_start3A_138 = arith.constant 0 : i32
      %dma_start3A_139 = tpu.memref_slice %arg6[%dma_start3A_137, %dma_start3A_138] : memref<82x128xi32, #tpu.memory_space<vmem>> -> memref<80x128xi32, #tpu.memory_space<vmem>>
      %dma_start3A_140 = arith.constant 0 : i32
      %dma_start3A_141 = arith.constant 0 : i32
      %dma_start3A_142 = tpu.memref_slice %arg2[%add3A, %dma_start3A_140, %dma_start3A_141] : memref<32x80x128xi32, #tpu.memory_space<hbm>> -> memref<1x80x128xi32, #tpu.memory_space<hbm>>
      %dma_start3A_143 = tpu.memref_squeeze %dma_start3A_142 : memref<1x80x128xi32, #tpu.memory_space<hbm>> -> memref<80x128xi32, #tpu.memory_space<hbm>>
      tpu.enqueue_dma source(%dma_start3A_143 : memref<80x128xi32, #tpu.memory_space<hbm>>) target(%dma_start3A_139 : memref<80x128xi32, #tpu.memory_space<vmem>>) target_semaphore(%run_scoped3A : memref<!tpu.dma_semaphore, #tpu.memory_space<semaphore_mem>>)
      %dma_wait3A_144 = arith.constant 0 : i32
      %dma_wait3A_145 = arith.constant 0 : i32
      %dma_wait3A_146 = tpu.memref_slice %arg6[%dma_wait3A_144, %dma_wait3A_145] : memref<82x128xi32, #tpu.memory_space<vmem>> -> memref<80x128xi32, #tpu.memory_space<vmem>>
      %dma_wait3A_147 = arith.constant 0 : i32
      %dma_wait3A_148 = arith.constant 0 : i32
      %dma_wait3A_149 = tpu.memref_slice %arg2[%add3A, %dma_wait3A_147, %dma_wait3A_148] : memref<32x80x128xi32, #tpu.memory_space<hbm>> -> memref<1x80x128xi32, #tpu.memory_space<hbm>>
      %dma_wait3A_150 = tpu.memref_squeeze %dma_wait3A_149 : memref<1x80x128xi32, #tpu.memory_space<hbm>> -> memref<80x128xi32, #tpu.memory_space<hbm>>
      %dma_wait3A_151 = arith.constant 0 : i32
      %dma_wait3A_152 = arith.constant 0 : i32
      %dma_wait3A_153 = tpu.memref_slice %arg6[%dma_wait3A_151, %dma_wait3A_152] : memref<82x128xi32, #tpu.memory_space<vmem>> -> memref<80x128xi32, #tpu.memory_space<vmem>>
      %dma_wait3A_154 = arith.constant 0 : i32
      %dma_wait3A_155 = arith.constant 0 : i32
      %dma_wait3A_156 = tpu.memref_slice %arg2[%add3A, %dma_wait3A_154, %dma_wait3A_155] : memref<32x80x128xi32, #tpu.memory_space<hbm>> -> memref<1x80x128xi32, #tpu.memory_space<hbm>>
      %dma_wait3A_157 = tpu.memref_squeeze %dma_wait3A_156 : memref<1x80x128xi32, #tpu.memory_space<hbm>> -> memref<80x128xi32, #tpu.memory_space<hbm>>
      tpu.wait_dma2 semaphore(%run_scoped3A : memref<!tpu.dma_semaphore, #tpu.memory_space<semaphore_mem>>) src(%dma_wait3A_157 : memref<80x128xi32, #tpu.memory_space<hbm>>) dst(%dma_wait3A_153 : memref<80x128xi32, #tpu.memory_space<vmem>>)
      tpu.yield
    }) : () -> ()
    %broadcast_in_dim3A = arith.constant 0 : i32
    %broadcast_in_dim3A_1 = vector.broadcast %broadcast_in_dim3A : i32 to vector<16xi32>
    %swap3A = arith.constant 80 : i32
    %swap3A_2 = arith.index_cast %swap3A : i32 to index
    %swap3A_3 = arith.constant 0 : index
    %swap3A_4 = tpu.vector_load %arg6[%swap3A_2, %swap3A_3] {strides = array<i32>} : memref<82x128xi32, #tpu.memory_space<vmem>>, vector<16xi32>,
    tpu.vector_store %arg6[%swap3A_2, %swap3A_3], %broadcast_in_dim3A_1 {strides = array<i32>} : memref<82x128xi32, #tpu.memory_space<vmem>>, vector<16xi32>,
    %swap3A_5 = arith.constant 81 : i32
    %swap3A_6 = arith.index_cast %swap3A_5 : i32 to index
    %swap3A_7 = arith.constant 0 : index
    %swap3A_8 = tpu.vector_load %arg6[%swap3A_6, %swap3A_7] {strides = array<i32>} : memref<82x128xi32, #tpu.memory_space<vmem>>, vector<16xi32>,
    tpu.vector_store %arg6[%swap3A_6, %swap3A_7], %broadcast_in_dim3A_1 {strides = array<i32>} : memref<82x128xi32, #tpu.memory_space<vmem>>, vector<16xi32>,
    %swap3A_9 = arith.constant 80 : i32
    %swap3A_10 = arith.index_cast %swap3A_9 : i32 to index
    %swap3A_11 = arith.constant 16 : index
    %swap3A_12 = tpu.vector_load %arg6[%swap3A_10, %swap3A_11] {strides = array<i32>} : memref<82x128xi32, #tpu.memory_space<vmem>>, vector<16xi32>,
    tpu.vector_store %arg6[%swap3A_10, %swap3A_11], %broadcast_in_dim3A_1 {strides = array<i32>} : memref<82x128xi32, #tpu.memory_space<vmem>>, vector<16xi32>,
    %swap3A_13 = arith.constant 81 : i32
    %swap3A_14 = arith.index_cast %swap3A_13 : i32 to index
    %swap3A_15 = arith.constant 16 : index
    %swap3A_16 = tpu.vector_load %arg6[%swap3A_14, %swap3A_15] {strides = array<i32>} : memref<82x128xi32, #tpu.memory_space<vmem>>, vector<16xi32>,
    tpu.vector_store %arg6[%swap3A_14, %swap3A_15], %broadcast_in_dim3A_1 {strides = array<i32>} : memref<82x128xi32, #tpu.memory_space<vmem>>, vector<16xi32>,
    %swap3A_17 = arith.constant 80 : i32
    %swap3A_18 = arith.index_cast %swap3A_17 : i32 to index
    %swap3A_19 = arith.constant 32 : index
    %swap3A_20 = tpu.vector_load %arg6[%swap3A_18, %swap3A_19] {strides = array<i32>} : memref<82x128xi32, #tpu.memory_space<vmem>>, vector<16xi32>,
    tpu.vector_store %arg6[%swap3A_18, %swap3A_19], %broadcast_in_dim3A_1 {strides = array<i32>} : memref<82x128xi32, #tpu.memory_space<vmem>>, vector<16xi32>,
    %swap3A_21 = arith.constant 81 : i32
    %swap3A_22 = arith.index_cast %swap3A_21 : i32 to index
    %swap3A_23 = arith.constant 32 : index
    %swap3A_24 = tpu.vector_load %arg6[%swap3A_22, %swap3A_23] {strides = array<i32>} : memref<82x128xi32, #tpu.memory_space<vmem>>, vector<16xi32>,
    tpu.vector_store %arg6[%swap3A_22, %swap3A_23], %broadcast_in_dim3A_1 {strides = array<i32>} : memref<82x128xi32, #tpu.memory_space<vmem>>, vector<16xi32>,
    %swap3A_25 = arith.constant 80 : i32
    %swap3A_26 = arith.index_cast %swap3A_25 : i32 to index
    %swap3A_27 = arith.constant 48 : index
    %swap3A_28 = tpu.vector_load %arg6[%swap3A_26, %swap3A_27] {strides = array<i32>} : memref<82x128xi32, #tpu.memory_space<vmem>>, vector<16xi32>,
    tpu.vector_store %arg6[%swap3A_26, %swap3A_27], %broadcast_in_dim3A_1 {strides = array<i32>} : memref<82x128xi32, #tpu.memory_space<vmem>>, vector<16xi32>,
    %swap3A_29 = arith.constant 81 : i32
    %swap3A_30 = arith.index_cast %swap3A_29 : i32 to index
    %swap3A_31 = arith.constant 48 : index
    %swap3A_32 = tpu.vector_load %arg6[%swap3A_30, %swap3A_31] {strides = array<i32>} : memref<82x128xi32, #tpu.memory_space<vmem>>, vector<16xi32>,
    tpu.vector_store %arg6[%swap3A_30, %swap3A_31], %broadcast_in_dim3A_1 {strides = array<i32>} : memref<82x128xi32, #tpu.memory_space<vmem>>, vector<16xi32>,
    %swap3A_33 = arith.constant 80 : i32
    %swap3A_34 = arith.index_cast %swap3A_33 : i32 to index
    %swap3A_35 = arith.constant 64 : index
    %swap3A_36 = tpu.vector_load %arg6[%swap3A_34, %swap3A_35] {strides = array<i32>} : memref<82x128xi32, #tpu.memory_space<vmem>>, vector<16xi32>,
    tpu.vector_store %arg6[%swap3A_34, %swap3A_35], %broadcast_in_dim3A_1 {strides = array<i32>} : memref<82x128xi32, #tpu.memory_space<vmem>>, vector<16xi32>,
    %swap3A_37 = arith.constant 81 : i32
    %swap3A_38 = arith.index_cast %swap3A_37 : i32 to index
    %swap3A_39 = arith.constant 64 : index
    %swap3A_40 = tpu.vector_load %arg6[%swap3A_38, %swap3A_39] {strides = array<i32>} : memref<82x128xi32, #tpu.memory_space<vmem>>, vector<16xi32>,
    tpu.vector_store %arg6[%swap3A_38, %swap3A_39], %broadcast_in_dim3A_1 {strides = array<i32>} : memref<82x128xi32, #tpu.memory_space<vmem>>, vector<16xi32>,
    %swap3A_41 = arith.constant 80 : i32
    %swap3A_42 = arith.index_cast %swap3A_41 : i32 to index
    %swap3A_43 = arith.constant 80 : index
    %swap3A_44 = tpu.vector_load %arg6[%swap3A_42, %swap3A_43] {strides = array<i32>} : memref<82x128xi32, #tpu.memory_space<vmem>>, vector<16xi32>,
    tpu.vector_store %arg6[%swap3A_42, %swap3A_43], %broadcast_in_dim3A_1 {strides = array<i32>} : memref<82x128xi32, #tpu.memory_space<vmem>>, vector<16xi32>,
    %swap3A_45 = arith.constant 81 : i32
    %swap3A_46 = arith.index_cast %swap3A_45 : i32 to index
    %swap3A_47 = arith.constant 80 : index
    %swap3A_48 = tpu.vector_load %arg6[%swap3A_46, %swap3A_47] {strides = array<i32>} : memref<82x128xi32, #tpu.memory_space<vmem>>, vector<16xi32>,
    tpu.vector_store %arg6[%swap3A_46, %swap3A_47], %broadcast_in_dim3A_1 {strides = array<i32>} : memref<82x128xi32, #tpu.memory_space<vmem>>, vector<16xi32>,
    %swap3A_49 = arith.constant 80 : i32
    %swap3A_50 = arith.index_cast %swap3A_49 : i32 to index
    %swap3A_51 = arith.constant 96 : index
    %swap3A_52 = tpu.vector_load %arg6[%swap3A_50, %swap3A_51] {strides = array<i32>} : memref<82x128xi32, #tpu.memory_space<vmem>>, vector<16xi32>,
    tpu.vector_store %arg6[%swap3A_50, %swap3A_51], %broadcast_in_dim3A_1 {strides = array<i32>} : memref<82x128xi32, #tpu.memory_space<vmem>>, vector<16xi32>,
    %swap3A_53 = arith.constant 81 : i32
    %swap3A_54 = arith.index_cast %swap3A_53 : i32 to index
    %swap3A_55 = arith.constant 96 : index
    %swap3A_56 = tpu.vector_load %arg6[%swap3A_54, %swap3A_55] {strides = array<i32>} : memref<82x128xi32, #tpu.memory_space<vmem>>, vector<16xi32>,
    tpu.vector_store %arg6[%swap3A_54, %swap3A_55], %broadcast_in_dim3A_1 {strides = array<i32>} : memref<82x128xi32, #tpu.memory_space<vmem>>, vector<16xi32>,
    %swap3A_57 = arith.constant 80 : i32
    %swap3A_58 = arith.index_cast %swap3A_57 : i32 to index
    %swap3A_59 = arith.constant 112 : index
    %swap3A_60 = tpu.vector_load %arg6[%swap3A_58, %swap3A_59] {strides = array<i32>} : memref<82x128xi32, #tpu.memory_space<vmem>>, vector<16xi32>,
    tpu.vector_store %arg6[%swap3A_58, %swap3A_59], %broadcast_in_dim3A_1 {strides = array<i32>} : memref<82x128xi32, #tpu.memory_space<vmem>>, vector<16xi32>,
    %swap3A_61 = arith.constant 81 : i32
    %swap3A_62 = arith.index_cast %swap3A_61 : i32 to index
    %swap3A_63 = arith.constant 112 : index
    %swap3A_64 = tpu.vector_load %arg6[%swap3A_62, %swap3A_63] {strides = array<i32>} : memref<82x128xi32, #tpu.memory_space<vmem>>, vector<16xi32>,
    tpu.vector_store %arg6[%swap3A_62, %swap3A_63], %broadcast_in_dim3A_1 {strides = array<i32>} : memref<82x128xi32, #tpu.memory_space<vmem>>, vector<16xi32>,
    %broadcast_in_dim3A_65 = arith.constant 0.000000e+00 : f32
    %broadcast_in_dim3A_66 = vector.broadcast %broadcast_in_dim3A_65 : f32 to vector<16xf32>
    %scan3A = arith.constant 0 : i32
    %scan3A_67 = arith.constant 128 : i32
    %scan3A_68 = arith.addi %scan3A, %scan3A_67 : i32
    %scan3A_69 = arith.constant 1 : i32
    scf.for %scan3A_130 = %scan3A to %scan3A_68 step %scan3A_69  : i32 {
      %swap3A_131 = arith.index_cast %scan3A_130 : i32 to index
      %swap3A_132 = arith.constant 0 : index
      %swap3A_133 = tpu.vector_load %arg8[%swap3A_131, %swap3A_132] {strides = array<i32>} : memref<128x128xf32, #tpu.memory_space<vmem>>, vector<16xf32>,
      tpu.vector_store %arg8[%swap3A_131, %swap3A_132], %broadcast_in_dim3A_66 {strides = array<i32>} : memref<128x128xf32, #tpu.memory_space<vmem>>, vector<16xf32>,
      %swap3A_134 = arith.index_cast %scan3A_130 : i32 to index
      %swap3A_135 = arith.constant 16 : index
      %swap3A_136 = tpu.vector_load %arg8[%swap3A_134, %swap3A_135] {strides = array<i32>} : memref<128x128xf32, #tpu.memory_space<vmem>>, vector<16xf32>,
      tpu.vector_store %arg8[%swap3A_134, %swap3A_135], %broadcast_in_dim3A_66 {strides = array<i32>} : memref<128x128xf32, #tpu.memory_space<vmem>>, vector<16xf32>,
      %swap3A_137 = arith.index_cast %scan3A_130 : i32 to index
      %swap3A_138 = arith.constant 32 : index
      %swap3A_139 = tpu.vector_load %arg8[%swap3A_137, %swap3A_138] {strides = array<i32>} : memref<128x128xf32, #tpu.memory_space<vmem>>, vector<16xf32>,
      tpu.vector_store %arg8[%swap3A_137, %swap3A_138], %broadcast_in_dim3A_66 {strides = array<i32>} : memref<128x128xf32, #tpu.memory_space<vmem>>, vector<16xf32>,
      %swap3A_140 = arith.index_cast %scan3A_130 : i32 to index
      %swap3A_141 = arith.constant 48 : index
      %swap3A_142 = tpu.vector_load %arg8[%swap3A_140, %swap3A_141] {strides = array<i32>} : memref<128x128xf32, #tpu.memory_space<vmem>>, vector<16xf32>,
      tpu.vector_store %arg8[%swap3A_140, %swap3A_141], %broadcast_in_dim3A_66 {strides = array<i32>} : memref<128x128xf32, #tpu.memory_space<vmem>>, vector<16xf32>,
      %swap3A_143 = arith.index_cast %scan3A_130 : i32 to index
      %swap3A_144 = arith.constant 64 : index
      %swap3A_145 = tpu.vector_load %arg8[%swap3A_143, %swap3A_144] {strides = array<i32>} : memref<128x128xf32, #tpu.memory_space<vmem>>, vector<16xf32>,
      tpu.vector_store %arg8[%swap3A_143, %swap3A_144], %broadcast_in_dim3A_66 {strides = array<i32>} : memref<128x128xf32, #tpu.memory_space<vmem>>, vector<16xf32>,
      %swap3A_146 = arith.index_cast %scan3A_130 : i32 to index
      %swap3A_147 = arith.constant 80 : index
      %swap3A_148 = tpu.vector_load %arg8[%swap3A_146, %swap3A_147] {strides = array<i32>} : memref<128x128xf32, #tpu.memory_space<vmem>>, vector<16xf32>,
      tpu.vector_store %arg8[%swap3A_146, %swap3A_147], %broadcast_in_dim3A_66 {strides = array<i32>} : memref<128x128xf32, #tpu.memory_space<vmem>>, vector<16xf32>,
      %swap3A_149 = arith.index_cast %scan3A_130 : i32 to index
      %swap3A_150 = arith.constant 96 : index
      %swap3A_151 = tpu.vector_load %arg8[%swap3A_149, %swap3A_150] {strides = array<i32>} : memref<128x128xf32, #tpu.memory_space<vmem>>, vector<16xf32>,
      tpu.vector_store %arg8[%swap3A_149, %swap3A_150], %broadcast_in_dim3A_66 {strides = array<i32>} : memref<128x128xf32, #tpu.memory_space<vmem>>, vector<16xf32>,
      %swap3A_152 = arith.index_cast %scan3A_130 : i32 to index
      %swap3A_153 = arith.constant 112 : index
      %swap3A_154 = tpu.vector_load %arg8[%swap3A_152, %swap3A_153] {strides = array<i32>} : memref<128x128xf32, #tpu.memory_space<vmem>>, vector<16xf32>,
      tpu.vector_store %arg8[%swap3A_152, %swap3A_153], %broadcast_in_dim3A_66 {strides = array<i32>} : memref<128x128xf32, #tpu.memory_space<vmem>>, vector<16xf32>,
    }
    %scan3A_70 = arith.constant 128 : i32
    %mul3A_71 = arith.constant 640 : i32
    %mul3A_72 = arith.muli %arg1, %mul3A_71 : i32
    %add3A_73 = arith.constant 0 : i32
    %add3A_74 = arith.addi %mul3A_72, %add3A_73 : i32
    "tpu.region"() ({
      %run_scoped3A = tpu.sem_alloc : memref<!tpu.dma_semaphore, #tpu.memory_space<semaphore_mem>>
      %dma_start3A_130 = arith.constant 0 : i32
      %dma_start3A_131 = tpu.memref_slice %arg10[%add3A_74, %dma_start3A_130] : memref<10240x128xf32, #tpu.memory_space<vmem_shared>> -> memref<128x128xf32, #tpu.memory_space<vmem_shared>>
      %dma_start3A_132 = arith.constant 0 : i32
      %dma_start3A_133 = tpu.memref_slice %arg10[%add3A_74, %dma_start3A_132] : memref<10240x128xf32, #tpu.memory_space<vmem_shared>> -> memref<128x128xf32, #tpu.memory_space<vmem_shared>>
      tpu.enqueue_dma source(%arg8 : memref<128x128xf32, #tpu.memory_space<vmem>>) target(%dma_start3A_133 : memref<128x128xf32, #tpu.memory_space<vmem_shared>>) target_semaphore(%run_scoped3A : memref<!tpu.dma_semaphore, #tpu.memory_space<semaphore_mem>>)
      %dma_wait3A_134 = arith.constant 0 : i32
      %dma_wait3A_135 = tpu.memref_slice %arg10[%add3A_74, %dma_wait3A_134] : memref<10240x128xf32, #tpu.memory_space<vmem_shared>> -> memref<128x128xf32, #tpu.memory_space<vmem_shared>>
      %dma_wait3A_136 = arith.constant 0 : i32
      %dma_wait3A_137 = tpu.memref_slice %arg10[%add3A_74, %dma_wait3A_136] : memref<10240x128xf32, #tpu.memory_space<vmem_shared>> -> memref<128x128xf32, #tpu.memory_space<vmem_shared>>
      tpu.wait_dma2 semaphore(%run_scoped3A : memref<!tpu.dma_semaphore, #tpu.memory_space<semaphore_mem>>) src(%arg8 : memref<128x128xf32, #tpu.memory_space<vmem>>) dst(%dma_wait3A_137 : memref<128x128xf32, #tpu.memory_space<vmem_shared>>)
      tpu.yield
    }) : () -> ()
    %mul3A_75 = arith.constant 640 : i32
    %mul3A_76 = arith.muli %arg1, %mul3A_75 : i32
    %add3A_77 = arith.constant 128 : i32
    %add3A_78 = arith.addi %mul3A_76, %add3A_77 : i32
    "tpu.region"() ({
      %run_scoped3A = tpu.sem_alloc : memref<!tpu.dma_semaphore, #tpu.memory_space<semaphore_mem>>
      %dma_start3A_130 = arith.constant 0 : i32
      %dma_start3A_131 = tpu.memref_slice %arg10[%add3A_78, %dma_start3A_130] : memref<10240x128xf32, #tpu.memory_space<vmem_shared>> -> memref<128x128xf32, #tpu.memory_space<vmem_shared>>
      %dma_start3A_132 = arith.constant 0 : i32
      %dma_start3A_133 = tpu.memref_slice %arg10[%add3A_78, %dma_start3A_132] : memref<10240x128xf32, #tpu.memory_space<vmem_shared>> -> memref<128x128xf32, #tpu.memory_space<vmem_shared>>
      tpu.enqueue_dma source(%arg8 : memref<128x128xf32, #tpu.memory_space<vmem>>) target(%dma_start3A_133 : memref<128x128xf32, #tpu.memory_space<vmem_shared>>) target_semaphore(%run_scoped3A : memref<!tpu.dma_semaphore, #tpu.memory_space<semaphore_mem>>)
      %dma_wait3A_134 = arith.constant 0 : i32
      %dma_wait3A_135 = tpu.memref_slice %arg10[%add3A_78, %dma_wait3A_134] : memref<10240x128xf32, #tpu.memory_space<vmem_shared>> -> memref<128x128xf32, #tpu.memory_space<vmem_shared>>
      %dma_wait3A_136 = arith.constant 0 : i32
      %dma_wait3A_137 = tpu.memref_slice %arg10[%add3A_78, %dma_wait3A_136] : memref<10240x128xf32, #tpu.memory_space<vmem_shared>> -> memref<128x128xf32, #tpu.memory_space<vmem_shared>>
      tpu.wait_dma2 semaphore(%run_scoped3A : memref<!tpu.dma_semaphore, #tpu.memory_space<semaphore_mem>>) src(%arg8 : memref<128x128xf32, #tpu.memory_space<vmem>>) dst(%dma_wait3A_137 : memref<128x128xf32, #tpu.memory_space<vmem_shared>>)
      tpu.yield
    }) : () -> ()
    %mul3A_79 = arith.constant 640 : i32
    %mul3A_80 = arith.muli %arg1, %mul3A_79 : i32
    %add3A_81 = arith.constant 256 : i32
    %add3A_82 = arith.addi %mul3A_80, %add3A_81 : i32
    "tpu.region"() ({
      %run_scoped3A = tpu.sem_alloc : memref<!tpu.dma_semaphore, #tpu.memory_space<semaphore_mem>>
      %dma_start3A_130 = arith.constant 0 : i32
      %dma_start3A_131 = tpu.memref_slice %arg10[%add3A_82, %dma_start3A_130] : memref<10240x128xf32, #tpu.memory_space<vmem_shared>> -> memref<128x128xf32, #tpu.memory_space<vmem_shared>>
      %dma_start3A_132 = arith.constant 0 : i32
      %dma_start3A_133 = tpu.memref_slice %arg10[%add3A_82, %dma_start3A_132] : memref<10240x128xf32, #tpu.memory_space<vmem_shared>> -> memref<128x128xf32, #tpu.memory_space<vmem_shared>>
      tpu.enqueue_dma source(%arg8 : memref<128x128xf32, #tpu.memory_space<vmem>>) target(%dma_start3A_133 : memref<128x128xf32, #tpu.memory_space<vmem_shared>>) target_semaphore(%run_scoped3A : memref<!tpu.dma_semaphore, #tpu.memory_space<semaphore_mem>>)
      %dma_wait3A_134 = arith.constant 0 : i32
      %dma_wait3A_135 = tpu.memref_slice %arg10[%add3A_82, %dma_wait3A_134] : memref<10240x128xf32, #tpu.memory_space<vmem_shared>> -> memref<128x128xf32, #tpu.memory_space<vmem_shared>>
      %dma_wait3A_136 = arith.constant 0 : i32
      %dma_wait3A_137 = tpu.memref_slice %arg10[%add3A_82, %dma_wait3A_136] : memref<10240x128xf32, #tpu.memory_space<vmem_shared>> -> memref<128x128xf32, #tpu.memory_space<vmem_shared>>
      tpu.wait_dma2 semaphore(%run_scoped3A : memref<!tpu.dma_semaphore, #tpu.memory_space<semaphore_mem>>) src(%arg8 : memref<128x128xf32, #tpu.memory_space<vmem>>) dst(%dma_wait3A_137 : memref<128x128xf32, #tpu.memory_space<vmem_shared>>)
      tpu.yield
    }) : () -> ()
    %mul3A_83 = arith.constant 640 : i32
    %mul3A_84 = arith.muli %arg1, %mul3A_83 : i32
    %add3A_85 = arith.constant 384 : i32
    %add3A_86 = arith.addi %mul3A_84, %add3A_85 : i32
    "tpu.region"() ({
      %run_scoped3A = tpu.sem_alloc : memref<!tpu.dma_semaphore, #tpu.memory_space<semaphore_mem>>
      %dma_start3A_130 = arith.constant 0 : i32
      %dma_start3A_131 = tpu.memref_slice %arg10[%add3A_86, %dma_start3A_130] : memref<10240x128xf32, #tpu.memory_space<vmem_shared>> -> memref<128x128xf32, #tpu.memory_space<vmem_shared>>
      %dma_start3A_132 = arith.constant 0 : i32
      %dma_start3A_133 = tpu.memref_slice %arg10[%add3A_86, %dma_start3A_132] : memref<10240x128xf32, #tpu.memory_space<vmem_shared>> -> memref<128x128xf32, #tpu.memory_space<vmem_shared>>
      tpu.enqueue_dma source(%arg8 : memref<128x128xf32, #tpu.memory_space<vmem>>) target(%dma_start3A_133 : memref<128x128xf32, #tpu.memory_space<vmem_shared>>) target_semaphore(%run_scoped3A : memref<!tpu.dma_semaphore, #tpu.memory_space<semaphore_mem>>)
      %dma_wait3A_134 = arith.constant 0 : i32
      %dma_wait3A_135 = tpu.memref_slice %arg10[%add3A_86, %dma_wait3A_134] : memref<10240x128xf32, #tpu.memory_space<vmem_shared>> -> memref<128x128xf32, #tpu.memory_space<vmem_shared>>
      %dma_wait3A_136 = arith.constant 0 : i32
      %dma_wait3A_137 = tpu.memref_slice %arg10[%add3A_86, %dma_wait3A_136] : memref<10240x128xf32, #tpu.memory_space<vmem_shared>> -> memref<128x128xf32, #tpu.memory_space<vmem_shared>>
      tpu.wait_dma2 semaphore(%run_scoped3A : memref<!tpu.dma_semaphore, #tpu.memory_space<semaphore_mem>>) src(%arg8 : memref<128x128xf32, #tpu.memory_space<vmem>>) dst(%dma_wait3A_137 : memref<128x128xf32, #tpu.memory_space<vmem_shared>>)
      tpu.yield
    }) : () -> ()
    %mul3A_87 = arith.constant 640 : i32
    %mul3A_88 = arith.muli %arg1, %mul3A_87 : i32
    %add3A_89 = arith.constant 512 : i32
    %add3A_90 = arith.addi %mul3A_88, %add3A_89 : i32
    "tpu.region"() ({
      %run_scoped3A = tpu.sem_alloc : memref<!tpu.dma_semaphore, #tpu.memory_space<semaphore_mem>>
      %dma_start3A_130 = arith.constant 0 : i32
      %dma_start3A_131 = tpu.memref_slice %arg10[%add3A_90, %dma_start3A_130] : memref<10240x128xf32, #tpu.memory_space<vmem_shared>> -> memref<128x128xf32, #tpu.memory_space<vmem_shared>>
      %dma_start3A_132 = arith.constant 0 : i32
      %dma_start3A_133 = tpu.memref_slice %arg10[%add3A_90, %dma_start3A_132] : memref<10240x128xf32, #tpu.memory_space<vmem_shared>> -> memref<128x128xf32, #tpu.memory_space<vmem_shared>>
      tpu.enqueue_dma source(%arg8 : memref<128x128xf32, #tpu.memory_space<vmem>>) target(%dma_start3A_133 : memref<128x128xf32, #tpu.memory_space<vmem_shared>>) target_semaphore(%run_scoped3A : memref<!tpu.dma_semaphore, #tpu.memory_space<semaphore_mem>>)
      %dma_wait3A_134 = arith.constant 0 : i32
      %dma_wait3A_135 = tpu.memref_slice %arg10[%add3A_90, %dma_wait3A_134] : memref<10240x128xf32, #tpu.memory_space<vmem_shared>> -> memref<128x128xf32, #tpu.memory_space<vmem_shared>>
      %dma_wait3A_136 = arith.constant 0 : i32
      %dma_wait3A_137 = tpu.memref_slice %arg10[%add3A_90, %dma_wait3A_136] : memref<10240x128xf32, #tpu.memory_space<vmem_shared>> -> memref<128x128xf32, #tpu.memory_space<vmem_shared>>
      tpu.wait_dma2 semaphore(%run_scoped3A : memref<!tpu.dma_semaphore, #tpu.memory_space<semaphore_mem>>) src(%arg8 : memref<128x128xf32, #tpu.memory_space<vmem>>) dst(%dma_wait3A_137 : memref<128x128xf32, #tpu.memory_space<vmem_shared>>)
      tpu.yield
    }) : () -> ()
    %barrier3A = arith.constant 0 : index
    tpu.barrier barrier_id(%barrier3A)
    %dma_start3A = arith.constant 0 : i32
    %dma_start3A_91 = arith.constant 0 : i32
    %dma_start3A_92 = tpu.memref_slice %arg6[%dma_start3A, %dma_start3A_91] : memref<82x128xi32, #tpu.memory_space<vmem>> -> memref<1x128xi32, #tpu.memory_space<vmem>>
    %dma_start3A_93 = tpu.memref_squeeze %dma_start3A_92 : memref<1x128xi32, #tpu.memory_space<vmem>> -> memref<128xi32, #tpu.memory_space<vmem>>
    %dma_start3A_94 = arith.constant 0 : i32
    %dma_start3A_95 = arith.constant 0 : i32
    %dma_start3A_96 = tpu.memref_slice %arg4[%dma_start3A_94, %dma_start3A_95] : memref<10240x128xf32, #tpu.memory_space<hbm>> -> memref<10240x128xf32, #tpu.memory_space<hbm>>
    tpu.enqueue_indirect_dma source(%dma_start3A_96 : memref<10240x128xf32, #tpu.memory_space<hbm>>) target(%arg8 : memref<128x128xf32, #tpu.memory_space<vmem>>) offsets(%dma_start3A_93 : memref<128xi32, #tpu.memory_space<vmem>>) semaphore(%arg11 : memref<!tpu.dma_semaphore, #tpu.memory_space<semaphore_mem>>)
    %dma_start3A_97 = arith.constant 1 : i32
    %dma_start3A_98 = arith.constant 0 : i32
    %dma_start3A_99 = tpu.memref_slice %arg6[%dma_start3A_97, %dma_start3A_98] : memref<82x128xi32, #tpu.memory_space<vmem>> -> memref<1x128xi32, #tpu.memory_space<vmem>>
    %dma_start3A_100 = tpu.memref_squeeze %dma_start3A_99 : memref<1x128xi32, #tpu.memory_space<vmem>> -> memref<128xi32, #tpu.memory_space<vmem>>
    %dma_start3A_101 = arith.constant 0 : i32
    %dma_start3A_102 = arith.constant 0 : i32
    %dma_start3A_103 = tpu.memref_slice %arg4[%dma_start3A_101, %dma_start3A_102] : memref<10240x128xf32, #tpu.memory_space<hbm>> -> memref<10240x128xf32, #tpu.memory_space<hbm>>
    tpu.enqueue_indirect_dma source(%dma_start3A_103 : memref<10240x128xf32, #tpu.memory_space<hbm>>) target(%arg9 : memref<128x128xf32, #tpu.memory_space<vmem>>) offsets(%dma_start3A_100 : memref<128xi32, #tpu.memory_space<vmem>>) semaphore(%arg12 : memref<!tpu.dma_semaphore, #tpu.memory_space<semaphore_mem>>)
    %scan3A_104 = arith.constant 0 : i32
    %scan3A_105 = arith.constant 10 : i32
    %scan3A_106 = arith.addi %scan3A_104, %scan3A_105 : i32
    %scan3A_107 = arith.constant 1 : i32
    scf.for %scan3A_130 = %scan3A_104 to %scan3A_106 step %scan3A_107  : i32 {
      %mul3A_131 = arith.constant 8 : i32
      %mul3A_132 = arith.muli %scan3A_130, %mul3A_131 : i32
      "tpu.region"() ({
        %run_scoped3A_292 = tpu.sem_alloc : memref<!tpu.dma_semaphore, #tpu.memory_space<semaphore_mem>>
        %dma_start3A_293 = arith.constant 0 : i32
        %dma_start3A_294 = tpu.memref_slice %arg3[%add3A, %mul3A_132, %dma_start3A_293] : memref<32x80x128xi32, #tpu.memory_space<hbm>> -> memref<1x8x128xi32, #tpu.memory_space<hbm>>
        %dma_start3A_295 = tpu.memref_squeeze %dma_start3A_294 : memref<1x8x128xi32, #tpu.memory_space<hbm>> -> memref<8x128xi32, #tpu.memory_space<hbm>>
        %dma_start3A_296 = arith.constant 0 : i32
        %dma_start3A_297 = tpu.memref_slice %arg3[%add3A, %mul3A_132, %dma_start3A_296] : memref<32x80x128xi32, #tpu.memory_space<hbm>> -> memref<1x8x128xi32, #tpu.memory_space<hbm>>
        %dma_start3A_298 = tpu.memref_squeeze %dma_start3A_297 : memref<1x8x128xi32, #tpu.memory_space<hbm>> -> memref<8x128xi32, #tpu.memory_space<hbm>>
        tpu.enqueue_dma source(%dma_start3A_298 : memref<8x128xi32, #tpu.memory_space<hbm>>) target(%arg7 : memref<8x128xi32, #tpu.memory_space<vmem>>) target_semaphore(%run_scoped3A_292 : memref<!tpu.dma_semaphore, #tpu.memory_space<semaphore_mem>>)
        %dma_wait3A_299 = arith.constant 0 : i32
        %dma_wait3A_300 = tpu.memref_slice %arg3[%add3A, %mul3A_132, %dma_wait3A_299] : memref<32x80x128xi32, #tpu.memory_space<hbm>> -> memref<1x8x128xi32, #tpu.memory_space<hbm>>
        %dma_wait3A_301 = tpu.memref_squeeze %dma_wait3A_300 : memref<1x8x128xi32, #tpu.memory_space<hbm>> -> memref<8x128xi32, #tpu.memory_space<hbm>>
        %dma_wait3A_302 = arith.constant 0 : i32
        %dma_wait3A_303 = tpu.memref_slice %arg3[%add3A, %mul3A_132, %dma_wait3A_302] : memref<32x80x128xi32, #tpu.memory_space<hbm>> -> memref<1x8x128xi32, #tpu.memory_space<hbm>>
        %dma_wait3A_304 = tpu.memref_squeeze %dma_wait3A_303 : memref<1x8x128xi32, #tpu.memory_space<hbm>> -> memref<8x128xi32, #tpu.memory_space<hbm>>
        tpu.wait_dma2 semaphore(%run_scoped3A_292 : memref<!tpu.dma_semaphore, #tpu.memory_space<semaphore_mem>>) src(%dma_wait3A_304 : memref<8x128xi32, #tpu.memory_space<hbm>>) dst(%arg7 : memref<8x128xi32, #tpu.memory_space<vmem>>)
        tpu.yield
      }) : () -> ()
      %mul3A_133 = arith.constant 8 : i32
      %mul3A_134 = arith.muli %scan3A_130, %mul3A_133 : i32
      %add3A_135 = arith.constant 0 : i32
      %add3A_136 = arith.addi %mul3A_134, %add3A_135 : i32
      %dma_wait3A_137 = arith.constant 0 : i32
      %dma_wait3A_138 = arith.constant 0 : i32
      %dma_wait3A_139 = tpu.memref_slice %arg6[%dma_wait3A_137, %dma_wait3A_138] : memref<82x128xi32, #tpu.memory_space<vmem>> -> memref<1x128xi32, #tpu.memory_space<vmem>>
      %dma_wait3A_140 = tpu.memref_squeeze %dma_wait3A_139 : memref<1x128xi32, #tpu.memory_space<vmem>> -> memref<128xi32, #tpu.memory_space<vmem>>
      %dma_wait3A_141 = arith.constant 0 : i32
      %dma_wait3A_142 = arith.constant 0 : i32
      %dma_wait3A_143 = tpu.memref_slice %arg4[%dma_wait3A_141, %dma_wait3A_142] : memref<10240x128xf32, #tpu.memory_space<hbm>> -> memref<10240x128xf32, #tpu.memory_space<hbm>>
      tpu.wait_indirect_dma semaphore(%arg11 : memref<!tpu.dma_semaphore, #tpu.memory_space<semaphore_mem>>) src(%dma_wait3A_143 : memref<10240x128xf32, #tpu.memory_space<hbm>>) dst(%arg8 : memref<128x128xf32, #tpu.memory_space<vmem>>)
      %run_scoped3A = arith.constant 0 : i32
      "tpu.region"() ({
        %run_scoped3A_292 = tpu.sem_alloc : memref<!tpu.dma_semaphore, #tpu.memory_space<semaphore_mem>>
        %dma_start3A_293 = arith.constant 0 : i32
        %dma_start3A_294 = tpu.memref_slice %arg7[%run_scoped3A, %dma_start3A_293] : memref<8x128xi32, #tpu.memory_space<vmem>> -> memref<1x128xi32, #tpu.memory_space<vmem>>
        %dma_start3A_295 = tpu.memref_squeeze %dma_start3A_294 : memref<1x128xi32, #tpu.memory_space<vmem>> -> memref<128xi32, #tpu.memory_space<vmem>>
        %dma_start3A_296 = arith.constant 0 : i32
        %dma_start3A_297 = arith.constant 0 : i32
        %dma_start3A_298 = tpu.memref_slice %arg10[%dma_start3A_296, %dma_start3A_297] : memref<10240x128xf32, #tpu.memory_space<vmem_shared>> -> memref<10240x128xf32, #tpu.memory_space<vmem_shared>>
        tpu.enqueue_indirect_dma source(%arg8 : memref<128x128xf32, #tpu.memory_space<vmem>>) target(%dma_start3A_298 : memref<10240x128xf32, #tpu.memory_space<vmem_shared>>) offsets(%dma_start3A_295 : memref<128xi32, #tpu.memory_space<vmem>>) semaphore(%run_scoped3A_292 : memref<!tpu.dma_semaphore, #tpu.memory_space<semaphore_mem>>) {add = true}
        %dma_wait3A_299 = arith.constant 0 : i32
        %dma_wait3A_300 = tpu.memref_slice %arg7[%run_scoped3A, %dma_wait3A_299] : memref<8x128xi32, #tpu.memory_space<vmem>> -> memref<1x128xi32, #tpu.memory_space<vmem>>
        %dma_wait3A_301 = tpu.memref_squeeze %dma_wait3A_300 : memref<1x128xi32, #tpu.memory_space<vmem>> -> memref<128xi32, #tpu.memory_space<vmem>>
        %dma_wait3A_302 = arith.constant 0 : i32
        %dma_wait3A_303 = arith.constant 0 : i32
        %dma_wait3A_304 = tpu.memref_slice %arg10[%dma_wait3A_302, %dma_wait3A_303] : memref<10240x128xf32, #tpu.memory_space<vmem_shared>> -> memref<10240x128xf32, #tpu.memory_space<vmem_shared>>
        tpu.wait_indirect_dma semaphore(%run_scoped3A_292 : memref<!tpu.dma_semaphore, #tpu.memory_space<semaphore_mem>>) src(%arg8 : memref<128x128xf32, #tpu.memory_space<vmem>>) dst(%dma_wait3A_304 : memref<10240x128xf32, #tpu.memory_space<vmem_shared>>)
        tpu.yield
      }) : () -> ()
      %add3A_144 = arith.constant 2 : i32
      %add3A_145 = arith.addi %add3A_136, %add3A_144 : i32
      %dma_start3A_146 = arith.constant 0 : i32
      %dma_start3A_147 = tpu.memref_slice %arg6[%add3A_145, %dma_start3A_146] : memref<82x128xi32, #tpu.memory_space<vmem>> -> memref<1x128xi32, #tpu.memory_space<vmem>>
      %dma_start3A_148 = tpu.memref_squeeze %dma_start3A_147 : memref<1x128xi32, #tpu.memory_space<vmem>> -> memref<128xi32, #tpu.memory_space<vmem>>
      %dma_start3A_149 = arith.constant 0 : i32
      %dma_start3A_150 = arith.constant 0 : i32
      %dma_start3A_151 = tpu.memref_slice %arg4[%dma_start3A_149, %dma_start3A_150] : memref<10240x128xf32, #tpu.memory_space<hbm>> -> memref<10240x128xf32, #tpu.memory_space<hbm>>
      tpu.enqueue_indirect_dma source(%dma_start3A_151 : memref<10240x128xf32, #tpu.memory_space<hbm>>) target(%arg8 : memref<128x128xf32, #tpu.memory_space<vmem>>) offsets(%dma_start3A_148 : memref<128xi32, #tpu.memory_space<vmem>>) semaphore(%arg11 : memref<!tpu.dma_semaphore, #tpu.memory_space<semaphore_mem>>)
      %mul3A_152 = arith.constant 8 : i32
      %mul3A_153 = arith.muli %scan3A_130, %mul3A_152 : i32
      %add3A_154 = arith.constant 1 : i32
      %add3A_155 = arith.addi %mul3A_153, %add3A_154 : i32
      %dma_wait3A_156 = arith.constant 0 : i32
      %dma_wait3A_157 = arith.constant 0 : i32
      %dma_wait3A_158 = tpu.memref_slice %arg6[%dma_wait3A_156, %dma_wait3A_157] : memref<82x128xi32, #tpu.memory_space<vmem>> -> memref<1x128xi32, #tpu.memory_space<vmem>>
      %dma_wait3A_159 = tpu.memref_squeeze %dma_wait3A_158 : memref<1x128xi32, #tpu.memory_space<vmem>> -> memref<128xi32, #tpu.memory_space<vmem>>
      %dma_wait3A_160 = arith.constant 0 : i32
      %dma_wait3A_161 = arith.constant 0 : i32
      %dma_wait3A_162 = tpu.memref_slice %arg4[%dma_wait3A_160, %dma_wait3A_161] : memref<10240x128xf32, #tpu.memory_space<hbm>> -> memref<10240x128xf32, #tpu.memory_space<hbm>>
      tpu.wait_indirect_dma semaphore(%arg12 : memref<!tpu.dma_semaphore, #tpu.memory_space<semaphore_mem>>) src(%dma_wait3A_162 : memref<10240x128xf32, #tpu.memory_space<hbm>>) dst(%arg9 : memref<128x128xf32, #tpu.memory_space<vmem>>)
      %run_scoped3A_163 = arith.constant 1 : i32
      "tpu.region"() ({
        %run_scoped3A_292 = tpu.sem_alloc : memref<!tpu.dma_semaphore, #tpu.memory_space<semaphore_mem>>
        %dma_start3A_293 = arith.constant 0 : i32
        %dma_start3A_294 = tpu.memref_slice %arg7[%run_scoped3A_163, %dma_start3A_293] : memref<8x128xi32, #tpu.memory_space<vmem>> -> memref<1x128xi32, #tpu.memory_space<vmem>>
        %dma_start3A_295 = tpu.memref_squeeze %dma_start3A_294 : memref<1x128xi32, #tpu.memory_space<vmem>> -> memref<128xi32, #tpu.memory_space<vmem>>
        %dma_start3A_296 = arith.constant 0 : i32
        %dma_start3A_297 = arith.constant 0 : i32
        %dma_start3A_298 = tpu.memref_slice %arg10[%dma_start3A_296, %dma_start3A_297] : memref<10240x128xf32, #tpu.memory_space<vmem_shared>> -> memref<10240x128xf32, #tpu.memory_space<vmem_shared>>
        tpu.enqueue_indirect_dma source(%arg9 : memref<128x128xf32, #tpu.memory_space<vmem>>) target(%dma_start3A_298 : memref<10240x128xf32, #tpu.memory_space<vmem_shared>>) offsets(%dma_start3A_295 : memref<128xi32, #tpu.memory_space<vmem>>) semaphore(%run_scoped3A_292 : memref<!tpu.dma_semaphore, #tpu.memory_space<semaphore_mem>>) {add = true}
        %dma_wait3A_299 = arith.constant 0 : i32
        %dma_wait3A_300 = tpu.memref_slice %arg7[%run_scoped3A_163, %dma_wait3A_299] : memref<8x128xi32, #tpu.memory_space<vmem>> -> memref<1x128xi32, #tpu.memory_space<vmem>>
        %dma_wait3A_301 = tpu.memref_squeeze %dma_wait3A_300 : memref<1x128xi32, #tpu.memory_space<vmem>> -> memref<128xi32, #tpu.memory_space<vmem>>
        %dma_wait3A_302 = arith.constant 0 : i32
        %dma_wait3A_303 = arith.constant 0 : i32
        %dma_wait3A_304 = tpu.memref_slice %arg10[%dma_wait3A_302, %dma_wait3A_303] : memref<10240x128xf32, #tpu.memory_space<vmem_shared>> -> memref<10240x128xf32, #tpu.memory_space<vmem_shared>>
        tpu.wait_indirect_dma semaphore(%run_scoped3A_292 : memref<!tpu.dma_semaphore, #tpu.memory_space<semaphore_mem>>) src(%arg9 : memref<128x128xf32, #tpu.memory_space<vmem>>) dst(%dma_wait3A_304 : memref<10240x128xf32, #tpu.memory_space<vmem_shared>>)
        tpu.yield
      }) : () -> ()
      %add3A_164 = arith.constant 2 : i32
      %add3A_165 = arith.addi %add3A_155, %add3A_164 : i32
      %dma_start3A_166 = arith.constant 0 : i32
      %dma_start3A_167 = tpu.memref_slice %arg6[%add3A_165, %dma_start3A_166] : memref<82x128xi32, #tpu.memory_space<vmem>> -> memref<1x128xi32, #tpu.memory_space<vmem>>
      %dma_start3A_168 = tpu.memref_squeeze %dma_start3A_167 : memref<1x128xi32, #tpu.memory_space<vmem>> -> memref<128xi32, #tpu.memory_space<vmem>>
      %dma_start3A_169 = arith.constant 0 : i32
      %dma_start3A_170 = arith.constant 0 : i32
      %dma_start3A_171 = tpu.memref_slice %arg4[%dma_start3A_169, %dma_start3A_170] : memref<10240x128xf32, #tpu.memory_space<hbm>> -> memref<10240x128xf32, #tpu.memory_space<hbm>>
      tpu.enqueue_indirect_dma source(%dma_start3A_171 : memref<10240x128xf32, #tpu.memory_space<hbm>>) target(%arg9 : memref<128x128xf32, #tpu.memory_space<vmem>>) offsets(%dma_start3A_168 : memref<128xi32, #tpu.memory_space<vmem>>) semaphore(%arg12 : memref<!tpu.dma_semaphore, #tpu.memory_space<semaphore_mem>>)
      %mul3A_172 = arith.constant 8 : i32
      %mul3A_173 = arith.muli %scan3A_130, %mul3A_172 : i32
      %add3A_174 = arith.constant 2 : i32
      %add3A_175 = arith.addi %mul3A_173, %add3A_174 : i32
      %dma_wait3A_176 = arith.constant 0 : i32
      %dma_wait3A_177 = arith.constant 0 : i32
      %dma_wait3A_178 = tpu.memref_slice %arg6[%dma_wait3A_176, %dma_wait3A_177] : memref<82x128xi32, #tpu.memory_space<vmem>> -> memref<1x128xi32, #tpu.memory_space<vmem>>
      %dma_wait3A_179 = tpu.memref_squeeze %dma_wait3A_178 : memref<1x128xi32, #tpu.memory_space<vmem>> -> memref<128xi32, #tpu.memory_space<vmem>>
      %dma_wait3A_180 = arith.constant 0 : i32
      %dma_wait3A_181 = arith.constant 0 : i32
      %dma_wait3A_182 = tpu.memref_slice %arg4[%dma_wait3A_180, %dma_wait3A_181] : memref<10240x128xf32, #tpu.memory_space<hbm>> -> memref<10240x128xf32, #tpu.memory_space<hbm>>
      tpu.wait_indirect_dma semaphore(%arg11 : memref<!tpu.dma_semaphore, #tpu.memory_space<semaphore_mem>>) src(%dma_wait3A_182 : memref<10240x128xf32, #tpu.memory_space<hbm>>) dst(%arg8 : memref<128x128xf32, #tpu.memory_space<vmem>>)
      %run_scoped3A_183 = arith.constant 2 : i32
      "tpu.region"() ({
        %run_scoped3A_292 = tpu.sem_alloc : memref<!tpu.dma_semaphore, #tpu.memory_space<semaphore_mem>>
        %dma_start3A_293 = arith.constant 0 : i32
        %dma_start3A_294 = tpu.memref_slice %arg7[%run_scoped3A_183, %dma_start3A_293] : memref<8x128xi32, #tpu.memory_space<vmem>> -> memref<1x128xi32, #tpu.memory_space<vmem>>
        %dma_start3A_295 = tpu.memref_squeeze %dma_start3A_294 : memref<1x128xi32, #tpu.memory_space<vmem>> -> memref<128xi32, #tpu.memory_space<vmem>>
        %dma_start3A_296 = arith.constant 0 : i32
        %dma_start3A_297 = arith.constant 0 : i32
        %dma_start3A_298 = tpu.memref_slice %arg10[%dma_start3A_296, %dma_start3A_297] : memref<10240x128xf32, #tpu.memory_space<vmem_shared>> -> memref<10240x128xf32, #tpu.memory_space<vmem_shared>>
        tpu.enqueue_indirect_dma source(%arg8 : memref<128x128xf32, #tpu.memory_space<vmem>>) target(%dma_start3A_298 : memref<10240x128xf32, #tpu.memory_space<vmem_shared>>) offsets(%dma_start3A_295 : memref<128xi32, #tpu.memory_space<vmem>>) semaphore(%run_scoped3A_292 : memref<!tpu.dma_semaphore, #tpu.memory_space<semaphore_mem>>) {add = true}
        %dma_wait3A_299 = arith.constant 0 : i32
        %dma_wait3A_300 = tpu.memref_slice %arg7[%run_scoped3A_183, %dma_wait3A_299] : memref<8x128xi32, #tpu.memory_space<vmem>> -> memref<1x128xi32, #tpu.memory_space<vmem>>
        %dma_wait3A_301 = tpu.memref_squeeze %dma_wait3A_300 : memref<1x128xi32, #tpu.memory_space<vmem>> -> memref<128xi32, #tpu.memory_space<vmem>>
        %dma_wait3A_302 = arith.constant 0 : i32
        %dma_wait3A_303 = arith.constant 0 : i32
        %dma_wait3A_304 = tpu.memref_slice %arg10[%dma_wait3A_302, %dma_wait3A_303] : memref<10240x128xf32, #tpu.memory_space<vmem_shared>> -> memref<10240x128xf32, #tpu.memory_space<vmem_shared>>
        tpu.wait_indirect_dma semaphore(%run_scoped3A_292 : memref<!tpu.dma_semaphore, #tpu.memory_space<semaphore_mem>>) src(%arg8 : memref<128x128xf32, #tpu.memory_space<vmem>>) dst(%dma_wait3A_304 : memref<10240x128xf32, #tpu.memory_space<vmem_shared>>)
        tpu.yield
      }) : () -> ()
      %add3A_184 = arith.constant 2 : i32
      %add3A_185 = arith.addi %add3A_175, %add3A_184 : i32
      %dma_start3A_186 = arith.constant 0 : i32
      %dma_start3A_187 = tpu.memref_slice %arg6[%add3A_185, %dma_start3A_186] : memref<82x128xi32, #tpu.memory_space<vmem>> -> memref<1x128xi32, #tpu.memory_space<vmem>>
      %dma_start3A_188 = tpu.memref_squeeze %dma_start3A_187 : memref<1x128xi32, #tpu.memory_space<vmem>> -> memref<128xi32, #tpu.memory_space<vmem>>
      %dma_start3A_189 = arith.constant 0 : i32
      %dma_start3A_190 = arith.constant 0 : i32
      %dma_start3A_191 = tpu.memref_slice %arg4[%dma_start3A_189, %dma_start3A_190] : memref<10240x128xf32, #tpu.memory_space<hbm>> -> memref<10240x128xf32, #tpu.memory_space<hbm>>
      tpu.enqueue_indirect_dma source(%dma_start3A_191 : memref<10240x128xf32, #tpu.memory_space<hbm>>) target(%arg8 : memref<128x128xf32, #tpu.memory_space<vmem>>) offsets(%dma_start3A_188 : memref<128xi32, #tpu.memory_space<vmem>>) semaphore(%arg11 : memref<!tpu.dma_semaphore, #tpu.memory_space<semaphore_mem>>)
      %mul3A_192 = arith.constant 8 : i32
      %mul3A_193 = arith.muli %scan3A_130, %mul3A_192 : i32
      %add3A_194 = arith.constant 3 : i32
      %add3A_195 = arith.addi %mul3A_193, %add3A_194 : i32
      %dma_wait3A_196 = arith.constant 0 : i32
      %dma_wait3A_197 = arith.constant 0 : i32
      %dma_wait3A_198 = tpu.memref_slice %arg6[%dma_wait3A_196, %dma_wait3A_197] : memref<82x128xi32, #tpu.memory_space<vmem>> -> memref<1x128xi32, #tpu.memory_space<vmem>>
      %dma_wait3A_199 = tpu.memref_squeeze %dma_wait3A_198 : memref<1x128xi32, #tpu.memory_space<vmem>> -> memref<128xi32, #tpu.memory_space<vmem>>
      %dma_wait3A_200 = arith.constant 0 : i32
      %dma_wait3A_201 = arith.constant 0 : i32
      %dma_wait3A_202 = tpu.memref_slice %arg4[%dma_wait3A_200, %dma_wait3A_201] : memref<10240x128xf32, #tpu.memory_space<hbm>> -> memref<10240x128xf32, #tpu.memory_space<hbm>>
      tpu.wait_indirect_dma semaphore(%arg12 : memref<!tpu.dma_semaphore, #tpu.memory_space<semaphore_mem>>) src(%dma_wait3A_202 : memref<10240x128xf32, #tpu.memory_space<hbm>>) dst(%arg9 : memref<128x128xf32, #tpu.memory_space<vmem>>)
      %run_scoped3A_203 = arith.constant 3 : i32
      "tpu.region"() ({
        %run_scoped3A_292 = tpu.sem_alloc : memref<!tpu.dma_semaphore, #tpu.memory_space<semaphore_mem>>
        %dma_start3A_293 = arith.constant 0 : i32
        %dma_start3A_294 = tpu.memref_slice %arg7[%run_scoped3A_203, %dma_start3A_293] : memref<8x128xi32, #tpu.memory_space<vmem>> -> memref<1x128xi32, #tpu.memory_space<vmem>>
        %dma_start3A_295 = tpu.memref_squeeze %dma_start3A_294 : memref<1x128xi32, #tpu.memory_space<vmem>> -> memref<128xi32, #tpu.memory_space<vmem>>
        %dma_start3A_296 = arith.constant 0 : i32
        %dma_start3A_297 = arith.constant 0 : i32
        %dma_start3A_298 = tpu.memref_slice %arg10[%dma_start3A_296, %dma_start3A_297] : memref<10240x128xf32, #tpu.memory_space<vmem_shared>> -> memref<10240x128xf32, #tpu.memory_space<vmem_shared>>
        tpu.enqueue_indirect_dma source(%arg9 : memref<128x128xf32, #tpu.memory_space<vmem>>) target(%dma_start3A_298 : memref<10240x128xf32, #tpu.memory_space<vmem_shared>>) offsets(%dma_start3A_295 : memref<128xi32, #tpu.memory_space<vmem>>) semaphore(%run_scoped3A_292 : memref<!tpu.dma_semaphore, #tpu.memory_space<semaphore_mem>>) {add = true}
        %dma_wait3A_299 = arith.constant 0 : i32
        %dma_wait3A_300 = tpu.memref_slice %arg7[%run_scoped3A_203, %dma_wait3A_299] : memref<8x128xi32, #tpu.memory_space<vmem>> -> memref<1x128xi32, #tpu.memory_space<vmem>>
        %dma_wait3A_301 = tpu.memref_squeeze %dma_wait3A_300 : memref<1x128xi32, #tpu.memory_space<vmem>> -> memref<128xi32, #tpu.memory_space<vmem>>
        %dma_wait3A_302 = arith.constant 0 : i32
        %dma_wait3A_303 = arith.constant 0 : i32
        %dma_wait3A_304 = tpu.memref_slice %arg10[%dma_wait3A_302, %dma_wait3A_303] : memref<10240x128xf32, #tpu.memory_space<vmem_shared>> -> memref<10240x128xf32, #tpu.memory_space<vmem_shared>>
        tpu.wait_indirect_dma semaphore(%run_scoped3A_292 : memref<!tpu.dma_semaphore, #tpu.memory_space<semaphore_mem>>) src(%arg9 : memref<128x128xf32, #tpu.memory_space<vmem>>) dst(%dma_wait3A_304 : memref<10240x128xf32, #tpu.memory_space<vmem_shared>>)
        tpu.yield
      }) : () -> ()
      %add3A_204 = arith.constant 2 : i32
      %add3A_205 = arith.addi %add3A_195, %add3A_204 : i32
      %dma_start3A_206 = arith.constant 0 : i32
      %dma_start3A_207 = tpu.memref_slice %arg6[%add3A_205, %dma_start3A_206] : memref<82x128xi32, #tpu.memory_space<vmem>> -> memref<1x128xi32, #tpu.memory_space<vmem>>
      %dma_start3A_208 = tpu.memref_squeeze %dma_start3A_207 : memref<1x128xi32, #tpu.memory_space<vmem>> -> memref<128xi32, #tpu.memory_space<vmem>>
      %dma_start3A_209 = arith.constant 0 : i32
      %dma_start3A_210 = arith.constant 0 : i32
      %dma_start3A_211 = tpu.memref_slice %arg4[%dma_start3A_209, %dma_start3A_210] : memref<10240x128xf32, #tpu.memory_space<hbm>> -> memref<10240x128xf32, #tpu.memory_space<hbm>>
      tpu.enqueue_indirect_dma source(%dma_start3A_211 : memref<10240x128xf32, #tpu.memory_space<hbm>>) target(%arg9 : memref<128x128xf32, #tpu.memory_space<vmem>>) offsets(%dma_start3A_208 : memref<128xi32, #tpu.memory_space<vmem>>) semaphore(%arg12 : memref<!tpu.dma_semaphore, #tpu.memory_space<semaphore_mem>>)
      %mul3A_212 = arith.constant 8 : i32
      %mul3A_213 = arith.muli %scan3A_130, %mul3A_212 : i32
      %add3A_214 = arith.constant 4 : i32
      %add3A_215 = arith.addi %mul3A_213, %add3A_214 : i32
      %dma_wait3A_216 = arith.constant 0 : i32
      %dma_wait3A_217 = arith.constant 0 : i32
      %dma_wait3A_218 = tpu.memref_slice %arg6[%dma_wait3A_216, %dma_wait3A_217] : memref<82x128xi32, #tpu.memory_space<vmem>> -> memref<1x128xi32, #tpu.memory_space<vmem>>
      %dma_wait3A_219 = tpu.memref_squeeze %dma_wait3A_218 : memref<1x128xi32, #tpu.memory_space<vmem>> -> memref<128xi32, #tpu.memory_space<vmem>>
      %dma_wait3A_220 = arith.constant 0 : i32
      %dma_wait3A_221 = arith.constant 0 : i32
      %dma_wait3A_222 = tpu.memref_slice %arg4[%dma_wait3A_220, %dma_wait3A_221] : memref<10240x128xf32, #tpu.memory_space<hbm>> -> memref<10240x128xf32, #tpu.memory_space<hbm>>
      tpu.wait_indirect_dma semaphore(%arg11 : memref<!tpu.dma_semaphore, #tpu.memory_space<semaphore_mem>>) src(%dma_wait3A_222 : memref<10240x128xf32, #tpu.memory_space<hbm>>) dst(%arg8 : memref<128x128xf32, #tpu.memory_space<vmem>>)
      %run_scoped3A_223 = arith.constant 4 : i32
      "tpu.region"() ({
        %run_scoped3A_292 = tpu.sem_alloc : memref<!tpu.dma_semaphore, #tpu.memory_space<semaphore_mem>>
        %dma_start3A_293 = arith.constant 0 : i32
        %dma_start3A_294 = tpu.memref_slice %arg7[%run_scoped3A_223, %dma_start3A_293] : memref<8x128xi32, #tpu.memory_space<vmem>> -> memref<1x128xi32, #tpu.memory_space<vmem>>
        %dma_start3A_295 = tpu.memref_squeeze %dma_start3A_294 : memref<1x128xi32, #tpu.memory_space<vmem>> -> memref<128xi32, #tpu.memory_space<vmem>>
        %dma_start3A_296 = arith.constant 0 : i32
        %dma_start3A_297 = arith.constant 0 : i32
        %dma_start3A_298 = tpu.memref_slice %arg10[%dma_start3A_296, %dma_start3A_297] : memref<10240x128xf32, #tpu.memory_space<vmem_shared>> -> memref<10240x128xf32, #tpu.memory_space<vmem_shared>>
        tpu.enqueue_indirect_dma source(%arg8 : memref<128x128xf32, #tpu.memory_space<vmem>>) target(%dma_start3A_298 : memref<10240x128xf32, #tpu.memory_space<vmem_shared>>) offsets(%dma_start3A_295 : memref<128xi32, #tpu.memory_space<vmem>>) semaphore(%run_scoped3A_292 : memref<!tpu.dma_semaphore, #tpu.memory_space<semaphore_mem>>) {add = true}
        %dma_wait3A_299 = arith.constant 0 : i32
        %dma_wait3A_300 = tpu.memref_slice %arg7[%run_scoped3A_223, %dma_wait3A_299] : memref<8x128xi32, #tpu.memory_space<vmem>> -> memref<1x128xi32, #tpu.memory_space<vmem>>
        %dma_wait3A_301 = tpu.memref_squeeze %dma_wait3A_300 : memref<1x128xi32, #tpu.memory_space<vmem>> -> memref<128xi32, #tpu.memory_space<vmem>>
        %dma_wait3A_302 = arith.constant 0 : i32
        %dma_wait3A_303 = arith.constant 0 : i32
        %dma_wait3A_304 = tpu.memref_slice %arg10[%dma_wait3A_302, %dma_wait3A_303] : memref<10240x128xf32, #tpu.memory_space<vmem_shared>> -> memref<10240x128xf32, #tpu.memory_space<vmem_shared>>
        tpu.wait_indirect_dma semaphore(%run_scoped3A_292 : memref<!tpu.dma_semaphore, #tpu.memory_space<semaphore_mem>>) src(%arg8 : memref<128x128xf32, #tpu.memory_space<vmem>>) dst(%dma_wait3A_304 : memref<10240x128xf32, #tpu.memory_space<vmem_shared>>)
        tpu.yield
      }) : () -> ()
      %add3A_224 = arith.constant 2 : i32
      %add3A_225 = arith.addi %add3A_215, %add3A_224 : i32
      %dma_start3A_226 = arith.constant 0 : i32
      %dma_start3A_227 = tpu.memref_slice %arg6[%add3A_225, %dma_start3A_226] : memref<82x128xi32, #tpu.memory_space<vmem>> -> memref<1x128xi32, #tpu.memory_space<vmem>>
      %dma_start3A_228 = tpu.memref_squeeze %dma_start3A_227 : memref<1x128xi32, #tpu.memory_space<vmem>> -> memref<128xi32, #tpu.memory_space<vmem>>
      %dma_start3A_229 = arith.constant 0 : i32
      %dma_start3A_230 = arith.constant 0 : i32
      %dma_start3A_231 = tpu.memref_slice %arg4[%dma_start3A_229, %dma_start3A_230] : memref<10240x128xf32, #tpu.memory_space<hbm>> -> memref<10240x128xf32, #tpu.memory_space<hbm>>
      tpu.enqueue_indirect_dma source(%dma_start3A_231 : memref<10240x128xf32, #tpu.memory_space<hbm>>) target(%arg8 : memref<128x128xf32, #tpu.memory_space<vmem>>) offsets(%dma_start3A_228 : memref<128xi32, #tpu.memory_space<vmem>>) semaphore(%arg11 : memref<!tpu.dma_semaphore, #tpu.memory_space<semaphore_mem>>)
      %mul3A_232 = arith.constant 8 : i32
      %mul3A_233 = arith.muli %scan3A_130, %mul3A_232 : i32
      %add3A_234 = arith.constant 5 : i32
      %add3A_235 = arith.addi %mul3A_233, %add3A_234 : i32
      %dma_wait3A_236 = arith.constant 0 : i32
      %dma_wait3A_237 = arith.constant 0 : i32
      %dma_wait3A_238 = tpu.memref_slice %arg6[%dma_wait3A_236, %dma_wait3A_237] : memref<82x128xi32, #tpu.memory_space<vmem>> -> memref<1x128xi32, #tpu.memory_space<vmem>>
      %dma_wait3A_239 = tpu.memref_squeeze %dma_wait3A_238 : memref<1x128xi32, #tpu.memory_space<vmem>> -> memref<128xi32, #tpu.memory_space<vmem>>
      %dma_wait3A_240 = arith.constant 0 : i32
      %dma_wait3A_241 = arith.constant 0 : i32
      %dma_wait3A_242 = tpu.memref_slice %arg4[%dma_wait3A_240, %dma_wait3A_241] : memref<10240x128xf32, #tpu.memory_space<hbm>> -> memref<10240x128xf32, #tpu.memory_space<hbm>>
      tpu.wait_indirect_dma semaphore(%arg12 : memref<!tpu.dma_semaphore, #tpu.memory_space<semaphore_mem>>) src(%dma_wait3A_242 : memref<10240x128xf32, #tpu.memory_space<hbm>>) dst(%arg9 : memref<128x128xf32, #tpu.memory_space<vmem>>)
      %run_scoped3A_243 = arith.constant 5 : i32
      "tpu.region"() ({
        %run_scoped3A_292 = tpu.sem_alloc : memref<!tpu.dma_semaphore, #tpu.memory_space<semaphore_mem>>
        %dma_start3A_293 = arith.constant 0 : i32
        %dma_start3A_294 = tpu.memref_slice %arg7[%run_scoped3A_243, %dma_start3A_293] : memref<8x128xi32, #tpu.memory_space<vmem>> -> memref<1x128xi32, #tpu.memory_space<vmem>>
        %dma_start3A_295 = tpu.memref_squeeze %dma_start3A_294 : memref<1x128xi32, #tpu.memory_space<vmem>> -> memref<128xi32, #tpu.memory_space<vmem>>
        %dma_start3A_296 = arith.constant 0 : i32
        %dma_start3A_297 = arith.constant 0 : i32
        %dma_start3A_298 = tpu.memref_slice %arg10[%dma_start3A_296, %dma_start3A_297] : memref<10240x128xf32, #tpu.memory_space<vmem_shared>> -> memref<10240x128xf32, #tpu.memory_space<vmem_shared>>
        tpu.enqueue_indirect_dma source(%arg9 : memref<128x128xf32, #tpu.memory_space<vmem>>) target(%dma_start3A_298 : memref<10240x128xf32, #tpu.memory_space<vmem_shared>>) offsets(%dma_start3A_295 : memref<128xi32, #tpu.memory_space<vmem>>) semaphore(%run_scoped3A_292 : memref<!tpu.dma_semaphore, #tpu.memory_space<semaphore_mem>>) {add = true}
        %dma_wait3A_299 = arith.constant 0 : i32
        %dma_wait3A_300 = tpu.memref_slice %arg7[%run_scoped3A_243, %dma_wait3A_299] : memref<8x128xi32, #tpu.memory_space<vmem>> -> memref<1x128xi32, #tpu.memory_space<vmem>>
        %dma_wait3A_301 = tpu.memref_squeeze %dma_wait3A_300 : memref<1x128xi32, #tpu.memory_space<vmem>> -> memref<128xi32, #tpu.memory_space<vmem>>
        %dma_wait3A_302 = arith.constant 0 : i32
        %dma_wait3A_303 = arith.constant 0 : i32
        %dma_wait3A_304 = tpu.memref_slice %arg10[%dma_wait3A_302, %dma_wait3A_303] : memref<10240x128xf32, #tpu.memory_space<vmem_shared>> -> memref<10240x128xf32, #tpu.memory_space<vmem_shared>>
        tpu.wait_indirect_dma semaphore(%run_scoped3A_292 : memref<!tpu.dma_semaphore, #tpu.memory_space<semaphore_mem>>) src(%arg9 : memref<128x128xf32, #tpu.memory_space<vmem>>) dst(%dma_wait3A_304 : memref<10240x128xf32, #tpu.memory_space<vmem_shared>>)
        tpu.yield
      }) : () -> ()
      %add3A_244 = arith.constant 2 : i32
      %add3A_245 = arith.addi %add3A_235, %add3A_244 : i32
      %dma_start3A_246 = arith.constant 0 : i32
      %dma_start3A_247 = tpu.memref_slice %arg6[%add3A_245, %dma_start3A_246] : memref<82x128xi32, #tpu.memory_space<vmem>> -> memref<1x128xi32, #tpu.memory_space<vmem>>
      %dma_start3A_248 = tpu.memref_squeeze %dma_start3A_247 : memref<1x128xi32, #tpu.memory_space<vmem>> -> memref<128xi32, #tpu.memory_space<vmem>>
      %dma_start3A_249 = arith.constant 0 : i32
      %dma_start3A_250 = arith.constant 0 : i32
      %dma_start3A_251 = tpu.memref_slice %arg4[%dma_start3A_249, %dma_start3A_250] : memref<10240x128xf32, #tpu.memory_space<hbm>> -> memref<10240x128xf32, #tpu.memory_space<hbm>>
      tpu.enqueue_indirect_dma source(%dma_start3A_251 : memref<10240x128xf32, #tpu.memory_space<hbm>>) target(%arg9 : memref<128x128xf32, #tpu.memory_space<vmem>>) offsets(%dma_start3A_248 : memref<128xi32, #tpu.memory_space<vmem>>) semaphore(%arg12 : memref<!tpu.dma_semaphore, #tpu.memory_space<semaphore_mem>>)
      %mul3A_252 = arith.constant 8 : i32
      %mul3A_253 = arith.muli %scan3A_130, %mul3A_252 : i32
      %add3A_254 = arith.constant 6 : i32
      %add3A_255 = arith.addi %mul3A_253, %add3A_254 : i32
      %dma_wait3A_256 = arith.constant 0 : i32
      %dma_wait3A_257 = arith.constant 0 : i32
      %dma_wait3A_258 = tpu.memref_slice %arg6[%dma_wait3A_256, %dma_wait3A_257] : memref<82x128xi32, #tpu.memory_space<vmem>> -> memref<1x128xi32, #tpu.memory_space<vmem>>
      %dma_wait3A_259 = tpu.memref_squeeze %dma_wait3A_258 : memref<1x128xi32, #tpu.memory_space<vmem>> -> memref<128xi32, #tpu.memory_space<vmem>>
      %dma_wait3A_260 = arith.constant 0 : i32
      %dma_wait3A_261 = arith.constant 0 : i32
      %dma_wait3A_262 = tpu.memref_slice %arg4[%dma_wait3A_260, %dma_wait3A_261] : memref<10240x128xf32, #tpu.memory_space<hbm>> -> memref<10240x128xf32, #tpu.memory_space<hbm>>
      tpu.wait_indirect_dma semaphore(%arg11 : memref<!tpu.dma_semaphore, #tpu.memory_space<semaphore_mem>>) src(%dma_wait3A_262 : memref<10240x128xf32, #tpu.memory_space<hbm>>) dst(%arg8 : memref<128x128xf32, #tpu.memory_space<vmem>>)
      %run_scoped3A_263 = arith.constant 6 : i32
      "tpu.region"() ({
        %run_scoped3A_292 = tpu.sem_alloc : memref<!tpu.dma_semaphore, #tpu.memory_space<semaphore_mem>>
        %dma_start3A_293 = arith.constant 0 : i32
        %dma_start3A_294 = tpu.memref_slice %arg7[%run_scoped3A_263, %dma_start3A_293] : memref<8x128xi32, #tpu.memory_space<vmem>> -> memref<1x128xi32, #tpu.memory_space<vmem>>
        %dma_start3A_295 = tpu.memref_squeeze %dma_start3A_294 : memref<1x128xi32, #tpu.memory_space<vmem>> -> memref<128xi32, #tpu.memory_space<vmem>>
        %dma_start3A_296 = arith.constant 0 : i32
        %dma_start3A_297 = arith.constant 0 : i32
        %dma_start3A_298 = tpu.memref_slice %arg10[%dma_start3A_296, %dma_start3A_297] : memref<10240x128xf32, #tpu.memory_space<vmem_shared>> -> memref<10240x128xf32, #tpu.memory_space<vmem_shared>>
        tpu.enqueue_indirect_dma source(%arg8 : memref<128x128xf32, #tpu.memory_space<vmem>>) target(%dma_start3A_298 : memref<10240x128xf32, #tpu.memory_space<vmem_shared>>) offsets(%dma_start3A_295 : memref<128xi32, #tpu.memory_space<vmem>>) semaphore(%run_scoped3A_292 : memref<!tpu.dma_semaphore, #tpu.memory_space<semaphore_mem>>) {add = true}
        %dma_wait3A_299 = arith.constant 0 : i32
        %dma_wait3A_300 = tpu.memref_slice %arg7[%run_scoped3A_263, %dma_wait3A_299] : memref<8x128xi32, #tpu.memory_space<vmem>> -> memref<1x128xi32, #tpu.memory_space<vmem>>
        %dma_wait3A_301 = tpu.memref_squeeze %dma_wait3A_300 : memref<1x128xi32, #tpu.memory_space<vmem>> -> memref<128xi32, #tpu.memory_space<vmem>>
        %dma_wait3A_302 = arith.constant 0 : i32
        %dma_wait3A_303 = arith.constant 0 : i32
        %dma_wait3A_304 = tpu.memref_slice %arg10[%dma_wait3A_302, %dma_wait3A_303] : memref<10240x128xf32, #tpu.memory_space<vmem_shared>> -> memref<10240x128xf32, #tpu.memory_space<vmem_shared>>
        tpu.wait_indirect_dma semaphore(%run_scoped3A_292 : memref<!tpu.dma_semaphore, #tpu.memory_space<semaphore_mem>>) src(%arg8 : memref<128x128xf32, #tpu.memory_space<vmem>>) dst(%dma_wait3A_304 : memref<10240x128xf32, #tpu.memory_space<vmem_shared>>)
        tpu.yield
      }) : () -> ()
      %add3A_264 = arith.constant 2 : i32
      %add3A_265 = arith.addi %add3A_255, %add3A_264 : i32
      %dma_start3A_266 = arith.constant 0 : i32
      %dma_start3A_267 = tpu.memref_slice %arg6[%add3A_265, %dma_start3A_266] : memref<82x128xi32, #tpu.memory_space<vmem>> -> memref<1x128xi32, #tpu.memory_space<vmem>>
      %dma_start3A_268 = tpu.memref_squeeze %dma_start3A_267 : memref<1x128xi32, #tpu.memory_space<vmem>> -> memref<128xi32, #tpu.memory_space<vmem>>
      %dma_start3A_269 = arith.constant 0 : i32
      %dma_start3A_270 = arith.constant 0 : i32
      %dma_start3A_271 = tpu.memref_slice %arg4[%dma_start3A_269, %dma_start3A_270] : memref<10240x128xf32, #tpu.memory_space<hbm>> -> memref<10240x128xf32, #tpu.memory_space<hbm>>
      tpu.enqueue_indirect_dma source(%dma_start3A_271 : memref<10240x128xf32, #tpu.memory_space<hbm>>) target(%arg8 : memref<128x128xf32, #tpu.memory_space<vmem>>) offsets(%dma_start3A_268 : memref<128xi32, #tpu.memory_space<vmem>>) semaphore(%arg11 : memref<!tpu.dma_semaphore, #tpu.memory_space<semaphore_mem>>)
      %mul3A_272 = arith.constant 8 : i32
      %mul3A_273 = arith.muli %scan3A_130, %mul3A_272 : i32
      %add3A_274 = arith.constant 7 : i32
      %add3A_275 = arith.addi %mul3A_273, %add3A_274 : i32
      %dma_wait3A_276 = arith.constant 0 : i32
      %dma_wait3A_277 = arith.constant 0 : i32
      %dma_wait3A_278 = tpu.memref_slice %arg6[%dma_wait3A_276, %dma_wait3A_277] : memref<82x128xi32, #tpu.memory_space<vmem>> -> memref<1x128xi32, #tpu.memory_space<vmem>>
      %dma_wait3A_279 = tpu.memref_squeeze %dma_wait3A_278 : memref<1x128xi32, #tpu.memory_space<vmem>> -> memref<128xi32, #tpu.memory_space<vmem>>
      %dma_wait3A_280 = arith.constant 0 : i32
      %dma_wait3A_281 = arith.constant 0 : i32
      %dma_wait3A_282 = tpu.memref_slice %arg4[%dma_wait3A_280, %dma_wait3A_281] : memref<10240x128xf32, #tpu.memory_space<hbm>> -> memref<10240x128xf32, #tpu.memory_space<hbm>>
      tpu.wait_indirect_dma semaphore(%arg12 : memref<!tpu.dma_semaphore, #tpu.memory_space<semaphore_mem>>) src(%dma_wait3A_282 : memref<10240x128xf32, #tpu.memory_space<hbm>>) dst(%arg9 : memref<128x128xf32, #tpu.memory_space<vmem>>)
      %run_scoped3A_283 = arith.constant 7 : i32
      "tpu.region"() ({
        %run_scoped3A_292 = tpu.sem_alloc : memref<!tpu.dma_semaphore, #tpu.memory_space<semaphore_mem>>
        %dma_start3A_293 = arith.constant 0 : i32
        %dma_start3A_294 = tpu.memref_slice %arg7[%run_scoped3A_283, %dma_start3A_293] : memref<8x128xi32, #tpu.memory_space<vmem>> -> memref<1x128xi32, #tpu.memory_space<vmem>>
        %dma_start3A_295 = tpu.memref_squeeze %dma_start3A_294 : memref<1x128xi32, #tpu.memory_space<vmem>> -> memref<128xi32, #tpu.memory_space<vmem>>
        %dma_start3A_296 = arith.constant 0 : i32
        %dma_start3A_297 = arith.constant 0 : i32
        %dma_start3A_298 = tpu.memref_slice %arg10[%dma_start3A_296, %dma_start3A_297] : memref<10240x128xf32, #tpu.memory_space<vmem_shared>> -> memref<10240x128xf32, #tpu.memory_space<vmem_shared>>
        tpu.enqueue_indirect_dma source(%arg9 : memref<128x128xf32, #tpu.memory_space<vmem>>) target(%dma_start3A_298 : memref<10240x128xf32, #tpu.memory_space<vmem_shared>>) offsets(%dma_start3A_295 : memref<128xi32, #tpu.memory_space<vmem>>) semaphore(%run_scoped3A_292 : memref<!tpu.dma_semaphore, #tpu.memory_space<semaphore_mem>>) {add = true}
        %dma_wait3A_299 = arith.constant 0 : i32
        %dma_wait3A_300 = tpu.memref_slice %arg7[%run_scoped3A_283, %dma_wait3A_299] : memref<8x128xi32, #tpu.memory_space<vmem>> -> memref<1x128xi32, #tpu.memory_space<vmem>>
        %dma_wait3A_301 = tpu.memref_squeeze %dma_wait3A_300 : memref<1x128xi32, #tpu.memory_space<vmem>> -> memref<128xi32, #tpu.memory_space<vmem>>
        %dma_wait3A_302 = arith.constant 0 : i32
        %dma_wait3A_303 = arith.constant 0 : i32
        %dma_wait3A_304 = tpu.memref_slice %arg10[%dma_wait3A_302, %dma_wait3A_303] : memref<10240x128xf32, #tpu.memory_space<vmem_shared>> -> memref<10240x128xf32, #tpu.memory_space<vmem_shared>>
        tpu.wait_indirect_dma semaphore(%run_scoped3A_292 : memref<!tpu.dma_semaphore, #tpu.memory_space<semaphore_mem>>) src(%arg9 : memref<128x128xf32, #tpu.memory_space<vmem>>) dst(%dma_wait3A_304 : memref<10240x128xf32, #tpu.memory_space<vmem_shared>>)
        tpu.yield
      }) : () -> ()
      %add3A_284 = arith.constant 2 : i32
      %add3A_285 = arith.addi %add3A_275, %add3A_284 : i32
      %dma_start3A_286 = arith.constant 0 : i32
      %dma_start3A_287 = tpu.memref_slice %arg6[%add3A_285, %dma_start3A_286] : memref<82x128xi32, #tpu.memory_space<vmem>> -> memref<1x128xi32, #tpu.memory_space<vmem>>
      %dma_start3A_288 = tpu.memref_squeeze %dma_start3A_287 : memref<1x128xi32, #tpu.memory_space<vmem>> -> memref<128xi32, #tpu.memory_space<vmem>>
      %dma_start3A_289 = arith.constant 0 : i32
      %dma_start3A_290 = arith.constant 0 : i32
      %dma_start3A_291 = tpu.memref_slice %arg4[%dma_start3A_289, %dma_start3A_290] : memref<10240x128xf32, #tpu.memory_space<hbm>> -> memref<10240x128xf32, #tpu.memory_space<hbm>>
      tpu.enqueue_indirect_dma source(%dma_start3A_291 : memref<10240x128xf32, #tpu.memory_space<hbm>>) target(%arg9 : memref<128x128xf32, #tpu.memory_space<vmem>>) offsets(%dma_start3A_288 : memref<128xi32, #tpu.memory_space<vmem>>) semaphore(%arg12 : memref<!tpu.dma_semaphore, #tpu.memory_space<semaphore_mem>>)
    }
    %scan3A_108 = arith.constant 10 : i32
    %dma_wait3A = arith.constant 0 : i32
    %dma_wait3A_109 = arith.constant 0 : i32
    %dma_wait3A_110 = tpu.memref_slice %arg6[%dma_wait3A, %dma_wait3A_109] : memref<82x128xi32, #tpu.memory_space<vmem>> -> memref<1x128xi32, #tpu.memory_space<vmem>>
    %dma_wait3A_111 = tpu.memref_squeeze %dma_wait3A_110 : memref<1x128xi32, #tpu.memory_space<vmem>> -> memref<128xi32, #tpu.memory_space<vmem>>
    %dma_wait3A_112 = arith.constant 0 : i32
    %dma_wait3A_113 = arith.constant 0 : i32
    %dma_wait3A_114 = tpu.memref_slice %arg4[%dma_wait3A_112, %dma_wait3A_113] : memref<10240x128xf32, #tpu.memory_space<hbm>> -> memref<10240x128xf32, #tpu.memory_space<hbm>>
    tpu.wait_indirect_dma semaphore(%arg11 : memref<!tpu.dma_semaphore, #tpu.memory_space<semaphore_mem>>) src(%dma_wait3A_114 : memref<10240x128xf32, #tpu.memory_space<hbm>>) dst(%arg8 : memref<128x128xf32, #tpu.memory_space<vmem>>)
    %dma_wait3A_115 = arith.constant 0 : i32
    %dma_wait3A_116 = arith.constant 0 : i32
    %dma_wait3A_117 = tpu.memref_slice %arg6[%dma_wait3A_115, %dma_wait3A_116] : memref<82x128xi32, #tpu.memory_space<vmem>> -> memref<1x128xi32, #tpu.memory_space<vmem>>
    %dma_wait3A_118 = tpu.memref_squeeze %dma_wait3A_117 : memref<1x128xi32, #tpu.memory_space<vmem>> -> memref<128xi32, #tpu.memory_space<vmem>>
    %dma_wait3A_119 = arith.constant 0 : i32
    %dma_wait3A_120 = arith.constant 0 : i32
    %dma_wait3A_121 = tpu.memref_slice %arg4[%dma_wait3A_119, %dma_wait3A_120] : memref<10240x128xf32, #tpu.memory_space<hbm>> -> memref<10240x128xf32, #tpu.memory_space<hbm>>
    tpu.wait_indirect_dma semaphore(%arg12 : memref<!tpu.dma_semaphore, #tpu.memory_space<semaphore_mem>>) src(%dma_wait3A_121 : memref<10240x128xf32, #tpu.memory_space<hbm>>) dst(%arg9 : memref<128x128xf32, #tpu.memory_space<vmem>>)
    %barrier3A_122 = arith.constant 0 : index
    tpu.barrier barrier_id(%barrier3A_122)
    %mul3A_123 = arith.constant 640 : i32
    %mul3A_124 = arith.muli %arg1, %mul3A_123 : i32
    %mul3A_125 = arith.constant 10240 : i32
    %mul3A_126 = arith.muli %arg0, %mul3A_125 : i32
    %mul3A_127 = arith.constant 640 : i32
    %mul3A_128 = arith.muli %arg1, %mul3A_127 : i32
    %add3A_129 = arith.addi %mul3A_126, %mul3A_128 : i32
    "tpu.region"() ({
      %run_scoped3A = tpu.sem_alloc : memref<!tpu.dma_semaphore, #tpu.memory_space<semaphore_mem>>
      %dma_start3A_130 = arith.constant 0 : i32
      %dma_start3A_131 = tpu.memref_slice %arg5[%add3A_129, %dma_start3A_130] : memref<20480x128xf32, #tpu.memory_space<hbm>> -> memref<640x128xf32, #tpu.memory_space<hbm>>
      %dma_start3A_132 = arith.constant 0 : i32
      %dma_start3A_133 = tpu.memref_slice %arg10[%mul3A_124, %dma_start3A_132] : memref<10240x128xf32, #tpu.memory_space<vmem_shared>> -> memref<640x128xf32, #tpu.memory_space<vmem_shared>>
      tpu.enqueue_dma source(%dma_start3A_133 : memref<640x128xf32, #tpu.memory_space<vmem_shared>>) target(%dma_start3A_131 : memref<640x128xf32, #tpu.memory_space<hbm>>) target_semaphore(%run_scoped3A : memref<!tpu.dma_semaphore, #tpu.memory_space<semaphore_mem>>)
      %dma_wait3A_134 = arith.constant 0 : i32
      %dma_wait3A_135 = tpu.memref_slice %arg5[%add3A_129, %dma_wait3A_134] : memref<20480x128xf32, #tpu.memory_space<hbm>> -> memref<640x128xf32, #tpu.memory_space<hbm>>
      %dma_wait3A_136 = arith.constant 0 : i32
      %dma_wait3A_137 = tpu.memref_slice %arg10[%mul3A_124, %dma_wait3A_136] : memref<10240x128xf32, #tpu.memory_space<vmem_shared>> -> memref<640x128xf32, #tpu.memory_space<vmem_shared>>
      tpu.wait_dma2 semaphore(%run_scoped3A : memref<!tpu.dma_semaphore, #tpu.memory_space<semaphore_mem>>) src(%dma_wait3A_137 : memref<640x128xf32, #tpu.memory_space<vmem_shared>>) dst(%dma_wait3A_135 : memref<640x128xf32, #tpu.memory_space<hbm>>)
      tpu.yield
    }) : () -> ()
    return
  }
}

module attributes {stable_mosaic.version = 14 : i64} {
  func.func @_tc_in_body(%arg0: i32, %arg1: memref<512x32xf32, #tpu.memory_space<vmem>>, %arg2: memref<512x128xf32, #tpu.memory_space<vmem>>, %arg3: memref<128x128xf32, #tpu.memory_space<vmem>>, %arg4: memref<512x128xf32, #tpu.memory_space<vmem>>, %arg5: memref<512x1xf32, #tpu.memory_space<vmem>>) attributes {dimension_semantics = [#tpu.dimension_semantics<arbitrary>], iteration_bounds = array<i64: 20>, scalar_prefetch = 0 : i64, scratch_operands = 0 : i64, tpu.core_type = #tpu.core_type<tc>, window_params = [{transform_indices = @transform_0, window_bounds = array<i64: 512, 32>}, {transform_indices = @transform_1, window_bounds = array<i64: 512, 128>}, {pipeline_mode = #tpu.pipeline_mode<synchronous>, transform_indices = @transform_2, window_bounds = array<i64: 128, 128>}, {transform_indices = @transform_3, window_bounds = array<i64: 512, 128>}, {transform_indices = @transform_4, window_bounds = array<i64: 512, 1>}]} {
    %get3A = arith.constant 0 : index
    %get3A_0 = arith.constant 0 : index
    %get3A_1 = vector.load %arg1[%get3A, %get3A_0] : memref<512x32xf32, #tpu.memory_space<vmem>>, vector<512x32xf32>
    %reduce_sum3A = arith.constant dense<0.000000e+00> : vector<512xf32>
    %reduce_sum3A_2 = vector.multi_reduction <add>, %get3A_1, %reduce_sum3A [1] : vector<512x32xf32> to vector<512xf32>
    %broadcast_in_dim3A = vector.shape_cast %reduce_sum3A_2 : vector<512xf32> to vector<512x1xf32>
    %add3A = arith.constant 1.000000e+00 : f32
    %add3A_3 = vector.broadcast %add3A : f32 to vector<512x1xf32>
    %add3A_4 = arith.addf %broadcast_in_dim3A, %add3A_3 : vector<512x1xf32>
    %rsqrt3A = math.rsqrt %add3A_4 : vector<512x1xf32>
    %get3A_5 = arith.constant 0 : index
    %get3A_6 = arith.constant 0 : index
    %get3A_7 = vector.load %arg2[%get3A_5, %get3A_6] : memref<512x128xf32, #tpu.memory_space<vmem>>, vector<512x128xf32>
    %get3A_8 = arith.constant 0 : index
    %get3A_9 = arith.constant 0 : index
    %get3A_10 = vector.load %arg3[%get3A_8, %get3A_9] : memref<128x128xf32, #tpu.memory_space<vmem>>, vector<128x128xf32>
    %dot_general3A = arith.constant dense<0.000000e+00> : vector<512x128xf32>
    %dot_general3A_11 = tpu.matmul %get3A_7, %get3A_10, %dot_general3A {dimension_numbers = #tpu.dot_dimension_numbers<[1], [0], [0], [1], [0, 0, 1, 1], [], []>, transpose_lhs_hint = false} : vector<512x128xf32>, vector<128x128xf32>, vector<512x128xf32> -> vector<512x128xf32>
    %mul3A = vector.broadcast %rsqrt3A : vector<512x1xf32> to vector<512x128xf32>
    %mul3A_12 = arith.mulf %mul3A, %dot_general3A_11 : vector<512x128xf32>
    %swap3A = arith.constant 0 : index
    %swap3A_13 = arith.constant 0 : index
    %swap3A_14 = vector.load %arg4[%swap3A, %swap3A_13] : memref<512x128xf32, #tpu.memory_space<vmem>>, vector<512x128xf32>
    tpu.vector_store %arg4[%swap3A, %swap3A_13], %mul3A_12 {strides = array<i32>} : memref<512x128xf32, #tpu.memory_space<vmem>>, vector<512x128xf32>,
    %swap3A_15 = arith.constant 0 : index
    %swap3A_16 = arith.constant 0 : index
    %swap3A_17 = vector.load %arg5[%swap3A_15, %swap3A_16] : memref<512x1xf32, #tpu.memory_space<vmem>>, vector<512x1xf32>
    tpu.vector_store %arg5[%swap3A_15, %swap3A_16], %rsqrt3A {strides = array<i32>} : memref<512x1xf32, #tpu.memory_space<vmem>>, vector<512x1xf32>,
    return
  }
  func.func @transform_0(%arg0: i32) -> (i32, i32) {
    %c0_i32 = arith.constant 0 : i32
    %c0_i32_0 = arith.constant 0 : i32
    return %arg0, %c0_i32 : i32, i32
  }
  func.func @transform_1(%arg0: i32) -> (i32, i32) {
    %c0_i32 = arith.constant 0 : i32
    %c0_i32_0 = arith.constant 0 : i32
    return %arg0, %c0_i32 : i32, i32
  }
  func.func @transform_2(%arg0: i32) -> (i32, i32) {
    %c0_i32 = arith.constant 0 : i32
    %c0_i32_0 = arith.constant 0 : i32
    %c0_i32_1 = arith.constant 0 : i32
    return %c0_i32, %c0_i32_0 : i32, i32
  }
  func.func @transform_3(%arg0: i32) -> (i32, i32) {
    %c0_i32 = arith.constant 0 : i32
    %c0_i32_0 = arith.constant 0 : i32
    return %arg0, %c0_i32 : i32, i32
  }
  func.func @transform_4(%arg0: i32) -> (i32, i32) {
    %c0_i32 = arith.constant 0 : i32
    %c0_i32_0 = arith.constant 0 : i32
    return %arg0, %c0_i32 : i32, i32
  }
}

module attributes {stable_mosaic.version = 14 : i64} {
  func.func @_tc_mid_body(%arg0: i32, %arg1: memref<2x512x128xf32, #tpu.memory_space<vmem>>, %arg2: memref<512x128xf32, #tpu.memory_space<vmem>>, %arg3: memref<512x1xf32, #tpu.memory_space<vmem>>, %arg4: memref<128x128xf32, #tpu.memory_space<vmem>>, %arg5: memref<1x128xf32, #tpu.memory_space<vmem>>, %arg6: memref<512x128xf32, #tpu.memory_space<vmem>>) attributes {dimension_semantics = [#tpu.dimension_semantics<arbitrary>], iteration_bounds = array<i64: 20>, scalar_prefetch = 0 : i64, scratch_operands = 0 : i64, tpu.core_type = #tpu.core_type<tc>, window_params = [{transform_indices = @transform_0, window_bounds = array<i64: 2, 512, 128>}, {transform_indices = @transform_1, window_bounds = array<i64: 512, 128>}, {transform_indices = @transform_2, window_bounds = array<i64: 512, 1>}, {pipeline_mode = #tpu.pipeline_mode<synchronous>, transform_indices = @transform_3, window_bounds = array<i64: 128, 128>}, {pipeline_mode = #tpu.pipeline_mode<synchronous>, transform_indices = @transform_4, window_bounds = array<i64: 1, 128>}, {transform_indices = @transform_5, window_bounds = array<i64: 512, 128>}]} {
    %get3A = arith.constant 0 : index
    %get3A_0 = arith.constant 0 : index
    %get3A_1 = vector.load %arg3[%get3A, %get3A_0] : memref<512x1xf32, #tpu.memory_space<vmem>>, vector<512x1xf32>
    %get3A_2 = arith.constant 0 : index
    %get3A_3 = arith.constant 0 : index
    %get3A_4 = arith.constant 0 : index
    %get3A_5 = vector.load %arg1[%get3A_2, %get3A_3, %get3A_4] : memref<2x512x128xf32, #tpu.memory_space<vmem>>, vector<1x512x128xf32>
    %get3A_6 = vector.shape_cast %get3A_5 : vector<1x512x128xf32> to vector<512x128xf32>
    %get3A_7 = arith.constant 1 : index
    %get3A_8 = arith.constant 0 : index
    %get3A_9 = arith.constant 0 : index
    %get3A_10 = vector.load %arg1[%get3A_7, %get3A_8, %get3A_9] : memref<2x512x128xf32, #tpu.memory_space<vmem>>, vector<1x512x128xf32>
    %get3A_11 = vector.shape_cast %get3A_10 : vector<1x512x128xf32> to vector<512x128xf32>
    %add3A = arith.addf %get3A_6, %get3A_11 : vector<512x128xf32>
    %get3A_12 = arith.constant 0 : index
    %get3A_13 = arith.constant 0 : index
    %get3A_14 = vector.load %arg2[%get3A_12, %get3A_13] : memref<512x128xf32, #tpu.memory_space<vmem>>, vector<512x128xf32>
    %add3A_15 = arith.addf %add3A, %get3A_14 : vector<512x128xf32>
    %mul3A = vector.broadcast %get3A_1 : vector<512x1xf32> to vector<512x128xf32>
    %mul3A_16 = arith.mulf %mul3A, %add3A_15 : vector<512x128xf32>
    %get3A_17 = arith.constant 0 : index
    %get3A_18 = arith.constant 0 : index
    %get3A_19 = vector.load %arg5[%get3A_17, %get3A_18] : memref<1x128xf32, #tpu.memory_space<vmem>>, vector<1x128xf32>
    %add3A_20 = vector.broadcast %get3A_19 : vector<1x128xf32> to vector<512x128xf32>
    %add3A_21 = arith.addf %mul3A_16, %add3A_20 : vector<512x128xf32>
    %max3A = arith.constant 0.000000e+00 : f32
    %max3A_22 = vector.broadcast %max3A : f32 to vector<512x128xf32>
    %max3A_23 = arith.maximumf %add3A_21, %max3A_22 : vector<512x128xf32>
    %get3A_24 = arith.constant 0 : index
    %get3A_25 = arith.constant 0 : index
    %get3A_26 = vector.load %arg4[%get3A_24, %get3A_25] : memref<128x128xf32, #tpu.memory_space<vmem>>, vector<128x128xf32>
    %dot_general3A = arith.constant dense<0.000000e+00> : vector<512x128xf32>
    %dot_general3A_27 = tpu.matmul %max3A_23, %get3A_26, %dot_general3A {dimension_numbers = #tpu.dot_dimension_numbers<[1], [0], [0], [1], [0, 0, 1, 1], [], []>, transpose_lhs_hint = false} : vector<512x128xf32>, vector<128x128xf32>, vector<512x128xf32> -> vector<512x128xf32>
    %mul3A_28 = vector.broadcast %get3A_1 : vector<512x1xf32> to vector<512x128xf32>
    %mul3A_29 = arith.mulf %mul3A_28, %dot_general3A_27 : vector<512x128xf32>
    %swap3A = arith.constant 0 : index
    %swap3A_30 = arith.constant 0 : index
    %swap3A_31 = vector.load %arg6[%swap3A, %swap3A_30] : memref<512x128xf32, #tpu.memory_space<vmem>>, vector<512x128xf32>
    tpu.vector_store %arg6[%swap3A, %swap3A_30], %mul3A_29 {strides = array<i32>} : memref<512x128xf32, #tpu.memory_space<vmem>>, vector<512x128xf32>,
    return
  }
  func.func @transform_0(%arg0: i32) -> (i32, i32, i32) {
    %c0_i32 = arith.constant 0 : i32
    %c0_i32_0 = arith.constant 0 : i32
    %c0_i32_1 = arith.constant 0 : i32
    return %c0_i32, %arg0, %c0_i32_0 : i32, i32, i32
  }
  func.func @transform_1(%arg0: i32) -> (i32, i32) {
    %c0_i32 = arith.constant 0 : i32
    %c0_i32_0 = arith.constant 0 : i32
    return %arg0, %c0_i32 : i32, i32
  }
  func.func @transform_2(%arg0: i32) -> (i32, i32) {
    %c0_i32 = arith.constant 0 : i32
    %c0_i32_0 = arith.constant 0 : i32
    return %arg0, %c0_i32 : i32, i32
  }
  func.func @transform_3(%arg0: i32) -> (i32, i32) {
    %c0_i32 = arith.constant 0 : i32
    %c0_i32_0 = arith.constant 0 : i32
    %c0_i32_1 = arith.constant 0 : i32
    return %c0_i32, %c0_i32_0 : i32, i32
  }
  func.func @transform_4(%arg0: i32) -> (i32, i32) {
    %c0_i32 = arith.constant 0 : i32
    %c0_i32_0 = arith.constant 0 : i32
    %c0_i32_1 = arith.constant 0 : i32
    return %c0_i32, %c0_i32_0 : i32, i32
  }
  func.func @transform_5(%arg0: i32) -> (i32, i32) {
    %c0_i32 = arith.constant 0 : i32
    %c0_i32_0 = arith.constant 0 : i32
    return %arg0, %c0_i32 : i32, i32
  }
}

module attributes {stable_mosaic.version = 14 : i64} {
  func.func @_tc_out_body(%arg0: i32, %arg1: memref<2x512x128xf32, #tpu.memory_space<vmem>>, %arg2: memref<512x128xf32, #tpu.memory_space<vmem>>, %arg3: memref<512x1xf32, #tpu.memory_space<vmem>>, %arg4: memref<1x128xf32, #tpu.memory_space<vmem>>, %arg5: memref<512x128xf32, #tpu.memory_space<vmem>>) attributes {dimension_semantics = [#tpu.dimension_semantics<arbitrary>], iteration_bounds = array<i64: 20>, scalar_prefetch = 0 : i64, scratch_operands = 0 : i64, tpu.core_type = #tpu.core_type<tc>, window_params = [{transform_indices = @transform_0, window_bounds = array<i64: 2, 512, 128>}, {transform_indices = @transform_1, window_bounds = array<i64: 512, 128>}, {transform_indices = @transform_2, window_bounds = array<i64: 512, 1>}, {pipeline_mode = #tpu.pipeline_mode<synchronous>, transform_indices = @transform_3, window_bounds = array<i64: 1, 128>}, {transform_indices = @transform_4, window_bounds = array<i64: 512, 128>}]} {
    %get3A = arith.constant 0 : index
    %get3A_0 = arith.constant 0 : index
    %get3A_1 = arith.constant 0 : index
    %get3A_2 = vector.load %arg1[%get3A, %get3A_0, %get3A_1] : memref<2x512x128xf32, #tpu.memory_space<vmem>>, vector<1x512x128xf32>
    %get3A_3 = vector.shape_cast %get3A_2 : vector<1x512x128xf32> to vector<512x128xf32>
    %get3A_4 = arith.constant 1 : index
    %get3A_5 = arith.constant 0 : index
    %get3A_6 = arith.constant 0 : index
    %get3A_7 = vector.load %arg1[%get3A_4, %get3A_5, %get3A_6] : memref<2x512x128xf32, #tpu.memory_space<vmem>>, vector<1x512x128xf32>
    %get3A_8 = vector.shape_cast %get3A_7 : vector<1x512x128xf32> to vector<512x128xf32>
    %add3A = arith.addf %get3A_3, %get3A_8 : vector<512x128xf32>
    %get3A_9 = arith.constant 0 : index
    %get3A_10 = arith.constant 0 : index
    %get3A_11 = vector.load %arg2[%get3A_9, %get3A_10] : memref<512x128xf32, #tpu.memory_space<vmem>>, vector<512x128xf32>
    %add3A_12 = arith.addf %add3A, %get3A_11 : vector<512x128xf32>
    %get3A_13 = arith.constant 0 : index
    %get3A_14 = arith.constant 0 : index
    %get3A_15 = vector.load %arg3[%get3A_13, %get3A_14] : memref<512x1xf32, #tpu.memory_space<vmem>>, vector<512x1xf32>
    %mul3A = vector.broadcast %get3A_15 : vector<512x1xf32> to vector<512x128xf32>
    %mul3A_16 = arith.mulf %mul3A, %add3A_12 : vector<512x128xf32>
    %get3A_17 = arith.constant 0 : index
    %get3A_18 = arith.constant 0 : index
    %get3A_19 = vector.load %arg4[%get3A_17, %get3A_18] : memref<1x128xf32, #tpu.memory_space<vmem>>, vector<1x128xf32>
    %add3A_20 = vector.broadcast %get3A_19 : vector<1x128xf32> to vector<512x128xf32>
    %add3A_21 = arith.addf %mul3A_16, %add3A_20 : vector<512x128xf32>
    %swap3A = arith.constant 0 : index
    %swap3A_22 = arith.constant 0 : index
    %swap3A_23 = vector.load %arg5[%swap3A, %swap3A_22] : memref<512x128xf32, #tpu.memory_space<vmem>>, vector<512x128xf32>
    tpu.vector_store %arg5[%swap3A, %swap3A_22], %add3A_21 {strides = array<i32>} : memref<512x128xf32, #tpu.memory_space<vmem>>, vector<512x128xf32>,
    return
  }
  func.func @transform_0(%arg0: i32) -> (i32, i32, i32) {
    %c0_i32 = arith.constant 0 : i32
    %c0_i32_0 = arith.constant 0 : i32
    %c0_i32_1 = arith.constant 0 : i32
    return %c0_i32, %arg0, %c0_i32_0 : i32, i32, i32
  }
  func.func @transform_1(%arg0: i32) -> (i32, i32) {
    %c0_i32 = arith.constant 0 : i32
    %c0_i32_0 = arith.constant 0 : i32
    return %arg0, %c0_i32 : i32, i32
  }
  func.func @transform_2(%arg0: i32) -> (i32, i32) {
    %c0_i32 = arith.constant 0 : i32
    %c0_i32_0 = arith.constant 0 : i32
    return %arg0, %c0_i32 : i32, i32
  }
  func.func @transform_3(%arg0: i32) -> (i32, i32) {
    %c0_i32 = arith.constant 0 : i32
    %c0_i32_0 = arith.constant 0 : i32
    %c0_i32_1 = arith.constant 0 : i32
    return %c0_i32, %c0_i32_0 : i32, i32
  }
  func.func @transform_4(%arg0: i32) -> (i32, i32) {
    %c0_i32 = arith.constant 0 : i32
    %c0_i32_0 = arith.constant 0 : i32
    return %arg0, %c0_i32 : i32, i32
  }
}

</mosaic_0001>

<sc_bundles>
// kernel: kernel.11.cloned.1.call-start
scs
__scs_entry_jumppad:
0x0: {  	(pc) =	sbr.rel $0x88, $3  }
0x1: {  	(tag) =	ssettag $0x0;
	lr =	simm.s32 $0x1  }
0x2: {  	[smem:$0x3F9B] =	sst lr;
	_ =	strace $0xD0000000  }
0x3: {  	_ = 	snop  }
0x4: {  	_ = 	snop  }
0x5: {  	_ = 	snop  }
0x6: {  	_ = 	snop  }
0x7: {  	_ = 	snop  }
__scs_overlays_trampoline_lowered:
0x8: {  	[smem:$0x3FAA] =	sst s0  }
0x9: {  	[smem:$0x3FAB] =	sst s1  }
0xa: {  	[smem:$0x3FAC] =	sst s2  }
0xb: {  	[smem:$0x3FAD] =	sst s3  }
0xc: {  	[smem:$0x3FAE] =	sst s4  }
0xd: {  	[smem:$0x3FAF] =	sst s5  }
0xe: {  	[smem:$0x3FB0] =	sst s6  }
0xf: {  	[smem:$0x3FB1] =	sst s7  }
0x10: {  	[smem:$0x3FB2] =	sst s8  }
0x11: {  	[smem:$0x3FB3] =	sst s9;
	s0 =	simm.s32 @!p0 $0x0  }
0x12: {  	s1 =	sld [smem:$0x3F99];
	s0 =	simm.s32 @p0 $0x1  }
0x13: {  	[smem:$0x3FB4] =	sst s0;
	s0 =	simm.s32 @!p1 $0x0  }
0x14: {  	s2 =	sld [smem:$0x3F98];
	s0 =	simm.s32 @p1 $0x1  }
0x15: {  	[smem:$0x3FB5] =	sst s0;
	s0 =	simm.s32 @!p2 $0x0  }
0x16: {  	s3 =	sld [smem:$0x3FDB];
	s0 =	simm.s32 @p2 $0x1  }
0x17: {  	s4 =	simm.s32 $0x1BF5;
	[smem:$0x3FB7] =	sst s0  }
0x18: {  	s0 =	sld [smem:$0x3F9A];
	_ =	swait.ge [sflag:s4], $0x0  }
0x19: {  	s7 =	sld [smem:$0x3F9B]  }
0x1a: {  	s8 =	sadd.s32 $0xFFFFE003, lr  }
0x1b: {  	s9 =	sadd.s32 $0xFFFFFEF7, lr;
	s5 =	simm.s32 $0xFFFFFFFF;
	p2 =	slt.u32 s8, $0xFFFFF086  }
0x1c: {  	p1 =	slt.u32 s9, $0xF7A;
	s5 =	simm.s32 @!p2 $0x0  }
0x1d: {  	s5 =	simm.s32 @p1 $0x1;
	p0 =	seq.s32 s7, s2  }
0x1e: {  	s7 =	smul.u32 @!p0 $0xF7A, s2;
	p2 =	seq.s32 @!p0 s5, $0x0  }
0x1f: {  	s9 =	smul.u32 $0xF7A, s1;
	s8 =	simm.s32 @!p0 $0x1BF5;
	p2 =	por !p2, p0  }
0x20: {  	[sflag:s8] =	ssyncset.s32 @!p0 $0xFFFFF086;
	s6 =	sadd.s32 @!p0 s3, s7;
	s7 =	simm.s32 @!p0 $0x108  }
0x21: {  	s3 =	sadd.s32 s3, s9;
	s6 =	sadd.s32 @!p0 $0x88, s6;
	s7 =	simm.s32 @p2 $0x1082  }
0x22: {  	[simem:s7], [sflag:s8] =	dma.local @!p0 [hbm:s6], $0xF7A  }
0x23: {  	s9 =	sor.u32 $0xD0000000, s2;
	s6 =	simm.s32 $0x108;
	_ =	swait.ge @!p0 [sflag:s8], $0x0  }
0x24: {  	s3 =	sadd.s32 $0x88, s3;
	s6 =	simm.s32 @!p1 $0x1082;
	[sflag:s4] =	ssyncset.s32 $0xFFFFF086  }
0x25: {  	[simem:s6], [sflag:s4] =	dma.local [hbm:s3], $0xF7A  }
0x26: {  	[smem:$0x3F9B] =	sst s1;
	(tag) =	ssettag s2;
	_ =	strace s9  }
0x27: {  	s1 =	sld [smem:$0x3FAB]  }
0x28: {  	s2 =	sld [smem:$0x3FAC]  }
0x29: {  	s4 =	sld [smem:$0x3FAE]  }
0x2a: {  	p0 =	seq.s32 s5, $0x0;
	s5 =	sld [smem:$0x3FAF]  }
0x2b: {  	s6 =	sld [smem:$0x3FB0]  }
0x2c: {  	s7 =	sld [smem:$0x3FB1]  }
0x2d: {  	s3 =	simm.s32 $0x108;
	s8 =	sld [smem:$0x3FB2]  }
0x2e: {  	s3 =	simm.s32 @!p0 $0x1082;
	s9 =	sld [smem:$0x3FB3]  }
0x2f: {  	lr =	sadd.s32 s0, s3;
	s0 =	sld [smem:$0x3FAA]  }
0x30: {  	s3 =	sld [smem:$0x3FAD]  }
0x31: {  	[smem:$0x3FB6] =	sst s10  }
0x32: {  	s10 =	sld [smem:$0x3FB4];
	_ =	sdelay $0x3  }
0x33: {  	p0 =	seq.s32 s10, $0x1;
	s10 =	sld [smem:$0x3FB6];
	_ =	sdelay $0x3  }
0x34: {  	[smem:$0x3FB6] =	sst s10  }
0x35: {  	s10 =	sld [smem:$0x3FB5];
	_ =	sdelay $0x3  }
0x36: {  	p1 =	seq.s32 s10, $0x1;
	s10 =	sld [smem:$0x3FB6];
	_ =	sdelay $0x3  }
0x37: {  	[smem:$0x3FB6] =	sst s10  }
0x38: {  	s10 =	sld [smem:$0x3FB7]  }
0x39: {  	_ = 	snop;
	(pc) =	sbr.ind lr, $3  }
0x3a: {  	_ = 	snop  }
0x3b: {  	_ = 	snop  }
0x3c: {  	p2 =	seq.s32 s10, $0x1;
	s10 =	sld [smem:$0x3FB6]  }
0x3d: {  	_ =	shalt  }
0x3e: {  	_ =	shalt  }
0x3f: {  	_ =	shalt  }
0x40: {  	_ =	shalt  }
0x41: {  	_ =	shalt  }
0x42: {  	_ =	shalt  }
0x43: {  	_ =	shalt  }
0x44: {  	_ =	shalt  }
0x45: {  	_ =	shalt  }
0x46: {  	_ =	shalt  }
0x47: {  	_ =	shalt  }
0x48: {  	_ =	shalt  }
0x49: {  	_ =	shalt  }
0x4a: {  	_ =	shalt  }
0x4b: {  	_ =	shalt  }
0x4c: {  	_ =	shalt  }
0x4d: {  	_ =	shalt  }
0x4e: {  	_ =	shalt  }
0x4f: {  	_ =	shalt  }
0x50: {  	_ =	shalt  }
0x51: {  	_ =	shalt  }
0x52: {  	_ =	shalt  }
0x53: {  	_ =	shalt  }
0x54: {  	_ =	shalt  }
0x55: {  	_ =	shalt  }
0x56: {  	_ =	shalt  }
0x57: {  	_ =	shalt  }
0x58: {  	_ =	shalt  }
0x59: {  	_ =	shalt  }
0x5a: {  	_ =	shalt  }
0x5b: {  	_ =	shalt  }
0x5c: {  	_ =	shalt  }
0x5d: {  	_ =	shalt  }
0x5e: {  	_ =	shalt  }
0x5f: {  	_ =	shalt  }
0x60: {  	_ =	shalt  }
0x61: {  	_ =	shalt  }
0x62: {  	_ =	shalt  }
0x63: {  	_ =	shalt  }
0x64: {  	_ =	shalt  }
0x65: {  	_ =	shalt  }
0x66: {  	_ =	shalt  }
0x67: {  	_ =	shalt  }
0x68: {  	_ =	shalt  }
0x69: {  	_ =	shalt  }
0x6a: {  	_ =	shalt  }
0x6b: {  	_ =	shalt  }
0x6c: {  	_ =	shalt  }
0x6d: {  	_ =	shalt  }
0x6e: {  	_ =	shalt  }
0x6f: {  	_ =	shalt  }
0x70: {  	_ =	shalt  }
0x71: {  	_ =	shalt  }
0x72: {  	_ =	shalt  }
0x73: {  	_ =	shalt  }
0x74: {  	_ =	shalt  }
0x75: {  	_ =	shalt  }
0x76: {  	_ =	shalt  }
0x77: {  	_ =	shalt  }
0x78: {  	_ =	shalt  }
0x79: {  	_ =	shalt  }
0x7a: {  	_ =	shalt  }
0x7b: {  	_ =	shalt  }
0x7c: {  	_ =	shalt  }
0x7d: {  	_ =	shalt  }
0x7e: {  	_ =	shalt  }
0x7f: {  	_ =	shalt  }
0x80: {  	_ =	shalt  }
0x81: {  	_ =	shalt  }
0x82: {  	_ =	shalt  }
0x83: {  	_ =	shalt  }
0x84: {  	_ =	shalt  }
0x85: {  	_ =	shalt  }
0x86: {  	_ =	shalt  }
0x87: {  	_ =	shalt  }
.Lfunc_end0:
.L_simem_size_0:
called_computation.1_lowered:
.L_overlay_start_0:
0x88: {  	s2 =	sld [smem:$0x3FD9]  }
0x89: {  	s3 =	sld [smem:$0x3FFE];
	_ =	sdelay $0x1  }
0x8a: {  	s1 =	srdreg.scid  }
0x8b: {  	s0 =	sand.u32 $0x1, s1  }
0x8c: {  	s17 =	sshll.u32 s0, $0xA;
	s2 =	sadd.s32 s3, s2  }
0x8d: {  	s2 =	sadd.s32 s2, s17  }
0x8e: {  	[smem:$0x3FC2] =	sst s2  }
0x8f: {  	_ = 	snop  }
0x90: {  	s2 =	sld [smem:$0x3FD0];
	(tm) =	ssettm $0x1  }
0x91: {  	s18 =	sld [smem:$0x3FFB];
	_ =	sdelay $0x3  }
0x92: {  	_ =	strace s18  }
0x93: {  	s3 =	sld [smem:$0x3FFC];
	_ =	sdelay $0x3  }
0x94: {  	_ =	strace s3  }
0x95: {  	s3 =	sld [smem:$0x3FFD];
	_ =	sdelay $0x3  }
0x96: {  	_ =	strace s3  }
0x97: {  	_ =	strace $0x8FFFFFFF  }
0x98: {  	s19 =	sld [smem:$0x3FDB];
	_ =	sdelay $0x1  }
0x99: {  	s4 =	simm.s32 $_scs_section_size  }
0x9a: {  	s5 =	simm.s32 $_size__tile_overlayer_lowered;
	s6 =	simm.s32 $_tile_overlayer_lowered  }
0x9b: {  	s22 =	simm.s32 $0x1BFF;
	s21 =	sshll.u32 s6, $0x1;
	s3 =	sadd.s32 s4, s19  }
0x9c: {  	s7 =	simm.s32 $0x0;
	s20 =	sshll.u32 s5, $0x1;
	s5 =	sadd.s32 s21, s3  }
0x9d: {  	[timem:s7], [sflag:s22] =	dma.local [hbm:s5], s20  }
0x9e: {  	_ =	swait.ge [sflag:s22], s20  }
0x9f: {  	s4 =	ssub.s32 $0x0, s20;
	[sflag:s22] =	ssyncset.done $0x0  }
0xa0: {  	[sflag:s22] =	ssyncadd.s32 s4;
	_ =	sdelay $0x1  }
0xa1: {  	s23 =	simm.s32 $0x1B8B  }
0xa2: {  	_ =	swait.ge [sflag:s23], $0x1  }
0xa3: {  	[sflag:s23] =	ssyncset.done $0x0  }
0xa4: {  	s25 =	simm.s32 $0x1B8E;
	s24 =	sld [smem:$0x3FFE];
	[sflag:s23] =	ssyncadd.s32 $0xFFFFFFFF  }
0xa5: {  	s26 =	simm.s32 $execute0_lowered;
	[smem:$0x3FD2] =	sst s25  }
0xa6: {  	s5 =	sshll.u32 s26, $0x1;
	_ =	strace $0x80000049;
	[dreg:$0x1] =	wrdreg $0xFFFFFFFF  }
0xa7: {  	s28 =	simm.s32 $_size_execute0_lowered;
	s3 =	sadd.s32 s3, s5;
	[dreg:$0x0] =	wrdreg $0x0  }
0xa8: {  	s5 =	sshll.u32 s28, $0x1;
	[dreg:$0x2] =	wrdreg s3  }
0xa9: {  	[dreg:$0x3] =	wrdreg s5  }
0xaa: {  	[dreg:$0x4] =	wrdreg $0xC0  }
0xab: {  	_ =	task [dreg:s7], $0x5FFFF  }
0xac: {  	[dreg:$0x1] =	wrdreg $0xFFFFFFFF  }
0xad: {  	[dreg:$0x0] =	wrdreg $0x60  }
0xae: {  	[dreg:$0x2] =	wrdreg s2  }
0xaf: {  	[dreg:$0x3] =	wrdreg s24  }
0xb0: {  	[dreg:$0x4] =	wrdreg $0xB0000  }
0xb1: {  	[dreg:$0x5] =	wrdreg $0x9  }
0xb2: {  	_ =	task.clear_ibuf [dreg:s7], $0x6FFFF;
	_ =	strace $0x90000049  }
0xb3: {  	s29 =	simm.s32 $0x9;
	_ =	strace $0x8000004B  }
0xb4: {  	_ =	swait.ge [sflag:s29], $0x1  }
0xb5: {  	[sflag:s29] =	ssyncadd.s32 $0xFFFFFFFF  }
0xb6: {  	_ =	strace $0x9000004B  }
0xb7: {  	_ =	sfence  }
0xb8: {  	s30 =	sld [smem:$0x0];
	_ =	sdelay $0x2  }
0xb9: {  	s31 =	sshll.u32 s1, $0xD;
	s1 =	sshrl.u32 s1, $0x2  }
0xba: {  	s3 =	sand.u32 $0x4000, s31;
	s1 =	sadd.s32 s1, s30  }
0xbb: {  	s0 =	sor.u32 s3, s0;
	s1 =	sshll.u32 s1, $0x11  }
0xbc: {  	s0 =	sor.u32 s1, s0  }
0xbd: {  	s0 =	sadd.s32 $0x8F2B, s0  }
0xbe: {  	[sflag:s0] =	ssyncadd.remote.s32 $0x1  }
0xbf: {  	_ =	sfence.sel $0xFFFF  }
0xc0: {  	[dreg:$0x0] =	wrdreg $0xFFFFFFFF;
	(pc) =	sbr.abs _section_cstart, $3  }
0xc1: {  	[dreg:$0x1] =	wrdreg $0xFFFFFFFF  }
0xc2: {  	_ =	task.clear_ibuf [dreg:s7], $0x2FFFF;
	_ =	strace $0x9FFFFFFF  }
0xc3: {  	(tm) =	ssettm $0x7FFFFFFF  }
tec
execute0_lowered:
.L_overlay_start_1:
0x0: {  	(tag) =	ssettag $0x1  }
0x1: {  	s1 =	rddreg [dreg:$0x0]  }
0x2: {  	s5 =	rddreg [dreg:$0x1]  }
0x3: {  	s3 =	srdreg.scid;
	s0 =	stileid.u32  }
0x4: {  	s2 =	rddreg [dreg:$0x2];
	s14 =	simm.s32 $0x3;
	s15 =	simm.s32 $0x3000  }
0x5: {  	s16 =	simm.s32 $0x80;
	s17 =	simm.s32 $0x7000;
	s18 =	simm.s32 $0x2C00  }
0x6: {  	s19 =	simm.s32 $0x1;
	s20 =	simm.s32 $0x2;
	s21 =	simm.s32 $0x2C80  }
0x7: {  	s22 =	simm.s32 $0x2D00;
	s23 =	simm.s32 $0x2D80;
	s24 =	simm.s32 $0x2E00  }
0x8: {  	s28 =	simm.s32 $0x2F80;
	s29 =	simm.s32 $0x0;
	s4 =	smul.u32 $0x2800, s0  }
0x9: {  	s6 =	sand.u32 $0x1, s3;
	s3 =	simm.s32 $0x0;
	s10 =	smul.u32 $0x50000, s0  }
0xa: {  	s7 =	smul.u32 $0x28000, s6;
	[smem:$0x7FF] =	sst s3;
	s25 =	sshll.u32 s6, $0x4  }
0xb: {  	s6 =	ssub.s32 $0x2, s6;
	_ =	strace $0x8000004A;
	s9 =	sor.u32 s0, s25  }
0xc: {  	s30 =	sshrl.u32 s10, $0x2;
	s31 =	sshrl.u32 s6, $0x1;
	s25 =	simm.s32 $0x2E80  }
0xd: {  	s7 =	sadd.s32 s4, s7;
	s4 =	sadd.s32 $0xC400, s5;
	s26 =	smul.u32 $0x2800, s9  }
0xe: {  	s12 =	ssub.s32 s6, s31;
	s8 =	sshrl.u32 s7, $0x3;
	s11 =	sadd.s32 s7, s5  }
0xf: {  	s12 =	smax.u32 s12, $0x1;
	s13 =	sadd.s32 s8, s5;
	s8 =	sshrl.u32 s26, $0x3  }
0x10: {  	s5 =	sadd.s32 s30, s2;
	s11 =	sadd.s32 $0x34400, s11;
	s26 =	simm.s32 $0x2F00  }
0x11: {  	s6 =	sadd.s32 s1, s8;
	s7 =	sadd.s32 $0x4000, s5;
	s8 =	sadd.s32 $0x8000, s5  }
0x12: {  	v0 =	vimm.s32 $0x0;
	v1 =	vimm.f32 $0.0e+00;
	s9 =	sadd.s32 $0xC000, s5;
	s10 =	sadd.s32 $0x10000, s5;
	s13 =	sadd.s32 $0x2400, s13  }
.LBB2_1:
0x13: {  	[tilespmem:s3], [sflag:$0x3] =	stream.linear.gather [hbm4b:s6+s3], $0x2800, $0x38;
	[tilespmem:$0x1F000] =	vst v63  }
0x14: {  	_ =	swait.ge [sflag:s14], $0x2800  }
0x15: {  	[sflag:s14] =	ssyncset.done $0x0  }
0x16: {  	[sflag:s14] =	ssyncadd.s32 $0xFFFFD800  }
0x17: {  	[tilespmem:$0x2800] =	vst v0  }
0x18: {  	[tilespmem:$0x2880] =	vst v0  }
0x19: {  	[tilespmem:$0x2810] =	vst v0  }
0x1a: {  	[tilespmem:$0x2890] =	vst v0  }
0x1b: {  	[tilespmem:$0x2820] =	vst v0  }
0x1c: {  	[tilespmem:$0x28A0] =	vst v0  }
0x1d: {  	[tilespmem:$0x2830] =	vst v0  }
0x1e: {  	[tilespmem:$0x28B0] =	vst v0  }
0x1f: {  	[tilespmem:$0x2840] =	vst v0  }
0x20: {  	[tilespmem:$0x28C0] =	vst v0  }
0x21: {  	[tilespmem:$0x2850] =	vst v0  }
0x22: {  	[tilespmem:$0x28D0] =	vst v0  }
0x23: {  	[tilespmem:$0x2860] =	vst v0  }
0x24: {  	[tilespmem:$0x28E0] =	vst v0  }
0x25: {  	[tilespmem:$0x2870] =	vst v0  }
0x26: {  	s1 =	simm.s32 $0x0;
	s30 =	simm.s32 $0x200;
	[tilespmem:$0x28F0] =	vst v0  }
.LBB2_2:
0x27: {  	p0 =	sne.s32 s30, $0xFE00;
	[tilespmem:s1+$0x3070] =	vst v1  }
0x28: {  	[tilespmem:s1+$0x3000] =	vst v1  }
0x29: {  	[tilespmem:s1+$0x3010] =	vst v1  }
.Ltmp0:
0x2a: {  	[tilespmem:s1+$0x3020] =	vst v1;
	(pc) =	sbr.rel @p0 .LBB2_2-.Ltmp0, $4  }
0x2b: {  	[tilespmem:s1+$0x3030] =	vst v1  }
0x2c: {  	[tilespmem:s1+$0x3040] =	vst v1  }
0x2d: {  	[tilespmem:s1+$0x3050] =	vst v1  }
0x2e: {  	[tilespmem:s1+$0x3060] =	vst v1;
	s1 =	sshra.s32 s30, $0x2;
	s30 =	sadd.s32 $0x200, s30  }
0x2f: {  	[tilespmem:s1+$0x3070] =	vst v1  }
0x30: {  	[tilespmem:s1+$0x3000] =	vst v1  }
0x31: {  	[tilespmem:s1+$0x3010] =	vst v1  }
0x32: {  	[tilespmem:s1+$0x3020] =	vst v1  }
0x33: {  	[tilespmem:s1+$0x3030] =	vst v1  }
0x34: {  	[tilespmem:s1+$0x3040] =	vst v1  }
0x35: {  	[tilespmem:s1+$0x3050] =	vst v1  }
0x36: {  	[tilespmem:s1+$0x3060] =	vst v1  }
0x37: {  	[spmem:s5] =	stream.linear.scatter [tilespmem:s15], [sflag:$0x3], $0x4000, $0x38;
	[tilespmem:$0x1F000] =	vst v63  }
0x38: {  	_ =	swait.ge [sflag:s14], $0x4000  }
0x39: {  	[sflag:s14] =	ssyncset.done $0x0  }
0x3a: {  	[sflag:s14] =	ssyncadd.s32 $0xFFFFC000  }
0x3b: {  	[spmem:s7] =	stream.linear.scatter [tilespmem:s15], [sflag:$0x3], $0x4000, $0x38;
	[tilespmem:$0x1F000] =	vst v63  }
0x3c: {  	_ =	swait.ge [sflag:s14], $0x4000  }
0x3d: {  	[sflag:s14] =	ssyncset.done $0x0  }
0x3e: {  	[sflag:s14] =	ssyncadd.s32 $0xFFFFC000  }
0x3f: {  	[spmem:s8] =	stream.linear.scatter [tilespmem:s15], [sflag:$0x3], $0x4000, $0x38;
	[tilespmem:$0x1F000] =	vst v63  }
0x40: {  	_ =	swait.ge [sflag:s14], $0x4000  }
0x41: {  	[sflag:s14] =	ssyncset.done $0x0  }
0x42: {  	[sflag:s14] =	ssyncadd.s32 $0xFFFFC000  }
0x43: {  	[spmem:s9] =	stream.linear.scatter [tilespmem:s15], [sflag:$0x3], $0x4000, $0x38;
	[tilespmem:$0x1F000] =	vst v63  }
0x44: {  	_ =	swait.ge [sflag:s14], $0x4000  }
0x45: {  	[sflag:s14] =	ssyncset.done $0x0  }
0x46: {  	[sflag:s14] =	ssyncadd.s32 $0xFFFFC000  }
0x47: {  	[spmem:s10] =	stream.linear.scatter [tilespmem:s15], [sflag:$0x3], $0x4000, $0x38;
	[tilespmem:$0x1F000] =	vst v63  }
0x48: {  	_ =	swait.ge [sflag:s14], $0x4000  }
0x49: {  	[sflag:s14] =	ssyncset.done $0x0  }
0x4a: {  	[sflag:s14] =	ssyncadd.s32 $0xFFFFC000  }
0x4b: {  	s0 =	simm.s32 $0x0;
	[bflag:$0x0] =	sbarrier.arrive $0xFFFF  }
0x4c: {  	[tilespmem:s15], [sflag:$0x1] =	stream.indirect.gather [hbm4b:s4+s16], $0x80, s0, s16, $0xb8;
	[tilespmem:$0x1F000] =	vst v63  }
0x4d: {  	_ = 	snop  }
0x4e: {  	[tilespmem:s17], [sflag:$0x2] =	stream.indirect.gather [hbm4b:s4+s16], $0x80, s16, s16, $0xb8;
	[tilespmem:$0x1F000] =	vst v63  }
0x4f: {  	_ = 	snop  }
0x50: {  	[tilespmem:s18], [sflag:$0x3] =	stream.linear.gather [hbm4b:s13+s3], $0x400, $0x38;
	[tilespmem:$0x1F000] =	vst v63  }
0x51: {  	_ =	swait.ge [sflag:s14], $0x400  }
0x52: {  	[sflag:s14] =	ssyncset.done $0x0  }
0x53: {  	[sflag:s14] =	ssyncadd.s32 $0xFFFFFC00  }
0x54: {  	_ =	swait.ge [sflag:s19], $0x4000  }
0x55: {  	[sflag:s19] =	ssyncset.done $0x0  }
0x56: {  	[sflag:s19] =	ssyncadd.s32 $0xFFFFC000  }
0x57: {  	[spmem:s2] =	stream.indirect.scatter.add.f32 [tilespmem:s15], [sflag:$0x3], $0x80, s18, s16, $0xb8;
	[tilespmem:$0x1F000] =	vst v63  }
0x58: {  	_ =	swait.ge [sflag:s14], $0x4000  }
0x59: {  	[sflag:s14] =	ssyncset.done $0x0  }
0x5a: {  	s0 =	simm.s32 $0x100;
	[sflag:s14] =	ssyncadd.s32 $0xFFFFC000  }
0x5b: {  	[tilespmem:s15], [sflag:$0x1] =	stream.indirect.gather [hbm4b:s4+s16], $0x80, s0, s16, $0xb8;
	[tilespmem:$0x1F000] =	vst v63  }
0x5c: {  	_ =	swait.ge [sflag:s20], $0x4000  }
0x5d: {  	[sflag:s20] =	ssyncset.done $0x0  }
0x5e: {  	[sflag:s20] =	ssyncadd.s32 $0xFFFFC000  }
0x5f: {  	[spmem:s2] =	stream.indirect.scatter.add.f32 [tilespmem:s17], [sflag:$0x3], $0x80, s21, s16, $0xb8;
	[tilespmem:$0x1F000] =	vst v63  }
0x60: {  	_ =	swait.ge [sflag:s14], $0x4000  }
0x61: {  	[sflag:s14] =	ssyncset.done $0x0  }
0x62: {  	s0 =	simm.s32 $0x180;
	[sflag:s14] =	ssyncadd.s32 $0xFFFFC000  }
0x63: {  	[tilespmem:s17], [sflag:$0x2] =	stream.indirect.gather [hbm4b:s4+s16], $0x80, s0, s16, $0xb8;
	[tilespmem:$0x1F000] =	vst v63  }
0x64: {  	_ =	swait.ge [sflag:s19], $0x4000  }
0x65: {  	[sflag:s19] =	ssyncset.done $0x0  }
0x66: {  	[sflag:s19] =	ssyncadd.s32 $0xFFFFC000  }
0x67: {  	[spmem:s2] =	stream.indirect.scatter.add.f32 [tilespmem:s15], [sflag:$0x3], $0x80, s22, s16, $0xb8;
	[tilespmem:$0x1F000] =	vst v63  }
0x68: {  	_ =	swait.ge [sflag:s14], $0x4000  }
0x69: {  	[sflag:s14] =	ssyncset.done $0x0  }
0x6a: {  	s0 =	simm.s32 $0x200;
	[sflag:s14] =	ssyncadd.s32 $0xFFFFC000  }
0x6b: {  	[tilespmem:s15], [sflag:$0x1] =	stream.indirect.gather [hbm4b:s4+s16], $0x80, s0, s16, $0xb8;
	[tilespmem:$0x1F000] =	vst v63  }
0x6c: {  	_ =	swait.ge [sflag:s20], $0x4000  }
0x6d: {  	[sflag:s20] =	ssyncset.done $0x0  }
0x6e: {  	[sflag:s20] =	ssyncadd.s32 $0xFFFFC000  }
0x6f: {  	[spmem:s2] =	stream.indirect.scatter.add.f32 [tilespmem:s17], [sflag:$0x3], $0x80, s23, s16, $0xb8;
	[tilespmem:$0x1F000] =	vst v63  }
0x70: {  	_ =	swait.ge [sflag:s14], $0x4000  }
0x71: {  	[sflag:s14] =	ssyncset.done $0x0  }
0x72: {  	s0 =	simm.s32 $0x280;
	[sflag:s14] =	ssyncadd.s32 $0xFFFFC000  }
0x73: {  	[tilespmem:s17], [sflag:$0x2] =	stream.indirect.gather [hbm4b:s4+s16], $0x80, s0, s16, $0xb8;
	[tilespmem:$0x1F000] =	vst v63  }
0x74: {  	_ =	swait.ge [sflag:s19], $0x4000  }
0x75: {  	[sflag:s19] =	ssyncset.done $0x0  }
0x76: {  	[sflag:s19] =	ssyncadd.s32 $0xFFFFC000  }
0x77: {  	[spmem:s2] =	stream.indirect.scatter.add.f32 [tilespmem:s15], [sflag:$0x3], $0x80, s24, s16, $0xb8;
	[tilespmem:$0x1F000] =	vst v63  }
0x78: {  	_ =	swait.ge [sflag:s14], $0x4000  }
0x79: {  	[sflag:s14] =	ssyncset.done $0x0  }
0x7a: {  	s0 =	simm.s32 $0x300;
	[sflag:s14] =	ssyncadd.s32 $0xFFFFC000  }
0x7b: {  	[tilespmem:s15], [sflag:$0x1] =	stream.indirect.gather [hbm4b:s4+s16], $0x80, s0, s16, $0xb8;
	[tilespmem:$0x1F000] =	vst v63  }
0x7c: {  	_ =	swait.ge [sflag:s20], $0x4000  }
0x7d: {  	[sflag:s20] =	ssyncset.done $0x0  }
0x7e: {  	[sflag:s20] =	ssyncadd.s32 $0xFFFFC000  }
0x7f: {  	[spmem:s2] =	stream.indirect.scatter.add.f32 [tilespmem:s17], [sflag:$0x3], $0x80, s25, s16, $0xb8;
	[tilespmem:$0x1F000] =	vst v63  }
0x80: {  	_ =	swait.ge [sflag:s14], $0x4000  }
0x81: {  	[sflag:s14] =	ssyncset.done $0x0  }
0x82: {  	s0 =	simm.s32 $0x380;
	[sflag:s14] =	ssyncadd.s32 $0xFFFFC000  }
0x83: {  	[tilespmem:s17], [sflag:$0x2] =	stream.indirect.gather [hbm4b:s4+s16], $0x80, s0, s16, $0xb8;
	[tilespmem:$0x1F000] =	vst v63  }
0x84: {  	_ =	swait.ge [sflag:s19], $0x4000  }
0x85: {  	[sflag:s19] =	ssyncset.done $0x0  }
0x86: {  	[sflag:s19] =	ssyncadd.s32 $0xFFFFC000  }
0x87: {  	[spmem:s2] =	stream.indirect.scatter.add.f32 [tilespmem:s15], [sflag:$0x3], $0x80, s26, s16, $0xb8;
	[tilespmem:$0x1F000] =	vst v63  }
0x88: {  	_ =	swait.ge [sflag:s14], $0x4000  }
0x89: {  	[sflag:s14] =	ssyncset.done $0x0  }
0x8a: {  	s0 =	simm.s32 $0x400;
	[sflag:s14] =	ssyncadd.s32 $0xFFFFC000  }
0x8b: {  	[tilespmem:s15], [sflag:$0x1] =	stream.indirect.gather [hbm4b:s4+s16], $0x80, s0, s16, $0xb8;
	[tilespmem:$0x1F000] =	vst v63  }
0x8c: {  	_ =	swait.ge [sflag:s20], $0x4000  }
0x8d: {  	[sflag:s20] =	ssyncset.done $0x0  }
0x8e: {  	[sflag:s20] =	ssyncadd.s32 $0xFFFFC000  }
0x8f: {  	[spmem:s2] =	stream.indirect.scatter.add.f32 [tilespmem:s17], [sflag:$0x3], $0x80, s28, s16, $0xb8;
	[tilespmem:$0x1F000] =	vst v63  }
0x90: {  	_ =	swait.ge [sflag:s14], $0x4000  }
0x91: {  	s30 =	simm.s32 $0x1000;
	[sflag:s14] =	ssyncset.done $0x0  }
0x92: {  	s1 =	simm.s32 $0x480;
	s31 =	sadd.s32 $0x80, s13;
	[sflag:s14] =	ssyncadd.s32 $0xFFFFC000  }
.LBB2_4:
0x93: {  	[tilespmem:s17], [sflag:$0x2] =	stream.indirect.gather [hbm4b:s4+s16], $0x80, s1, s16, $0xb8;
	[tilespmem:$0x1F000] =	vst v63  }
0x94: {  	p0 =	sne.s32 s30, $0x9000;
	s1 =	smov.u32 s30;
	s30 =	sadd.s32 $0x1000, s30  }
0x95: {  	[tilespmem:s18], [sflag:$0x3] =	stream.linear.gather [hbm4b:s31+s3], $0x400, $0x38;
	[tilespmem:$0x1F000] =	vst v63  }
0x96: {  	_ =	swait.ge [sflag:s14], $0x400  }
0x97: {  	[sflag:s14] =	ssyncset.done $0x0  }
0x98: {  	[sflag:s14] =	ssyncadd.s32 $0xFFFFFC00  }
0x99: {  	_ =	swait.ge [sflag:s19], $0x4000  }
0x9a: {  	[sflag:s19] =	ssyncset.done $0x0  }
0x9b: {  	[sflag:s19] =	ssyncadd.s32 $0xFFFFC000  }
0x9c: {  	[spmem:s2] =	stream.indirect.scatter.add.f32 [tilespmem:s15], [sflag:$0x3], $0x80, s18, s16, $0xb8;
	[tilespmem:$0x1F000] =	vst v63  }
0x9d: {  	_ =	swait.ge [sflag:s14], $0x4000  }
0x9e: {  	s1 =	sshra.s32 s1, $0x2;
	[sflag:s14] =	ssyncset.done $0x0  }
0x9f: {  	s0 =	sadd.s32 $0x100, s1;
	[sflag:s14] =	ssyncadd.s32 $0xFFFFC000  }
0xa0: {  	[tilespmem:s15], [sflag:$0x1] =	stream.indirect.gather [hbm4b:s4+s16], $0x80, s0, s16, $0xb8;
	[tilespmem:$0x1F000] =	vst v63  }
0xa1: {  	_ =	swait.ge [sflag:s20], $0x4000  }
0xa2: {  	[sflag:s20] =	ssyncset.done $0x0  }
0xa3: {  	[sflag:s20] =	ssyncadd.s32 $0xFFFFC000  }
0xa4: {  	[spmem:s2] =	stream.indirect.scatter.add.f32 [tilespmem:s17], [sflag:$0x3], $0x80, s21, s16, $0xb8;
	[tilespmem:$0x1F000] =	vst v63  }
0xa5: {  	_ =	swait.ge [sflag:s14], $0x4000  }
0xa6: {  	[sflag:s14] =	ssyncset.done $0x0  }
0xa7: {  	s0 =	sadd.s32 $0x180, s1;
	[sflag:s14] =	ssyncadd.s32 $0xFFFFC000  }
0xa8: {  	[tilespmem:s17], [sflag:$0x2] =	stream.indirect.gather [hbm4b:s4+s16], $0x80, s0, s16, $0xb8;
	[tilespmem:$0x1F000] =	vst v63  }
0xa9: {  	_ =	swait.ge [sflag:s19], $0x4000  }
0xaa: {  	[sflag:s19] =	ssyncset.done $0x0  }
0xab: {  	[sflag:s19] =	ssyncadd.s32 $0xFFFFC000  }
0xac: {  	[spmem:s2] =	stream.indirect.scatter.add.f32 [tilespmem:s15], [sflag:$0x3], $0x80, s22, s16, $0xb8;
	[tilespmem:$0x1F000] =	vst v63  }
0xad: {  	_ =	swait.ge [sflag:s14], $0x4000  }
0xae: {  	[sflag:s14] =	ssyncset.done $0x0  }
0xaf: {  	s0 =	sadd.s32 $0x200, s1;
	[sflag:s14] =	ssyncadd.s32 $0xFFFFC000  }
0xb0: {  	[tilespmem:s15], [sflag:$0x1] =	stream.indirect.gather [hbm4b:s4+s16], $0x80, s0, s16, $0xb8;
	[tilespmem:$0x1F000] =	vst v63  }
0xb1: {  	_ =	swait.ge [sflag:s20], $0x4000  }
0xb2: {  	[sflag:s20] =	ssyncset.done $0x0  }
0xb3: {  	[sflag:s20] =	ssyncadd.s32 $0xFFFFC000  }
0xb4: {  	[spmem:s2] =	stream.indirect.scatter.add.f32 [tilespmem:s17], [sflag:$0x3], $0x80, s23, s16, $0xb8;
	[tilespmem:$0x1F000] =	vst v63  }
0xb5: {  	_ =	swait.ge [sflag:s14], $0x4000  }
0xb6: {  	[sflag:s14] =	ssyncset.done $0x0  }
0xb7: {  	s0 =	sadd.s32 $0x280, s1;
	[sflag:s14] =	ssyncadd.s32 $0xFFFFC000  }
0xb8: {  	[tilespmem:s17], [sflag:$0x2] =	stream.indirect.gather [hbm4b:s4+s16], $0x80, s0, s16, $0xb8;
	[tilespmem:$0x1F000] =	vst v63  }
0xb9: {  	_ =	swait.ge [sflag:s19], $0x4000  }
0xba: {  	[sflag:s19] =	ssyncset.done $0x0  }
0xbb: {  	[sflag:s19] =	ssyncadd.s32 $0xFFFFC000  }
0xbc: {  	[spmem:s2] =	stream.indirect.scatter.add.f32 [tilespmem:s15], [sflag:$0x3], $0x80, s24, s16, $0xb8;
	[tilespmem:$0x1F000] =	vst v63  }
0xbd: {  	_ =	swait.ge [sflag:s14], $0x4000  }
0xbe: {  	[sflag:s14] =	ssyncset.done $0x0  }
0xbf: {  	s0 =	sadd.s32 $0x300, s1;
	[sflag:s14] =	ssyncadd.s32 $0xFFFFC000  }
0xc0: {  	[tilespmem:s15], [sflag:$0x1] =	stream.indirect.gather [hbm4b:s4+s16], $0x80, s0, s16, $0xb8;
	[tilespmem:$0x1F000] =	vst v63  }
0xc1: {  	_ =	swait.ge [sflag:s20], $0x4000  }
0xc2: {  	[sflag:s20] =	ssyncset.done $0x0  }
0xc3: {  	[sflag:s20] =	ssyncadd.s32 $0xFFFFC000  }
0xc4: {  	[spmem:s2] =	stream.indirect.scatter.add.f32 [tilespmem:s17], [sflag:$0x3], $0x80, s25, s16, $0xb8;
	[tilespmem:$0x1F000] =	vst v63  }
0xc5: {  	_ =	swait.ge [sflag:s14], $0x4000  }
0xc6: {  	[sflag:s14] =	ssyncset.done $0x0  }
0xc7: {  	s0 =	sadd.s32 $0x380, s1;
	[sflag:s14] =	ssyncadd.s32 $0xFFFFC000  }
0xc8: {  	[tilespmem:s17], [sflag:$0x2] =	stream.indirect.gather [hbm4b:s4+s16], $0x80, s0, s16, $0xb8;
	[tilespmem:$0x1F000] =	vst v63  }
0xc9: {  	_ =	swait.ge [sflag:s19], $0x4000  }
0xca: {  	[sflag:s19] =	ssyncset.done $0x0  }
0xcb: {  	[sflag:s19] =	ssyncadd.s32 $0xFFFFC000  }
0xcc: {  	[spmem:s2] =	stream.indirect.scatter.add.f32 [tilespmem:s15], [sflag:$0x3], $0x80, s26, s16, $0xb8;
	[tilespmem:$0x1F000] =	vst v63  }
0xcd: {  	_ =	swait.ge [sflag:s14], $0x4000  }
0xce: {  	[sflag:s14] =	ssyncset.done $0x0  }
0xcf: {  	s0 =	sadd.s32 $0x400, s1;
	[sflag:s14] =	ssyncadd.s32 $0xFFFFC000  }
0xd0: {  	[tilespmem:s15], [sflag:$0x1] =	stream.indirect.gather [hbm4b:s4+s16], $0x80, s0, s16, $0xb8;
	[tilespmem:$0x1F000] =	vst v63  }
0xd1: {  	_ =	swait.ge [sflag:s20], $0x4000  }
0xd2: {  	[sflag:s20] =	ssyncset.done $0x0  }
.Ltmp1:
0xd3: {  	[sflag:s20] =	ssyncadd.s32 $0xFFFFC000;
	(pc) =	sbr.rel @p0 .LBB2_4-.Ltmp1, $4  }
0xd4: {  	[spmem:s2] =	stream.indirect.scatter.add.f32 [tilespmem:s17], [sflag:$0x3], $0x80, s28, s16, $0xb8;
	[tilespmem:$0x1F000] =	vst v63  }
0xd5: {  	_ =	swait.ge [sflag:s14], $0x4000  }
0xd6: {  	[sflag:s14] =	ssyncset.done $0x0  }
0xd7: {  	s31 =	sadd.s32 $0x80, s31;
	s1 =	sadd.s32 $0x480, s1;
	[sflag:s14] =	ssyncadd.s32 $0xFFFFC000  }
0xd8: {  	[tilespmem:s17], [sflag:$0x2] =	stream.indirect.gather [hbm4b:s4+s16], $0x80, s1, s16, $0xb8;
	[tilespmem:$0x1F000] =	vst v63  }
0xd9: {  	_ =	swait.ge [sflag:s19], $0x4000  }
0xda: {  	[sflag:s19] =	ssyncset.done $0x0  }
0xdb: {  	[sflag:s19] =	ssyncadd.s32 $0xFFFFC000  }
0xdc: {  	s0 =	stileid.u32;
	_ =	swait.ge [sflag:s20], $0x4000  }
0xdd: {  	s31 =	sshrl.u32 s5, $0x3;
	s29 =	sadd.s32 $0x1, s29;
	[sflag:s20] =	ssyncset.done $0x0  }
0xde: {  	s0 =	sshll.u32 s0, $0x6;
	p0 =	sne.s32 s29, s12;
	[sflag:s20] =	ssyncadd.s32 $0xFFFFC000  }
.Ltmp2:
0xdf: {  	s0 =	sor.u32 $0x1C03, s0;
	[bflag:$0x0] =	sbarrier.arrive $0xFFFF;
	(pc) =	sbr.rel @p0 .LBB2_1-.Ltmp2, $4  }
0xe0: {  	[hbm:s11], [sflag:s0] =	dma.local [spmem:s31], $0x2800  }
0xe1: {  	_ =	swait.ge [sflag:s14], $0x2800  }
0xe2: {  	[sflag:s14] =	ssyncset.done $0x0  }
0xe3: {  	[sflag:s14] =	ssyncadd.s32 $0xFFFFD800  }
0xe4: {  	_ =	sfence.sel $0x180000  }
0xe5: {  	[bflag:$0x0] =	sbarrier.arrive $0xFFFF  }
0xe6: {  	_ =	strace $0x9000004A  }
0xe7: {  	s0 =	stileid.u32;
	[bflag:$0x2] =	sbarrier.arrive $0xFFFF  }
0xe8: {  	p0 =	sne.s32 s0, $0x0;
	s0 =	rddreg [dreg:$0x3]  }
0xe9: {  	s0 =	sadd.s32 @!p0 $0x100000, s0  }
0xea: {  	[sflag:s0] =	ssyncadd.tile.s32 @!p0 $0x1;
	_ =	shalt  }
.Lfunc_end2:
_tile_overlayer_lowered:
.L_overlay_start_2:
0xeb: {  	(tag) =	ssettag $0x2  }
0xec: {  	s0 =	rddreg [dreg:$0x0];
	s2 =	stileid.u32  }
0xed: {  	s1 =	rddreg [dreg:$0x1];
	p0 =	sne.s32 s2, $0x0  }
0xee: {  	s3 =	rddreg [dreg:$0x2];
	[bflag:$0x3] =	sbarrier.arrive $0xFFFF;
	s2 =	simm.s32 @!p0 $0x1C03  }
0xef: {  	[timem:s3], [sflag:s2] =	dma.local @!p0 [hbm:s0], s1  }
0xf0: {  	s0 =	simm.s32 @!p0 $0x3  }
0xf1: {  	_ =	swait.ge @!p0 [sflag:s0], s1  }
0xf2: {  	s1 =	ssub.s32 @!p0 $0x0, s1;
	[sflag:s0] =	ssyncset.done @!p0 $0x0  }
0xf3: {  	[sflag:s0] =	ssyncadd.s32 @!p0 s1  }
0xf4: {  	[bflag:$0x3] =	sbarrier.arrive $0xFFFF  }
0xf5: {  	_ =	shalt  }

// kernel: kernel.14.cloned.1.call-start
scs
__scs_entry_jumppad:
0x0: {  	(pc) =	sbr.rel $0x88, $3  }
0x1: {  	(tag) =	ssettag $0x0;
	lr =	simm.s32 $0x1  }
0x2: {  	[smem:$0x3F9B] =	sst lr;
	_ =	strace $0xD0000000  }
0x3: {  	_ = 	snop  }
0x4: {  	_ = 	snop  }
0x5: {  	_ = 	snop  }
0x6: {  	_ = 	snop  }
0x7: {  	_ = 	snop  }
__scs_overlays_trampoline_lowered:
0x8: {  	[smem:$0x3FAA] =	sst s0  }
0x9: {  	[smem:$0x3FAB] =	sst s1  }
0xa: {  	[smem:$0x3FAC] =	sst s2  }
0xb: {  	[smem:$0x3FAD] =	sst s3  }
0xc: {  	[smem:$0x3FAE] =	sst s4  }
0xd: {  	[smem:$0x3FAF] =	sst s5  }
0xe: {  	[smem:$0x3FB0] =	sst s6  }
0xf: {  	[smem:$0x3FB1] =	sst s7  }
0x10: {  	[smem:$0x3FB2] =	sst s8  }
0x11: {  	[smem:$0x3FB3] =	sst s9;
	s0 =	simm.s32 @!p0 $0x0  }
0x12: {  	s1 =	sld [smem:$0x3F99];
	s0 =	simm.s32 @p0 $0x1  }
0x13: {  	[smem:$0x3FB4] =	sst s0;
	s0 =	simm.s32 @!p1 $0x0  }
0x14: {  	s2 =	sld [smem:$0x3F98];
	s0 =	simm.s32 @p1 $0x1  }
0x15: {  	[smem:$0x3FB5] =	sst s0;
	s0 =	simm.s32 @!p2 $0x0  }
0x16: {  	s3 =	sld [smem:$0x3FDB];
	s0 =	simm.s32 @p2 $0x1  }
0x17: {  	s4 =	simm.s32 $0x1BF5;
	[smem:$0x3FB7] =	sst s0  }
0x18: {  	s0 =	sld [smem:$0x3F9A];
	_ =	swait.ge [sflag:s4], $0x0  }
0x19: {  	s7 =	sld [smem:$0x3F9B]  }
0x1a: {  	s8 =	sadd.s32 $0xFFFFE003, lr  }
0x1b: {  	s9 =	sadd.s32 $0xFFFFFEF7, lr;
	s5 =	simm.s32 $0xFFFFFFFF;
	p2 =	slt.u32 s8, $0xFFFFF086  }
0x1c: {  	p1 =	slt.u32 s9, $0xF7A;
	s5 =	simm.s32 @!p2 $0x0  }
0x1d: {  	s5 =	simm.s32 @p1 $0x1;
	p0 =	seq.s32 s7, s2  }
0x1e: {  	s7 =	smul.u32 @!p0 $0xF7A, s2;
	p2 =	seq.s32 @!p0 s5, $0x0  }
0x1f: {  	s9 =	smul.u32 $0xF7A, s1;
	s8 =	simm.s32 @!p0 $0x1BF5;
	p2 =	por !p2, p0  }
0x20: {  	[sflag:s8] =	ssyncset.s32 @!p0 $0xFFFFF086;
	s6 =	sadd.s32 @!p0 s3, s7;
	s7 =	simm.s32 @!p0 $0x108  }
0x21: {  	s3 =	sadd.s32 s3, s9;
	s6 =	sadd.s32 @!p0 $0x88, s6;
	s7 =	simm.s32 @p2 $0x1082  }
0x22: {  	[simem:s7], [sflag:s8] =	dma.local @!p0 [hbm:s6], $0xF7A  }
0x23: {  	s9 =	sor.u32 $0xD0000000, s2;
	s6 =	simm.s32 $0x108;
	_ =	swait.ge @!p0 [sflag:s8], $0x0  }
0x24: {  	s3 =	sadd.s32 $0x88, s3;
	s6 =	simm.s32 @!p1 $0x1082;
	[sflag:s4] =	ssyncset.s32 $0xFFFFF086  }
0x25: {  	[simem:s6], [sflag:s4] =	dma.local [hbm:s3], $0xF7A  }
0x26: {  	[smem:$0x3F9B] =	sst s1;
	(tag) =	ssettag s2;
	_ =	strace s9  }
0x27: {  	s1 =	sld [smem:$0x3FAB]  }
0x28: {  	s2 =	sld [smem:$0x3FAC]  }
0x29: {  	s4 =	sld [smem:$0x3FAE]  }
0x2a: {  	p0 =	seq.s32 s5, $0x0;
	s5 =	sld [smem:$0x3FAF]  }
0x2b: {  	s6 =	sld [smem:$0x3FB0]  }
0x2c: {  	s7 =	sld [smem:$0x3FB1]  }
0x2d: {  	s3 =	simm.s32 $0x108;
	s8 =	sld [smem:$0x3FB2]  }
0x2e: {  	s3 =	simm.s32 @!p0 $0x1082;
	s9 =	sld [smem:$0x3FB3]  }
0x2f: {  	lr =	sadd.s32 s0, s3;
	s0 =	sld [smem:$0x3FAA]  }
0x30: {  	s3 =	sld [smem:$0x3FAD]  }
0x31: {  	[smem:$0x3FB6] =	sst s10  }
0x32: {  	s10 =	sld [smem:$0x3FB4];
	_ =	sdelay $0x3  }
0x33: {  	p0 =	seq.s32 s10, $0x1;
	s10 =	sld [smem:$0x3FB6];
	_ =	sdelay $0x3  }
0x34: {  	[smem:$0x3FB6] =	sst s10  }
0x35: {  	s10 =	sld [smem:$0x3FB5];
	_ =	sdelay $0x3  }
0x36: {  	p1 =	seq.s32 s10, $0x1;
	s10 =	sld [smem:$0x3FB6];
	_ =	sdelay $0x3  }
0x37: {  	[smem:$0x3FB6] =	sst s10  }
0x38: {  	s10 =	sld [smem:$0x3FB7]  }
0x39: {  	_ = 	snop;
	(pc) =	sbr.ind lr, $3  }
0x3a: {  	_ = 	snop  }
0x3b: {  	_ = 	snop  }
0x3c: {  	p2 =	seq.s32 s10, $0x1;
	s10 =	sld [smem:$0x3FB6]  }
0x3d: {  	_ =	shalt  }
0x3e: {  	_ =	shalt  }
0x3f: {  	_ =	shalt  }
0x40: {  	_ =	shalt  }
0x41: {  	_ =	shalt  }
0x42: {  	_ =	shalt  }
0x43: {  	_ =	shalt  }
0x44: {  	_ =	shalt  }
0x45: {  	_ =	shalt  }
0x46: {  	_ =	shalt  }
0x47: {  	_ =	shalt  }
0x48: {  	_ =	shalt  }
0x49: {  	_ =	shalt  }
0x4a: {  	_ =	shalt  }
0x4b: {  	_ =	shalt  }
0x4c: {  	_ =	shalt  }
0x4d: {  	_ =	shalt  }
0x4e: {  	_ =	shalt  }
0x4f: {  	_ =	shalt  }
0x50: {  	_ =	shalt  }
0x51: {  	_ =	shalt  }
0x52: {  	_ =	shalt  }
0x53: {  	_ =	shalt  }
0x54: {  	_ =	shalt  }
0x55: {  	_ =	shalt  }
0x56: {  	_ =	shalt  }
0x57: {  	_ =	shalt  }
0x58: {  	_ =	shalt  }
0x59: {  	_ =	shalt  }
0x5a: {  	_ =	shalt  }
0x5b: {  	_ =	shalt  }
0x5c: {  	_ =	shalt  }
0x5d: {  	_ =	shalt  }
0x5e: {  	_ =	shalt  }
0x5f: {  	_ =	shalt  }
0x60: {  	_ =	shalt  }
0x61: {  	_ =	shalt  }
0x62: {  	_ =	shalt  }
0x63: {  	_ =	shalt  }
0x64: {  	_ =	shalt  }
0x65: {  	_ =	shalt  }
0x66: {  	_ =	shalt  }
0x67: {  	_ =	shalt  }
0x68: {  	_ =	shalt  }
0x69: {  	_ =	shalt  }
0x6a: {  	_ =	shalt  }
0x6b: {  	_ =	shalt  }
0x6c: {  	_ =	shalt  }
0x6d: {  	_ =	shalt  }
0x6e: {  	_ =	shalt  }
0x6f: {  	_ =	shalt  }
0x70: {  	_ =	shalt  }
0x71: {  	_ =	shalt  }
0x72: {  	_ =	shalt  }
0x73: {  	_ =	shalt  }
0x74: {  	_ =	shalt  }
0x75: {  	_ =	shalt  }
0x76: {  	_ =	shalt  }
0x77: {  	_ =	shalt  }
0x78: {  	_ =	shalt  }
0x79: {  	_ =	shalt  }
0x7a: {  	_ =	shalt  }
0x7b: {  	_ =	shalt  }
0x7c: {  	_ =	shalt  }
0x7d: {  	_ =	shalt  }
0x7e: {  	_ =	shalt  }
0x7f: {  	_ =	shalt  }
0x80: {  	_ =	shalt  }
0x81: {  	_ =	shalt  }
0x82: {  	_ =	shalt  }
0x83: {  	_ =	shalt  }
0x84: {  	_ =	shalt  }
0x85: {  	_ =	shalt  }
0x86: {  	_ =	shalt  }
0x87: {  	_ =	shalt  }
.Lfunc_end0:
.L_simem_size_0:
called_computation.2_lowered:
.L_overlay_start_0:
0x88: {  	s2 =	sld [smem:$0x3FD9]  }
0x89: {  	s3 =	sld [smem:$0x3FFE];
	_ =	sdelay $0x1  }
0x8a: {  	s1 =	srdreg.scid  }
0x8b: {  	s0 =	sand.u32 $0x1, s1  }
0x8c: {  	s17 =	sshll.u32 s0, $0xA;
	s2 =	sadd.s32 s3, s2  }
0x8d: {  	s2 =	sadd.s32 s2, s17  }
0x8e: {  	[smem:$0x3FC2] =	sst s2  }
0x8f: {  	_ = 	snop  }
0x90: {  	s2 =	sld [smem:$0x3FD0];
	(tm) =	ssettm $0x1  }
0x91: {  	s18 =	sld [smem:$0x3FFB];
	_ =	sdelay $0x3  }
0x92: {  	_ =	strace s18  }
0x93: {  	s3 =	sld [smem:$0x3FFC];
	_ =	sdelay $0x3  }
0x94: {  	_ =	strace s3  }
0x95: {  	s3 =	sld [smem:$0x3FFD];
	_ =	sdelay $0x3  }
0x96: {  	_ =	strace s3  }
0x97: {  	_ =	strace $0x8FFFFFFF  }
0x98: {  	s19 =	sld [smem:$0x3FDB];
	_ =	sdelay $0x1  }
0x99: {  	s4 =	simm.s32 $_scs_section_size  }
0x9a: {  	s5 =	simm.s32 $_size__tile_overlayer_lowered;
	s6 =	simm.s32 $_tile_overlayer_lowered  }
0x9b: {  	s22 =	simm.s32 $0x1BFF;
	s21 =	sshll.u32 s6, $0x1;
	s3 =	sadd.s32 s4, s19  }
0x9c: {  	s7 =	simm.s32 $0x0;
	s20 =	sshll.u32 s5, $0x1;
	s5 =	sadd.s32 s21, s3  }
0x9d: {  	[timem:s7], [sflag:s22] =	dma.local [hbm:s5], s20  }
0x9e: {  	_ =	swait.ge [sflag:s22], s20  }
0x9f: {  	s4 =	ssub.s32 $0x0, s20;
	[sflag:s22] =	ssyncset.done $0x0  }
0xa0: {  	[sflag:s22] =	ssyncadd.s32 s4;
	_ =	sdelay $0x1  }
0xa1: {  	s23 =	simm.s32 $0x1B8B  }
0xa2: {  	_ =	swait.ge [sflag:s23], $0x1  }
0xa3: {  	[sflag:s23] =	ssyncset.done $0x0  }
0xa4: {  	s25 =	simm.s32 $0x1B8E;
	s24 =	sld [smem:$0x3FFE];
	[sflag:s23] =	ssyncadd.s32 $0xFFFFFFFF  }
0xa5: {  	s26 =	simm.s32 $execute0_lowered;
	[smem:$0x3FD2] =	sst s25  }
0xa6: {  	s5 =	sshll.u32 s26, $0x1;
	_ =	strace $0x8000004C;
	[dreg:$0x1] =	wrdreg $0xFFFFFFFF  }
0xa7: {  	s28 =	simm.s32 $_size_execute0_lowered;
	s3 =	sadd.s32 s3, s5;
	[dreg:$0x0] =	wrdreg $0x0  }
0xa8: {  	s5 =	sshll.u32 s28, $0x1;
	[dreg:$0x2] =	wrdreg s3  }
0xa9: {  	[dreg:$0x3] =	wrdreg s5  }
0xaa: {  	[dreg:$0x4] =	wrdreg $0xC0  }
0xab: {  	_ =	task [dreg:s7], $0x5FFFF  }
0xac: {  	[dreg:$0x1] =	wrdreg $0xFFFFFFFF  }
0xad: {  	[dreg:$0x0] =	wrdreg $0x60  }
0xae: {  	[dreg:$0x2] =	wrdreg s2  }
0xaf: {  	[dreg:$0x3] =	wrdreg s24  }
0xb0: {  	[dreg:$0x4] =	wrdreg $0xB0000  }
0xb1: {  	[dreg:$0x5] =	wrdreg $0x9  }
0xb2: {  	_ =	task.clear_ibuf [dreg:s7], $0x6FFFF;
	_ =	strace $0x9000004C  }
0xb3: {  	s29 =	simm.s32 $0x9;
	_ =	strace $0x8000004E  }
0xb4: {  	_ =	swait.ge [sflag:s29], $0x1  }
0xb5: {  	[sflag:s29] =	ssyncadd.s32 $0xFFFFFFFF  }
0xb6: {  	_ =	strace $0x9000004E  }
0xb7: {  	_ =	sfence  }
0xb8: {  	s30 =	sld [smem:$0x0];
	_ =	sdelay $0x2  }
0xb9: {  	s31 =	sshll.u32 s1, $0xD;
	s1 =	sshrl.u32 s1, $0x2  }
0xba: {  	s3 =	sand.u32 $0x4000, s31;
	s1 =	sadd.s32 s1, s30  }
0xbb: {  	s0 =	sor.u32 s3, s0;
	s1 =	sshll.u32 s1, $0x11  }
0xbc: {  	s0 =	sor.u32 s1, s0  }
0xbd: {  	s0 =	sadd.s32 $0x8F2B, s0  }
0xbe: {  	[sflag:s0] =	ssyncadd.remote.s32 $0x1  }
0xbf: {  	_ =	sfence.sel $0xFFFF  }
0xc0: {  	[dreg:$0x0] =	wrdreg $0xFFFFFFFF;
	(pc) =	sbr.abs _section_cstart, $3  }
0xc1: {  	[dreg:$0x1] =	wrdreg $0xFFFFFFFF  }
0xc2: {  	_ =	task.clear_ibuf [dreg:s7], $0x2FFFF;
	_ =	strace $0x9FFFFFFF  }
0xc3: {  	(tm) =	ssettm $0x7FFFFFFF  }
tec
execute0_lowered:
.L_overlay_start_1:
0x0: {  	(tag) =	ssettag $0x1  }
0x1: {  	s1 =	rddreg [dreg:$0x0]  }
0x2: {  	s5 =	rddreg [dreg:$0x1]  }
0x3: {  	s3 =	srdreg.scid;
	s0 =	stileid.u32  }
0x4: {  	s2 =	rddreg [dreg:$0x2];
	s14 =	simm.s32 $0x3;
	s15 =	simm.s32 $0x3000  }
0x5: {  	s16 =	simm.s32 $0x80;
	s17 =	simm.s32 $0x7000;
	s18 =	simm.s32 $0x2C00  }
0x6: {  	s19 =	simm.s32 $0x1;
	s20 =	simm.s32 $0x2;
	s21 =	simm.s32 $0x2C80  }
0x7: {  	s22 =	simm.s32 $0x2D00;
	s23 =	simm.s32 $0x2D80;
	s24 =	simm.s32 $0x2E00  }
0x8: {  	s28 =	simm.s32 $0x2F80;
	s29 =	simm.s32 $0x0;
	s4 =	smul.u32 $0x2800, s0  }
0x9: {  	s6 =	sand.u32 $0x1, s3;
	s3 =	simm.s32 $0x0;
	s10 =	smul.u32 $0x50000, s0  }
0xa: {  	s7 =	smul.u32 $0x28000, s6;
	[smem:$0x7FF] =	sst s3;
	s25 =	sshll.u32 s6, $0x4  }
0xb: {  	s6 =	ssub.s32 $0x2, s6;
	_ =	strace $0x8000004D;
	s9 =	sor.u32 s0, s25  }
0xc: {  	s30 =	sshrl.u32 s10, $0x2;
	s31 =	sshrl.u32 s6, $0x1;
	s25 =	simm.s32 $0x2E80  }
0xd: {  	s7 =	sadd.s32 s4, s7;
	s4 =	sadd.s32 $0xC400, s5;
	s26 =	smul.u32 $0x2800, s9  }
0xe: {  	s12 =	ssub.s32 s6, s31;
	s8 =	sshrl.u32 s7, $0x3;
	s11 =	sadd.s32 s7, s5  }
0xf: {  	s12 =	smax.u32 s12, $0x1;
	s13 =	sadd.s32 s8, s5;
	s8 =	sshrl.u32 s26, $0x3  }
0x10: {  	s5 =	sadd.s32 s30, s2;
	s11 =	sadd.s32 $0x34400, s11;
	s26 =	simm.s32 $0x2F00  }
0x11: {  	s6 =	sadd.s32 s1, s8;
	s7 =	sadd.s32 $0x4000, s5;
	s8 =	sadd.s32 $0x8000, s5  }
0x12: {  	v0 =	vimm.s32 $0x0;
	v1 =	vimm.f32 $0.0e+00;
	s9 =	sadd.s32 $0xC000, s5;
	s10 =	sadd.s32 $0x10000, s5;
	s13 =	sadd.s32 $0x2400, s13  }
.LBB2_1:
0x13: {  	[tilespmem:s3], [sflag:$0x3] =	stream.linear.gather [hbm4b:s6+s3], $0x2800, $0x38;
	[tilespmem:$0x1F000] =	vst v63  }
0x14: {  	_ =	swait.ge [sflag:s14], $0x2800  }
0x15: {  	[sflag:s14] =	ssyncset.done $0x0  }
0x16: {  	[sflag:s14] =	ssyncadd.s32 $0xFFFFD800  }
0x17: {  	[tilespmem:$0x2800] =	vst v0  }
0x18: {  	[tilespmem:$0x2880] =	vst v0  }
0x19: {  	[tilespmem:$0x2810] =	vst v0  }
0x1a: {  	[tilespmem:$0x2890] =	vst v0  }
0x1b: {  	[tilespmem:$0x2820] =	vst v0  }
0x1c: {  	[tilespmem:$0x28A0] =	vst v0  }
0x1d: {  	[tilespmem:$0x2830] =	vst v0  }
0x1e: {  	[tilespmem:$0x28B0] =	vst v0  }
0x1f: {  	[tilespmem:$0x2840] =	vst v0  }
0x20: {  	[tilespmem:$0x28C0] =	vst v0  }
0x21: {  	[tilespmem:$0x2850] =	vst v0  }
0x22: {  	[tilespmem:$0x28D0] =	vst v0  }
0x23: {  	[tilespmem:$0x2860] =	vst v0  }
0x24: {  	[tilespmem:$0x28E0] =	vst v0  }
0x25: {  	[tilespmem:$0x2870] =	vst v0  }
0x26: {  	s1 =	simm.s32 $0x0;
	s30 =	simm.s32 $0x200;
	[tilespmem:$0x28F0] =	vst v0  }
.LBB2_2:
0x27: {  	p0 =	sne.s32 s30, $0xFE00;
	[tilespmem:s1+$0x3070] =	vst v1  }
0x28: {  	[tilespmem:s1+$0x3000] =	vst v1  }
0x29: {  	[tilespmem:s1+$0x3010] =	vst v1  }
.Ltmp0:
0x2a: {  	[tilespmem:s1+$0x3020] =	vst v1;
	(pc) =	sbr.rel @p0 .LBB2_2-.Ltmp0, $4  }
0x2b: {  	[tilespmem:s1+$0x3030] =	vst v1  }
0x2c: {  	[tilespmem:s1+$0x3040] =	vst v1  }
0x2d: {  	[tilespmem:s1+$0x3050] =	vst v1  }
0x2e: {  	[tilespmem:s1+$0x3060] =	vst v1;
	s1 =	sshra.s32 s30, $0x2;
	s30 =	sadd.s32 $0x200, s30  }
0x2f: {  	[tilespmem:s1+$0x3070] =	vst v1  }
0x30: {  	[tilespmem:s1+$0x3000] =	vst v1  }
0x31: {  	[tilespmem:s1+$0x3010] =	vst v1  }
0x32: {  	[tilespmem:s1+$0x3020] =	vst v1  }
0x33: {  	[tilespmem:s1+$0x3030] =	vst v1  }
0x34: {  	[tilespmem:s1+$0x3040] =	vst v1  }
0x35: {  	[tilespmem:s1+$0x3050] =	vst v1  }
0x36: {  	[tilespmem:s1+$0x3060] =	vst v1  }
0x37: {  	[spmem:s5] =	stream.linear.scatter [tilespmem:s15], [sflag:$0x3], $0x4000, $0x38;
	[tilespmem:$0x1F000] =	vst v63  }
0x38: {  	_ =	swait.ge [sflag:s14], $0x4000  }
0x39: {  	[sflag:s14] =	ssyncset.done $0x0  }
0x3a: {  	[sflag:s14] =	ssyncadd.s32 $0xFFFFC000  }
0x3b: {  	[spmem:s7] =	stream.linear.scatter [tilespmem:s15], [sflag:$0x3], $0x4000, $0x38;
	[tilespmem:$0x1F000] =	vst v63  }
0x3c: {  	_ =	swait.ge [sflag:s14], $0x4000  }
0x3d: {  	[sflag:s14] =	ssyncset.done $0x0  }
0x3e: {  	[sflag:s14] =	ssyncadd.s32 $0xFFFFC000  }
0x3f: {  	[spmem:s8] =	stream.linear.scatter [tilespmem:s15], [sflag:$0x3], $0x4000, $0x38;
	[tilespmem:$0x1F000] =	vst v63  }
0x40: {  	_ =	swait.ge [sflag:s14], $0x4000  }
0x41: {  	[sflag:s14] =	ssyncset.done $0x0  }
0x42: {  	[sflag:s14] =	ssyncadd.s32 $0xFFFFC000  }
0x43: {  	[spmem:s9] =	stream.linear.scatter [tilespmem:s15], [sflag:$0x3], $0x4000, $0x38;
	[tilespmem:$0x1F000] =	vst v63  }
0x44: {  	_ =	swait.ge [sflag:s14], $0x4000  }
0x45: {  	[sflag:s14] =	ssyncset.done $0x0  }
0x46: {  	[sflag:s14] =	ssyncadd.s32 $0xFFFFC000  }
0x47: {  	[spmem:s10] =	stream.linear.scatter [tilespmem:s15], [sflag:$0x3], $0x4000, $0x38;
	[tilespmem:$0x1F000] =	vst v63  }
0x48: {  	_ =	swait.ge [sflag:s14], $0x4000  }
0x49: {  	[sflag:s14] =	ssyncset.done $0x0  }
0x4a: {  	[sflag:s14] =	ssyncadd.s32 $0xFFFFC000  }
0x4b: {  	s0 =	simm.s32 $0x0;
	[bflag:$0x0] =	sbarrier.arrive $0xFFFF  }
0x4c: {  	[tilespmem:s15], [sflag:$0x1] =	stream.indirect.gather [hbm4b:s4+s16], $0x80, s0, s16, $0xb8;
	[tilespmem:$0x1F000] =	vst v63  }
0x4d: {  	_ = 	snop  }
0x4e: {  	[tilespmem:s17], [sflag:$0x2] =	stream.indirect.gather [hbm4b:s4+s16], $0x80, s16, s16, $0xb8;
	[tilespmem:$0x1F000] =	vst v63  }
0x4f: {  	_ = 	snop  }
0x50: {  	[tilespmem:s18], [sflag:$0x3] =	stream.linear.gather [hbm4b:s13+s3], $0x400, $0x38;
	[tilespmem:$0x1F000] =	vst v63  }
0x51: {  	_ =	swait.ge [sflag:s14], $0x400  }
0x52: {  	[sflag:s14] =	ssyncset.done $0x0  }
0x53: {  	[sflag:s14] =	ssyncadd.s32 $0xFFFFFC00  }
0x54: {  	_ =	swait.ge [sflag:s19], $0x4000  }
0x55: {  	[sflag:s19] =	ssyncset.done $0x0  }
0x56: {  	[sflag:s19] =	ssyncadd.s32 $0xFFFFC000  }
0x57: {  	[spmem:s2] =	stream.indirect.scatter.add.f32 [tilespmem:s15], [sflag:$0x3], $0x80, s18, s16, $0xb8;
	[tilespmem:$0x1F000] =	vst v63  }
0x58: {  	_ =	swait.ge [sflag:s14], $0x4000  }
0x59: {  	[sflag:s14] =	ssyncset.done $0x0  }
0x5a: {  	s0 =	simm.s32 $0x100;
	[sflag:s14] =	ssyncadd.s32 $0xFFFFC000  }
0x5b: {  	[tilespmem:s15], [sflag:$0x1] =	stream.indirect.gather [hbm4b:s4+s16], $0x80, s0, s16, $0xb8;
	[tilespmem:$0x1F000] =	vst v63  }
0x5c: {  	_ =	swait.ge [sflag:s20], $0x4000  }
0x5d: {  	[sflag:s20] =	ssyncset.done $0x0  }
0x5e: {  	[sflag:s20] =	ssyncadd.s32 $0xFFFFC000  }
0x5f: {  	[spmem:s2] =	stream.indirect.scatter.add.f32 [tilespmem:s17], [sflag:$0x3], $0x80, s21, s16, $0xb8;
	[tilespmem:$0x1F000] =	vst v63  }
0x60: {  	_ =	swait.ge [sflag:s14], $0x4000  }
0x61: {  	[sflag:s14] =	ssyncset.done $0x0  }
0x62: {  	s0 =	simm.s32 $0x180;
	[sflag:s14] =	ssyncadd.s32 $0xFFFFC000  }
0x63: {  	[tilespmem:s17], [sflag:$0x2] =	stream.indirect.gather [hbm4b:s4+s16], $0x80, s0, s16, $0xb8;
	[tilespmem:$0x1F000] =	vst v63  }
0x64: {  	_ =	swait.ge [sflag:s19], $0x4000  }
0x65: {  	[sflag:s19] =	ssyncset.done $0x0  }
0x66: {  	[sflag:s19] =	ssyncadd.s32 $0xFFFFC000  }
0x67: {  	[spmem:s2] =	stream.indirect.scatter.add.f32 [tilespmem:s15], [sflag:$0x3], $0x80, s22, s16, $0xb8;
	[tilespmem:$0x1F000] =	vst v63  }
0x68: {  	_ =	swait.ge [sflag:s14], $0x4000  }
0x69: {  	[sflag:s14] =	ssyncset.done $0x0  }
0x6a: {  	s0 =	simm.s32 $0x200;
	[sflag:s14] =	ssyncadd.s32 $0xFFFFC000  }
0x6b: {  	[tilespmem:s15], [sflag:$0x1] =	stream.indirect.gather [hbm4b:s4+s16], $0x80, s0, s16, $0xb8;
	[tilespmem:$0x1F000] =	vst v63  }
0x6c: {  	_ =	swait.ge [sflag:s20], $0x4000  }
0x6d: {  	[sflag:s20] =	ssyncset.done $0x0  }
0x6e: {  	[sflag:s20] =	ssyncadd.s32 $0xFFFFC000  }
0x6f: {  	[spmem:s2] =	stream.indirect.scatter.add.f32 [tilespmem:s17], [sflag:$0x3], $0x80, s23, s16, $0xb8;
	[tilespmem:$0x1F000] =	vst v63  }
0x70: {  	_ =	swait.ge [sflag:s14], $0x4000  }
0x71: {  	[sflag:s14] =	ssyncset.done $0x0  }
0x72: {  	s0 =	simm.s32 $0x280;
	[sflag:s14] =	ssyncadd.s32 $0xFFFFC000  }
0x73: {  	[tilespmem:s17], [sflag:$0x2] =	stream.indirect.gather [hbm4b:s4+s16], $0x80, s0, s16, $0xb8;
	[tilespmem:$0x1F000] =	vst v63  }
0x74: {  	_ =	swait.ge [sflag:s19], $0x4000  }
0x75: {  	[sflag:s19] =	ssyncset.done $0x0  }
0x76: {  	[sflag:s19] =	ssyncadd.s32 $0xFFFFC000  }
0x77: {  	[spmem:s2] =	stream.indirect.scatter.add.f32 [tilespmem:s15], [sflag:$0x3], $0x80, s24, s16, $0xb8;
	[tilespmem:$0x1F000] =	vst v63  }
0x78: {  	_ =	swait.ge [sflag:s14], $0x4000  }
0x79: {  	[sflag:s14] =	ssyncset.done $0x0  }
0x7a: {  	s0 =	simm.s32 $0x300;
	[sflag:s14] =	ssyncadd.s32 $0xFFFFC000  }
0x7b: {  	[tilespmem:s15], [sflag:$0x1] =	stream.indirect.gather [hbm4b:s4+s16], $0x80, s0, s16, $0xb8;
	[tilespmem:$0x1F000] =	vst v63  }
0x7c: {  	_ =	swait.ge [sflag:s20], $0x4000  }
0x7d: {  	[sflag:s20] =	ssyncset.done $0x0  }
0x7e: {  	[sflag:s20] =	ssyncadd.s32 $0xFFFFC000  }
0x7f: {  	[spmem:s2] =	stream.indirect.scatter.add.f32 [tilespmem:s17], [sflag:$0x3], $0x80, s25, s16, $0xb8;
	[tilespmem:$0x1F000] =	vst v63  }
0x80: {  	_ =	swait.ge [sflag:s14], $0x4000  }
0x81: {  	[sflag:s14] =	ssyncset.done $0x0  }
0x82: {  	s0 =	simm.s32 $0x380;
	[sflag:s14] =	ssyncadd.s32 $0xFFFFC000  }
0x83: {  	[tilespmem:s17], [sflag:$0x2] =	stream.indirect.gather [hbm4b:s4+s16], $0x80, s0, s16, $0xb8;
	[tilespmem:$0x1F000] =	vst v63  }
0x84: {  	_ =	swait.ge [sflag:s19], $0x4000  }
0x85: {  	[sflag:s19] =	ssyncset.done $0x0  }
0x86: {  	[sflag:s19] =	ssyncadd.s32 $0xFFFFC000  }
0x87: {  	[spmem:s2] =	stream.indirect.scatter.add.f32 [tilespmem:s15], [sflag:$0x3], $0x80, s26, s16, $0xb8;
	[tilespmem:$0x1F000] =	vst v63  }
0x88: {  	_ =	swait.ge [sflag:s14], $0x4000  }
0x89: {  	[sflag:s14] =	ssyncset.done $0x0  }
0x8a: {  	s0 =	simm.s32 $0x400;
	[sflag:s14] =	ssyncadd.s32 $0xFFFFC000  }
0x8b: {  	[tilespmem:s15], [sflag:$0x1] =	stream.indirect.gather [hbm4b:s4+s16], $0x80, s0, s16, $0xb8;
	[tilespmem:$0x1F000] =	vst v63  }
0x8c: {  	_ =	swait.ge [sflag:s20], $0x4000  }
0x8d: {  	[sflag:s20] =	ssyncset.done $0x0  }
0x8e: {  	[sflag:s20] =	ssyncadd.s32 $0xFFFFC000  }
0x8f: {  	[spmem:s2] =	stream.indirect.scatter.add.f32 [tilespmem:s17], [sflag:$0x3], $0x80, s28, s16, $0xb8;
	[tilespmem:$0x1F000] =	vst v63  }
0x90: {  	_ =	swait.ge [sflag:s14], $0x4000  }
0x91: {  	s30 =	simm.s32 $0x1000;
	[sflag:s14] =	ssyncset.done $0x0  }
0x92: {  	s1 =	simm.s32 $0x480;
	s31 =	sadd.s32 $0x80, s13;
	[sflag:s14] =	ssyncadd.s32 $0xFFFFC000  }
.LBB2_4:
0x93: {  	[tilespmem:s17], [sflag:$0x2] =	stream.indirect.gather [hbm4b:s4+s16], $0x80, s1, s16, $0xb8;
	[tilespmem:$0x1F000] =	vst v63  }
0x94: {  	p0 =	sne.s32 s30, $0x9000;
	s1 =	smov.u32 s30;
	s30 =	sadd.s32 $0x1000, s30  }
0x95: {  	[tilespmem:s18], [sflag:$0x3] =	stream.linear.gather [hbm4b:s31+s3], $0x400, $0x38;
	[tilespmem:$0x1F000] =	vst v63  }
0x96: {  	_ =	swait.ge [sflag:s14], $0x400  }
0x97: {  	[sflag:s14] =	ssyncset.done $0x0  }
0x98: {  	[sflag:s14] =	ssyncadd.s32 $0xFFFFFC00  }
0x99: {  	_ =	swait.ge [sflag:s19], $0x4000  }
0x9a: {  	[sflag:s19] =	ssyncset.done $0x0  }
0x9b: {  	[sflag:s19] =	ssyncadd.s32 $0xFFFFC000  }
0x9c: {  	[spmem:s2] =	stream.indirect.scatter.add.f32 [tilespmem:s15], [sflag:$0x3], $0x80, s18, s16, $0xb8;
	[tilespmem:$0x1F000] =	vst v63  }
0x9d: {  	_ =	swait.ge [sflag:s14], $0x4000  }
0x9e: {  	s1 =	sshra.s32 s1, $0x2;
	[sflag:s14] =	ssyncset.done $0x0  }
0x9f: {  	s0 =	sadd.s32 $0x100, s1;
	[sflag:s14] =	ssyncadd.s32 $0xFFFFC000  }
0xa0: {  	[tilespmem:s15], [sflag:$0x1] =	stream.indirect.gather [hbm4b:s4+s16], $0x80, s0, s16, $0xb8;
	[tilespmem:$0x1F000] =	vst v63  }
0xa1: {  	_ =	swait.ge [sflag:s20], $0x4000  }
0xa2: {  	[sflag:s20] =	ssyncset.done $0x0  }
0xa3: {  	[sflag:s20] =	ssyncadd.s32 $0xFFFFC000  }
0xa4: {  	[spmem:s2] =	stream.indirect.scatter.add.f32 [tilespmem:s17], [sflag:$0x3], $0x80, s21, s16, $0xb8;
	[tilespmem:$0x1F000] =	vst v63  }
0xa5: {  	_ =	swait.ge [sflag:s14], $0x4000  }
0xa6: {  	[sflag:s14] =	ssyncset.done $0x0  }
0xa7: {  	s0 =	sadd.s32 $0x180, s1;
	[sflag:s14] =	ssyncadd.s32 $0xFFFFC000  }
0xa8: {  	[tilespmem:s17], [sflag:$0x2] =	stream.indirect.gather [hbm4b:s4+s16], $0x80, s0, s16, $0xb8;
	[tilespmem:$0x1F000] =	vst v63  }
0xa9: {  	_ =	swait.ge [sflag:s19], $0x4000  }
0xaa: {  	[sflag:s19] =	ssyncset.done $0x0  }
0xab: {  	[sflag:s19] =	ssyncadd.s32 $0xFFFFC000  }
0xac: {  	[spmem:s2] =	stream.indirect.scatter.add.f32 [tilespmem:s15], [sflag:$0x3], $0x80, s22, s16, $0xb8;
	[tilespmem:$0x1F000] =	vst v63  }
0xad: {  	_ =	swait.ge [sflag:s14], $0x4000  }
0xae: {  	[sflag:s14] =	ssyncset.done $0x0  }
0xaf: {  	s0 =	sadd.s32 $0x200, s1;
	[sflag:s14] =	ssyncadd.s32 $0xFFFFC000  }
0xb0: {  	[tilespmem:s15], [sflag:$0x1] =	stream.indirect.gather [hbm4b:s4+s16], $0x80, s0, s16, $0xb8;
	[tilespmem:$0x1F000] =	vst v63  }
0xb1: {  	_ =	swait.ge [sflag:s20], $0x4000  }
0xb2: {  	[sflag:s20] =	ssyncset.done $0x0  }
0xb3: {  	[sflag:s20] =	ssyncadd.s32 $0xFFFFC000  }
0xb4: {  	[spmem:s2] =	stream.indirect.scatter.add.f32 [tilespmem:s17], [sflag:$0x3], $0x80, s23, s16, $0xb8;
	[tilespmem:$0x1F000] =	vst v63  }
0xb5: {  	_ =	swait.ge [sflag:s14], $0x4000  }
0xb6: {  	[sflag:s14] =	ssyncset.done $0x0  }
0xb7: {  	s0 =	sadd.s32 $0x280, s1;
	[sflag:s14] =	ssyncadd.s32 $0xFFFFC000  }
0xb8: {  	[tilespmem:s17], [sflag:$0x2] =	stream.indirect.gather [hbm4b:s4+s16], $0x80, s0, s16, $0xb8;
	[tilespmem:$0x1F000] =	vst v63  }
0xb9: {  	_ =	swait.ge [sflag:s19], $0x4000  }
0xba: {  	[sflag:s19] =	ssyncset.done $0x0  }
0xbb: {  	[sflag:s19] =	ssyncadd.s32 $0xFFFFC000  }
0xbc: {  	[spmem:s2] =	stream.indirect.scatter.add.f32 [tilespmem:s15], [sflag:$0x3], $0x80, s24, s16, $0xb8;
	[tilespmem:$0x1F000] =	vst v63  }
0xbd: {  	_ =	swait.ge [sflag:s14], $0x4000  }
0xbe: {  	[sflag:s14] =	ssyncset.done $0x0  }
0xbf: {  	s0 =	sadd.s32 $0x300, s1;
	[sflag:s14] =	ssyncadd.s32 $0xFFFFC000  }
0xc0: {  	[tilespmem:s15], [sflag:$0x1] =	stream.indirect.gather [hbm4b:s4+s16], $0x80, s0, s16, $0xb8;
	[tilespmem:$0x1F000] =	vst v63  }
0xc1: {  	_ =	swait.ge [sflag:s20], $0x4000  }
0xc2: {  	[sflag:s20] =	ssyncset.done $0x0  }
0xc3: {  	[sflag:s20] =	ssyncadd.s32 $0xFFFFC000  }
0xc4: {  	[spmem:s2] =	stream.indirect.scatter.add.f32 [tilespmem:s17], [sflag:$0x3], $0x80, s25, s16, $0xb8;
	[tilespmem:$0x1F000] =	vst v63  }
0xc5: {  	_ =	swait.ge [sflag:s14], $0x4000  }
0xc6: {  	[sflag:s14] =	ssyncset.done $0x0  }
0xc7: {  	s0 =	sadd.s32 $0x380, s1;
	[sflag:s14] =	ssyncadd.s32 $0xFFFFC000  }
0xc8: {  	[tilespmem:s17], [sflag:$0x2] =	stream.indirect.gather [hbm4b:s4+s16], $0x80, s0, s16, $0xb8;
	[tilespmem:$0x1F000] =	vst v63  }
0xc9: {  	_ =	swait.ge [sflag:s19], $0x4000  }
0xca: {  	[sflag:s19] =	ssyncset.done $0x0  }
0xcb: {  	[sflag:s19] =	ssyncadd.s32 $0xFFFFC000  }
0xcc: {  	[spmem:s2] =	stream.indirect.scatter.add.f32 [tilespmem:s15], [sflag:$0x3], $0x80, s26, s16, $0xb8;
	[tilespmem:$0x1F000] =	vst v63  }
0xcd: {  	_ =	swait.ge [sflag:s14], $0x4000  }
0xce: {  	[sflag:s14] =	ssyncset.done $0x0  }
0xcf: {  	s0 =	sadd.s32 $0x400, s1;
	[sflag:s14] =	ssyncadd.s32 $0xFFFFC000  }
0xd0: {  	[tilespmem:s15], [sflag:$0x1] =	stream.indirect.gather [hbm4b:s4+s16], $0x80, s0, s16, $0xb8;
	[tilespmem:$0x1F000] =	vst v63  }
0xd1: {  	_ =	swait.ge [sflag:s20], $0x4000  }
0xd2: {  	[sflag:s20] =	ssyncset.done $0x0  }
.Ltmp1:
0xd3: {  	[sflag:s20] =	ssyncadd.s32 $0xFFFFC000;
	(pc) =	sbr.rel @p0 .LBB2_4-.Ltmp1, $4  }
0xd4: {  	[spmem:s2] =	stream.indirect.scatter.add.f32 [tilespmem:s17], [sflag:$0x3], $0x80, s28, s16, $0xb8;
	[tilespmem:$0x1F000] =	vst v63  }
0xd5: {  	_ =	swait.ge [sflag:s14], $0x4000  }
0xd6: {  	[sflag:s14] =	ssyncset.done $0x0  }
0xd7: {  	s31 =	sadd.s32 $0x80, s31;
	s1 =	sadd.s32 $0x480, s1;
	[sflag:s14] =	ssyncadd.s32 $0xFFFFC000  }
0xd8: {  	[tilespmem:s17], [sflag:$0x2] =	stream.indirect.gather [hbm4b:s4+s16], $0x80, s1, s16, $0xb8;
	[tilespmem:$0x1F000] =	vst v63  }
0xd9: {  	_ =	swait.ge [sflag:s19], $0x4000  }
0xda: {  	[sflag:s19] =	ssyncset.done $0x0  }
0xdb: {  	[sflag:s19] =	ssyncadd.s32 $0xFFFFC000  }
0xdc: {  	s0 =	stileid.u32;
	_ =	swait.ge [sflag:s20], $0x4000  }
0xdd: {  	s31 =	sshrl.u32 s5, $0x3;
	s29 =	sadd.s32 $0x1, s29;
	[sflag:s20] =	ssyncset.done $0x0  }
0xde: {  	s0 =	sshll.u32 s0, $0x6;
	p0 =	sne.s32 s29, s12;
	[sflag:s20] =	ssyncadd.s32 $0xFFFFC000  }
.Ltmp2:
0xdf: {  	s0 =	sor.u32 $0x1C03, s0;
	[bflag:$0x0] =	sbarrier.arrive $0xFFFF;
	(pc) =	sbr.rel @p0 .LBB2_1-.Ltmp2, $4  }
0xe0: {  	[hbm:s11], [sflag:s0] =	dma.local [spmem:s31], $0x2800  }
0xe1: {  	_ =	swait.ge [sflag:s14], $0x2800  }
0xe2: {  	[sflag:s14] =	ssyncset.done $0x0  }
0xe3: {  	[sflag:s14] =	ssyncadd.s32 $0xFFFFD800  }
0xe4: {  	_ =	sfence.sel $0x180000  }
0xe5: {  	[bflag:$0x0] =	sbarrier.arrive $0xFFFF  }
0xe6: {  	_ =	strace $0x9000004D  }
0xe7: {  	s0 =	stileid.u32;
	[bflag:$0x2] =	sbarrier.arrive $0xFFFF  }
0xe8: {  	p0 =	sne.s32 s0, $0x0;
	s0 =	rddreg [dreg:$0x3]  }
0xe9: {  	s0 =	sadd.s32 @!p0 $0x100000, s0  }
0xea: {  	[sflag:s0] =	ssyncadd.tile.s32 @!p0 $0x1;
	_ =	shalt  }
.Lfunc_end2:
_tile_overlayer_lowered:
.L_overlay_start_2:
0xeb: {  	(tag) =	ssettag $0x2  }
0xec: {  	s0 =	rddreg [dreg:$0x0];
	s2 =	stileid.u32  }
0xed: {  	s1 =	rddreg [dreg:$0x1];
	p0 =	sne.s32 s2, $0x0  }
0xee: {  	s3 =	rddreg [dreg:$0x2];
	[bflag:$0x3] =	sbarrier.arrive $0xFFFF;
	s2 =	simm.s32 @!p0 $0x1C03  }
0xef: {  	[timem:s3], [sflag:s2] =	dma.local @!p0 [hbm:s0], s1  }
0xf0: {  	s0 =	simm.s32 @!p0 $0x3  }
0xf1: {  	_ =	swait.ge @!p0 [sflag:s0], s1  }
0xf2: {  	s1 =	ssub.s32 @!p0 $0x0, s1;
	[sflag:s0] =	ssyncset.done @!p0 $0x0  }
0xf3: {  	[sflag:s0] =	ssyncadd.s32 @!p0 s1  }
0xf4: {  	[bflag:$0x3] =	sbarrier.arrive $0xFFFF  }
0xf5: {  	_ =	shalt  }

// kernel: kernel.8.cloned.1.call-start
scs
__scs_entry_jumppad:
0x0: {  	(pc) =	sbr.rel $0x88, $3  }
0x1: {  	(tag) =	ssettag $0x0;
	lr =	simm.s32 $0x1  }
0x2: {  	[smem:$0x3F9B] =	sst lr;
	_ =	strace $0xD0000000  }
0x3: {  	_ = 	snop  }
0x4: {  	_ = 	snop  }
0x5: {  	_ = 	snop  }
0x6: {  	_ = 	snop  }
0x7: {  	_ = 	snop  }
__scs_overlays_trampoline_lowered:
0x8: {  	[smem:$0x3FAA] =	sst s0  }
0x9: {  	[smem:$0x3FAB] =	sst s1  }
0xa: {  	[smem:$0x3FAC] =	sst s2  }
0xb: {  	[smem:$0x3FAD] =	sst s3  }
0xc: {  	[smem:$0x3FAE] =	sst s4  }
0xd: {  	[smem:$0x3FAF] =	sst s5  }
0xe: {  	[smem:$0x3FB0] =	sst s6  }
0xf: {  	[smem:$0x3FB1] =	sst s7  }
0x10: {  	[smem:$0x3FB2] =	sst s8  }
0x11: {  	[smem:$0x3FB3] =	sst s9;
	s0 =	simm.s32 @!p0 $0x0  }
0x12: {  	s1 =	sld [smem:$0x3F99];
	s0 =	simm.s32 @p0 $0x1  }
0x13: {  	[smem:$0x3FB4] =	sst s0;
	s0 =	simm.s32 @!p1 $0x0  }
0x14: {  	s2 =	sld [smem:$0x3F98];
	s0 =	simm.s32 @p1 $0x1  }
0x15: {  	[smem:$0x3FB5] =	sst s0;
	s0 =	simm.s32 @!p2 $0x0  }
0x16: {  	s3 =	sld [smem:$0x3FDB];
	s0 =	simm.s32 @p2 $0x1  }
0x17: {  	s4 =	simm.s32 $0x1BF5;
	[smem:$0x3FB7] =	sst s0  }
0x18: {  	s0 =	sld [smem:$0x3F9A];
	_ =	swait.ge [sflag:s4], $0x0  }
0x19: {  	s7 =	sld [smem:$0x3F9B]  }
0x1a: {  	s8 =	sadd.s32 $0xFFFFE003, lr  }
0x1b: {  	s9 =	sadd.s32 $0xFFFFFEF7, lr;
	s5 =	simm.s32 $0xFFFFFFFF;
	p2 =	slt.u32 s8, $0xFFFFF086  }
0x1c: {  	p1 =	slt.u32 s9, $0xF7A;
	s5 =	simm.s32 @!p2 $0x0  }
0x1d: {  	s5 =	simm.s32 @p1 $0x1;
	p0 =	seq.s32 s7, s2  }
0x1e: {  	s7 =	smul.u32 @!p0 $0xF7A, s2;
	p2 =	seq.s32 @!p0 s5, $0x0  }
0x1f: {  	s9 =	smul.u32 $0xF7A, s1;
	s8 =	simm.s32 @!p0 $0x1BF5;
	p2 =	por !p2, p0  }
0x20: {  	[sflag:s8] =	ssyncset.s32 @!p0 $0xFFFFF086;
	s6 =	sadd.s32 @!p0 s3, s7;
	s7 =	simm.s32 @!p0 $0x108  }
0x21: {  	s3 =	sadd.s32 s3, s9;
	s6 =	sadd.s32 @!p0 $0x88, s6;
	s7 =	simm.s32 @p2 $0x1082  }
0x22: {  	[simem:s7], [sflag:s8] =	dma.local @!p0 [hbm:s6], $0xF7A  }
0x23: {  	s9 =	sor.u32 $0xD0000000, s2;
	s6 =	simm.s32 $0x108;
	_ =	swait.ge @!p0 [sflag:s8], $0x0  }
0x24: {  	s3 =	sadd.s32 $0x88, s3;
	s6 =	simm.s32 @!p1 $0x1082;
	[sflag:s4] =	ssyncset.s32 $0xFFFFF086  }
0x25: {  	[simem:s6], [sflag:s4] =	dma.local [hbm:s3], $0xF7A  }
0x26: {  	[smem:$0x3F9B] =	sst s1;
	(tag) =	ssettag s2;
	_ =	strace s9  }
0x27: {  	s1 =	sld [smem:$0x3FAB]  }
0x28: {  	s2 =	sld [smem:$0x3FAC]  }
0x29: {  	s4 =	sld [smem:$0x3FAE]  }
0x2a: {  	p0 =	seq.s32 s5, $0x0;
	s5 =	sld [smem:$0x3FAF]  }
0x2b: {  	s6 =	sld [smem:$0x3FB0]  }
0x2c: {  	s7 =	sld [smem:$0x3FB1]  }
0x2d: {  	s3 =	simm.s32 $0x108;
	s8 =	sld [smem:$0x3FB2]  }
0x2e: {  	s3 =	simm.s32 @!p0 $0x1082;
	s9 =	sld [smem:$0x3FB3]  }
0x2f: {  	lr =	sadd.s32 s0, s3;
	s0 =	sld [smem:$0x3FAA]  }
0x30: {  	s3 =	sld [smem:$0x3FAD]  }
0x31: {  	[smem:$0x3FB6] =	sst s10  }
0x32: {  	s10 =	sld [smem:$0x3FB4];
	_ =	sdelay $0x3  }
0x33: {  	p0 =	seq.s32 s10, $0x1;
	s10 =	sld [smem:$0x3FB6];
	_ =	sdelay $0x3  }
0x34: {  	[smem:$0x3FB6] =	sst s10  }
0x35: {  	s10 =	sld [smem:$0x3FB5];
	_ =	sdelay $0x3  }
0x36: {  	p1 =	seq.s32 s10, $0x1;
	s10 =	sld [smem:$0x3FB6];
	_ =	sdelay $0x3  }
0x37: {  	[smem:$0x3FB6] =	sst s10  }
0x38: {  	s10 =	sld [smem:$0x3FB7]  }
0x39: {  	_ = 	snop;
	(pc) =	sbr.ind lr, $3  }
0x3a: {  	_ = 	snop  }
0x3b: {  	_ = 	snop  }
0x3c: {  	p2 =	seq.s32 s10, $0x1;
	s10 =	sld [smem:$0x3FB6]  }
0x3d: {  	_ =	shalt  }
0x3e: {  	_ =	shalt  }
0x3f: {  	_ =	shalt  }
0x40: {  	_ =	shalt  }
0x41: {  	_ =	shalt  }
0x42: {  	_ =	shalt  }
0x43: {  	_ =	shalt  }
0x44: {  	_ =	shalt  }
0x45: {  	_ =	shalt  }
0x46: {  	_ =	shalt  }
0x47: {  	_ =	shalt  }
0x48: {  	_ =	shalt  }
0x49: {  	_ =	shalt  }
0x4a: {  	_ =	shalt  }
0x4b: {  	_ =	shalt  }
0x4c: {  	_ =	shalt  }
0x4d: {  	_ =	shalt  }
0x4e: {  	_ =	shalt  }
0x4f: {  	_ =	shalt  }
0x50: {  	_ =	shalt  }
0x51: {  	_ =	shalt  }
0x52: {  	_ =	shalt  }
0x53: {  	_ =	shalt  }
0x54: {  	_ =	shalt  }
0x55: {  	_ =	shalt  }
0x56: {  	_ =	shalt  }
0x57: {  	_ =	shalt  }
0x58: {  	_ =	shalt  }
0x59: {  	_ =	shalt  }
0x5a: {  	_ =	shalt  }
0x5b: {  	_ =	shalt  }
0x5c: {  	_ =	shalt  }
0x5d: {  	_ =	shalt  }
0x5e: {  	_ =	shalt  }
0x5f: {  	_ =	shalt  }
0x60: {  	_ =	shalt  }
0x61: {  	_ =	shalt  }
0x62: {  	_ =	shalt  }
0x63: {  	_ =	shalt  }
0x64: {  	_ =	shalt  }
0x65: {  	_ =	shalt  }
0x66: {  	_ =	shalt  }
0x67: {  	_ =	shalt  }
0x68: {  	_ =	shalt  }
0x69: {  	_ =	shalt  }
0x6a: {  	_ =	shalt  }
0x6b: {  	_ =	shalt  }
0x6c: {  	_ =	shalt  }
0x6d: {  	_ =	shalt  }
0x6e: {  	_ =	shalt  }
0x6f: {  	_ =	shalt  }
0x70: {  	_ =	shalt  }
0x71: {  	_ =	shalt  }
0x72: {  	_ =	shalt  }
0x73: {  	_ =	shalt  }
0x74: {  	_ =	shalt  }
0x75: {  	_ =	shalt  }
0x76: {  	_ =	shalt  }
0x77: {  	_ =	shalt  }
0x78: {  	_ =	shalt  }
0x79: {  	_ =	shalt  }
0x7a: {  	_ =	shalt  }
0x7b: {  	_ =	shalt  }
0x7c: {  	_ =	shalt  }
0x7d: {  	_ =	shalt  }
0x7e: {  	_ =	shalt  }
0x7f: {  	_ =	shalt  }
0x80: {  	_ =	shalt  }
0x81: {  	_ =	shalt  }
0x82: {  	_ =	shalt  }
0x83: {  	_ =	shalt  }
0x84: {  	_ =	shalt  }
0x85: {  	_ =	shalt  }
0x86: {  	_ =	shalt  }
0x87: {  	_ =	shalt  }
.Lfunc_end0:
.L_simem_size_0:
called_computation_lowered:
.L_overlay_start_0:
0x88: {  	s2 =	sld [smem:$0x3FD9]  }
0x89: {  	s3 =	sld [smem:$0x3FFE];
	_ =	sdelay $0x1  }
0x8a: {  	s1 =	srdreg.scid  }
0x8b: {  	s0 =	sand.u32 $0x1, s1  }
0x8c: {  	s16 =	sshll.u32 s0, $0xA;
	s2 =	sadd.s32 s3, s2  }
0x8d: {  	s2 =	sadd.s32 s2, s16  }
0x8e: {  	[smem:$0x3FC2] =	sst s2  }
0x8f: {  	_ = 	snop  }
0x90: {  	(tm) =	ssettm $0x1  }
0x91: {  	s17 =	sld [smem:$0x3FFB];
	_ =	sdelay $0x3  }
0x92: {  	_ =	strace s17  }
0x93: {  	s2 =	sld [smem:$0x3FFC];
	_ =	sdelay $0x3  }
0x94: {  	_ =	strace s2  }
0x95: {  	s2 =	sld [smem:$0x3FFD];
	_ =	sdelay $0x3  }
0x96: {  	_ =	strace s2  }
0x97: {  	_ =	strace $0x8FFFFFFF  }
0x98: {  	s18 =	sld [smem:$0x3FDB];
	_ =	sdelay $0x1  }
0x99: {  	s19 =	simm.s32 $_scs_section_size  }
0x9a: {  	s4 =	simm.s32 $_size__tile_overlayer_lowered;
	s5 =	simm.s32 $_tile_overlayer_lowered  }
0x9b: {  	s22 =	simm.s32 $0x1BFF;
	s21 =	sshll.u32 s5, $0x1;
	s2 =	sadd.s32 s19, s18  }
0x9c: {  	s6 =	simm.s32 $0x0;
	s20 =	sshll.u32 s4, $0x1;
	s4 =	sadd.s32 s21, s2  }
0x9d: {  	[timem:s6], [sflag:s22] =	dma.local [hbm:s4], s20  }
0x9e: {  	_ =	swait.ge [sflag:s22], s20  }
0x9f: {  	s3 =	ssub.s32 $0x0, s20;
	[sflag:s22] =	ssyncset.done $0x0  }
0xa0: {  	[sflag:s22] =	ssyncadd.s32 s3;
	_ =	sdelay $0x1  }
0xa1: {  	s23 =	simm.s32 $0x1B8B  }
0xa2: {  	_ =	swait.ge [sflag:s23], $0x1  }
0xa3: {  	[sflag:s23] =	ssyncset.done $0x0  }
0xa4: {  	s25 =	simm.s32 $0x1B8E;
	s24 =	sld [smem:$0x3FFE];
	[sflag:s23] =	ssyncadd.s32 $0xFFFFFFFF  }
0xa5: {  	s26 =	simm.s32 $execute0_lowered;
	[smem:$0x3FD2] =	sst s25  }
0xa6: {  	s4 =	sshll.u32 s26, $0x1;
	_ =	strace $0x80000046;
	[dreg:$0x1] =	wrdreg $0xFFFFFFFF  }
0xa7: {  	s28 =	simm.s32 $_size_execute0_lowered;
	s2 =	sadd.s32 s2, s4;
	[dreg:$0x0] =	wrdreg $0x0  }
0xa8: {  	s4 =	sshll.u32 s28, $0x1;
	[dreg:$0x2] =	wrdreg s2  }
0xa9: {  	[dreg:$0x3] =	wrdreg s4  }
0xaa: {  	[dreg:$0x4] =	wrdreg $0xC0  }
0xab: {  	_ =	task [dreg:s6], $0x5FFFF  }
0xac: {  	[dreg:$0x1] =	wrdreg $0xFFFFFFFF  }
0xad: {  	[dreg:$0x0] =	wrdreg $0x60  }
0xae: {  	[dreg:$0x2] =	wrdreg s24  }
0xaf: {  	[dreg:$0x3] =	wrdreg $0x9  }
0xb0: {  	_ =	task.clear_ibuf [dreg:s6], $0x4FFFF;
	_ =	strace $0x90000046  }
0xb1: {  	s29 =	simm.s32 $0x9;
	_ =	strace $0x80000048  }
0xb2: {  	_ =	swait.ge [sflag:s29], $0x1  }
0xb3: {  	[sflag:s29] =	ssyncadd.s32 $0xFFFFFFFF  }
0xb4: {  	_ =	strace $0x90000048  }
0xb5: {  	_ =	sfence  }
0xb6: {  	s30 =	sld [smem:$0x0];
	_ =	sdelay $0x2  }
0xb7: {  	s31 =	sshll.u32 s1, $0xD;
	s1 =	sshrl.u32 s1, $0x2  }
0xb8: {  	s3 =	sand.u32 $0x4000, s31;
	s1 =	sadd.s32 s1, s30  }
0xb9: {  	s0 =	sor.u32 s3, s0;
	s1 =	sshll.u32 s1, $0x11  }
0xba: {  	s0 =	sor.u32 s1, s0  }
0xbb: {  	s0 =	sadd.s32 $0x8F2B, s0  }
0xbc: {  	[sflag:s0] =	ssyncadd.remote.s32 $0x1  }
0xbd: {  	_ =	sfence.sel $0xFFFF  }
0xbe: {  	[dreg:$0x0] =	wrdreg $0xFFFFFFFF;
	(pc) =	sbr.abs _section_cstart, $3  }
0xbf: {  	[dreg:$0x1] =	wrdreg $0xFFFFFFFF  }
0xc0: {  	_ =	task.clear_ibuf [dreg:s6], $0x2FFFF;
	_ =	strace $0x9FFFFFFF  }
0xc1: {  	(tm) =	ssettm $0x7FFFFFFF  }
tec
execute0_lowered:
.L_overlay_start_1:
0x0: {  	(tag) =	ssettag $0x1  }
0x1: {  	s0 =	srdreg.scid  }
0x2: {  	s4 =	rddreg [dreg:$0x0];
	s3 =	sand.u32 $0x1, s0  }
0x3: {  	s1 =	stileid.u32;
	s7 =	simm.s32 $0x2800;
	s2 =	sshll.u32 s3, $0x4  }
0x4: {  	s0 =	rddreg [dreg:$0x1];
	s3 =	ssub.s32 $0x2, s3;
	s5 =	sor.u32 s1, s2  }
0x5: {  	s2 =	simm.s32 $0x0;
	s6 =	sshrl.u32 s3, $0x1;
	s5 =	smul.u32 $0x500, s5  }
0x6: {  	s8 =	simm.s32 $0x0;
	[smem:$0x7FF] =	sst s2;
	s31 =	ssub.s32 s3, s6  }
0x7: {  	s6 =	simm.s32 $0x1;
	_ =	strace $0x80000047;
	s4 =	sadd.s32 s5, s4  }
0x8: {  	v0 =	vimm.f32 $0.0e+00;
	v1 =	vimm.f32 $1.000000000e+00;
	s5 =	smax.u32 s31, $0x1;
	s3 =	sadd.s32 $0x2400, s4;
	s4 =	sadd.s32 $0xC400, s4  }
.LBB2_1:
0x9: {  	[tilespmem:s2], [sflag:$0x1] =	stream.linear.gather [hbm4b:s3+s2], $0x2800, $0x38;
	[tilespmem:$0x5000] =	vst v63  }
0xa: {  	_ =	swait.ge [sflag:s6], $0x2800  }
0xb: {  	[sflag:s6] =	ssyncset.done $0x0  }
0xc: {  	s9 =	simm.s32 $0x0;
	[sflag:s6] =	ssyncadd.s32 $0xFFFFD800  }
.LBB2_2:
0xd: {  	p0 =	sne.s32 s9, $0x9FC0  }
.Ltmp0:
0xe: {  	_ = 	snop;
	(pc) =	sbr.rel @p0 .LBB2_2-.Ltmp0, $3  }
0xf: {  	_ =	sdelay $0x1  }
0x10: {  	s10 =	sshra.s32 s9, $0x2  }
0x11: {  	s9 =	sadd.s32 $0x40, s9;
	[tilespmem:s10+$0x2800] =	vst v0  }
0x12: {  	s9 =	simm.s32 $0x0  }
.LBB2_4:
0x13: {  	s10 =	sshra.s32 s9, $0x2  }
0x14: {  	v2 =	vld [tilespmem:s10+$0x0];
	_ =	sdelay $0x7  }
0x15: {  	[tilespmem:v2+s7+$0x0] =	vst.idx.add.f32.msk $0xffff, v1  }
0x16: {  	v2 =	vld [tilespmem:s10+$0x10];
	_ =	sdelay $0x7  }
0x17: {  	[tilespmem:v2+s7+$0x0] =	vst.idx.add.f32.msk $0xffff, v1  }
0x18: {  	v2 =	vld [tilespmem:s10+$0x20];
	_ =	sdelay $0x7  }
0x19: {  	[tilespmem:v2+s7+$0x0] =	vst.idx.add.f32.msk $0xffff, v1  }
0x1a: {  	v2 =	vld [tilespmem:s10+$0x30];
	_ =	sdelay $0x7  }
0x1b: {  	[tilespmem:v2+s7+$0x0] =	vst.idx.add.f32.msk $0xffff, v1  }
0x1c: {  	v2 =	vld [tilespmem:s10+$0x40];
	_ =	sdelay $0x7  }
0x1d: {  	[tilespmem:v2+s7+$0x0] =	vst.idx.add.f32.msk $0xffff, v1  }
0x1e: {  	v2 =	vld [tilespmem:s10+$0x50];
	_ =	sdelay $0x7  }
0x1f: {  	[tilespmem:v2+s7+$0x0] =	vst.idx.add.f32.msk $0xffff, v1  }
0x20: {  	v2 =	vld [tilespmem:s10+$0x60];
	_ =	sdelay $0x7  }
0x21: {  	[tilespmem:v2+s7+$0x0] =	vst.idx.add.f32.msk $0xffff, v1  }
0x22: {  	v2 =	vld [tilespmem:s10+$0x70];
	_ =	sdelay $0x2  }
0x23: {  	p0 =	sne.s32 s9, $0x9E00  }
.Ltmp1:
0x24: {  	_ = 	snop;
	(pc) =	sbr.rel @p0 .LBB2_4-.Ltmp1, $2  }
0x25: {  	_ =	sdelay $0x2  }
0x26: {  	s9 =	sadd.s32 $0x200, s9;
	[tilespmem:v2+s7+$0x0] =	vst.idx.add.f32.msk $0xffff, v1  }
0x27: {  	s8 =	sadd.s32 $0x1, s8  }
0x28: {  	p0 =	sne.s32 s8, s5  }
.Ltmp2:
0x29: {  	_ = 	snop;
	(pc) =	sbr.rel @p0 .LBB2_1-.Ltmp2, $4  }
0x2a: {  	[hbm4b:s4+s2] =	stream.linear.scatter [tilespmem:s7], [sflag:$0x1], $0x2800, $0x38;
	[tilespmem:$0x5000] =	vst v63  }
0x2b: {  	_ =	swait.ge [sflag:s6], $0x2800  }
0x2c: {  	[sflag:s6] =	ssyncset.done $0x0  }
0x2d: {  	[sflag:s6] =	ssyncadd.s32 $0xFFFFD800  }
0x2e: {  	_ =	sfence.sel $0x180000  }
0x2f: {  	[bflag:$0x0] =	sbarrier.arrive $0xFFFF  }
0x30: {  	p0 =	sne.s32 s1, $0x0;
	_ =	strace $0x90000047  }
0x31: {  	s0 =	sadd.s32 @!p0 $0x100000, s0;
	[bflag:$0x2] =	sbarrier.arrive $0xFFFF  }
0x32: {  	[sflag:s0] =	ssyncadd.tile.s32 @!p0 $0x1;
	_ =	shalt  }
.Lfunc_end2:
_tile_overlayer_lowered:
.L_overlay_start_2:
0x33: {  	(tag) =	ssettag $0x2  }
0x34: {  	s0 =	rddreg [dreg:$0x0];
	s2 =	stileid.u32  }
0x35: {  	s1 =	rddreg [dreg:$0x1];
	p0 =	sne.s32 s2, $0x0  }
0x36: {  	s3 =	rddreg [dreg:$0x2];
	[bflag:$0x3] =	sbarrier.arrive $0xFFFF;
	s2 =	simm.s32 @!p0 $0x1C01  }
0x37: {  	[timem:s3], [sflag:s2] =	dma.local @!p0 [hbm:s0], s1  }
0x38: {  	s0 =	simm.s32 @!p0 $0x1  }
0x39: {  	_ =	swait.ge @!p0 [sflag:s0], s1  }
0x3a: {  	s1 =	ssub.s32 @!p0 $0x0, s1;
	[sflag:s0] =	ssyncset.done @!p0 $0x0  }
0x3b: {  	[sflag:s0] =	ssyncadd.s32 @!p0 s1  }
0x3c: {  	[bflag:$0x3] =	sbarrier.arrive $0xFFFF  }
0x3d: {  	_ =	shalt  }

</sc_bundles>
